<compile_context>
chip_gen: v7x
topology: tpu7x:2x2x1
jax: 0.10.2.dev20260603
libtpu: 0.0.44.dev20260713+nightly
codegen_flags: <defaults>
</compile_context>

<pallas_src>
import jax
import jax.numpy as jnp
from jax import lax
from jax.experimental import pallas as pl
from jax.experimental.pallas import tpu as pltpu
from jax.experimental.pallas import tpu_sc as plsc

N = 10000
NPAD = 10240
ROWS_PER_SUB = 640
E_RAW = 320000
E_TOT = E_RAW + N
BLK = 128
BLKA = 64
CHUNKS = 81
CHUNKS_A = 162
NW = 32
E_PAD = NW * CHUNKS * BLK
DUMMY = N

_f32 = jnp.float32
_i32 = jnp.int32


def _mesh():
    return plsc.VectorSubcoreMesh(
        core_axis_name="c", subcore_axis_name="s", num_cores=2, num_subcores=16)


def _iota16():
    return lax.iota(_i32, 16)


def _lane15():
    return lax.iota(_i32, 16) == 15


def _store_scalar(ref, idxs, vec):
    plsc.store_scatter(ref, [jnp.full((16,), i, _i32) for i in idxs], vec,
                       mask=_lane15())


def _l1_body(t1, qidx, dstp, attr, z4, z128,
             dpart, opart,
             cidx, didx, xlr, attv, lbuf, e4, dsh, osh, sg1):
    cid = lax.axis_index("c")
    sid = lax.axis_index("s")
    pltpu.sync_copy(z4, dsh.at[pl.ds(sid * ROWS_PER_SUB, ROWS_PER_SUB), :])
    pltpu.sync_copy(z128, osh.at[pl.ds(sid * ROWS_PER_SUB, ROWS_PER_SUB), :])
    pltpu.sync_copy(attr, attv)
    plsc.subcore_barrier()
    w = cid * 16 + sid
    base_w = w * (CHUNKS_A * BLKA)

    def chunk(c, carry):
        base = base_w + c * BLKA
        pltpu.sync_copy(qidx.at[pl.ds(base * 2, 2 * BLKA)], cidx)
        pltpu.sync_copy(dstp.at[pl.ds(base, BLKA)], didx)
        pltpu.async_copy(t1.at[cidx], xlr, sg1).wait()
        o = 0

        def edge(e, carry2):
            for h in range(4):
                j0, j1 = 2 * h, 2 * h + 1
                u0 = xlr[o + e, pl.ds(j0 * 16, 16)] + xlr[o + BLKA + e, pl.ds(j0 * 16, 16)]
                u1 = xlr[o + e, pl.ds(j1 * 16, 16)] + xlr[o + BLKA + e, pl.ds(j1 * 16, 16)]
                t = (jnp.maximum(u0, 0.2 * u0) * attv[j0, :]
                     + jnp.maximum(u1, 0.2 * u1) * attv[j1, :])
                _store_scalar(lbuf, (h, e), plsc.cumsum(t))
            return carry2

        lax.fori_loop(0, BLKA, edge, 0, unroll=4)
        for g in range(BLKA // 16):
            eids = g * 16 + _iota16()
            for h in range(4):
                ev = jnp.exp(lbuf[h, pl.ds(g * 16, 16)])
                plsc.store_scatter(e4, [eids, jnp.full((16,), h, _i32)], ev)

        def edge2(e, carry2):
            ee = jnp.full((16,), e, _i32)
            for h in range(4):
                av = plsc.load_gather(e4, [ee, jnp.full((16,), h, _i32)])
                for j in (2 * h, 2 * h + 1):
                    xlr[o + e, pl.ds(j * 16, 16)] = xlr[o + e, pl.ds(j * 16, 16)] * av
            return carry2

        lax.fori_loop(0, BLKA, edge2, 0, unroll=4)
        c1 = pltpu.async_copy(e4, dsh.at[didx], sg1, add=True)
        c2 = pltpu.async_copy(xlr.at[pl.ds(0, BLKA), :], osh.at[didx], sg1, add=True)
        c1.wait()
        c2.wait()
        return carry

    lax.fori_loop(0, CHUNKS_A, chunk, 0)
    plsc.subcore_barrier()
    pltpu.sync_copy(dsh.at[pl.ds(sid * ROWS_PER_SUB, ROWS_PER_SUB), :],
                    dpart.at[cid, pl.ds(sid * ROWS_PER_SUB, ROWS_PER_SUB), :])
    pltpu.sync_copy(osh.at[pl.ds(sid * ROWS_PER_SUB, ROWS_PER_SUB), :],
                    opart.at[cid, pl.ds(sid * ROWS_PER_SUB, ROWS_PER_SUB), :])


def _l1_call(t1, qidx, dstp, attr, z4, z128):
    f = pl.kernel(
        _l1_body,
        out_type=[jax.ShapeDtypeStruct((2, NPAD, 4), _f32),
                  jax.ShapeDtypeStruct((2, NPAD, 128), _f32)],
        mesh=_mesh(),
        compiler_params=pltpu.CompilerParams(needs_layout_passes=False),
        scratch_types=[
            pltpu.VMEM((2 * BLKA,), _i32), pltpu.VMEM((BLKA,), _i32),
            pltpu.VMEM((2 * BLKA, 128), _f32),
            pltpu.VMEM((8, 16), _f32), pltpu.VMEM((4, BLKA), _f32),
            pltpu.VMEM((BLKA, 4), _f32),
            pltpu.VMEM_SHARED((NPAD, 4), _f32),
            pltpu.VMEM_SHARED((NPAD, 128), _f32),
            pltpu.SemaphoreType.DMA,
        ],
    )
    return f(t1, qidx, dstp, attr, z4, z128)


def _l2_body(t2, qidx, dstp, att2f, z4, z16r,
             dpart, opart,
             cidx, didx, xlr, rows16, attv, lbuf, e4, dsh, osh, sg1):
    cid = lax.axis_index("c")
    sid = lax.axis_index("s")
    pltpu.sync_copy(z4, dsh.at[pl.ds(sid * ROWS_PER_SUB, ROWS_PER_SUB), :])
    pltpu.sync_copy(z16r, osh.at[pl.ds(sid * ROWS_PER_SUB, ROWS_PER_SUB), :])
    pltpu.sync_copy(att2f, attv)
    z16 = jnp.zeros((16,), _f32)
    for g in range(BLKA // 16):
        eids = g * 16 + _iota16()
        for h in range(1, 4):
            plsc.store_scatter(e4, [eids, jnp.full((16,), h, _i32)], z16)
    plsc.subcore_barrier()
    w = cid * 16 + sid
    base_w = w * (CHUNKS_A * BLKA)

    def chunk(c, carry):
        base = base_w + c * BLKA
        pltpu.sync_copy(qidx.at[pl.ds(base * 2, 2 * BLKA)], cidx)
        pltpu.sync_copy(dstp.at[pl.ds(base, BLKA)], didx)
        pltpu.async_copy(t2.at[cidx], xlr, sg1).wait()
        o = 0
        a2 = attv[...]

        def edge(e, carry2):
            u = xlr[o + e, pl.ds(0, 16)] + xlr[o + BLKA + e, pl.ds(0, 16)]
            t = jnp.maximum(u, 0.2 * u) * a2
            _store_scalar(lbuf, (e,), plsc.cumsum(t))
            return carry2

        lax.fori_loop(0, BLKA, edge, 0, unroll=4)
        z0 = jnp.zeros((16,), _i32)
        for g in range(BLKA // 16):
            ev = jnp.exp(lbuf[pl.ds(g * 16, 16)])
            plsc.store_scatter(e4, [g * 16 + _iota16(), z0], ev)

        def edge2(e, carry2):
            av = plsc.load_gather(e4, [jnp.full((16,), e, _i32),
                                       jnp.zeros((16,), _i32)])
            rows16[e, :] = xlr[o + e, pl.ds(0, 16)] * av
            return carry2

        lax.fori_loop(0, BLKA, edge2, 0, unroll=4)
        c1 = pltpu.async_copy(e4, dsh.at[didx], sg1, add=True)
        c2 = pltpu.async_copy(rows16, osh.at[didx], sg1, add=True)
        c1.wait()
        c2.wait()
        return carry

    lax.fori_loop(0, CHUNKS_A, chunk, 0)
    plsc.subcore_barrier()
    pltpu.sync_copy(dsh.at[pl.ds(sid * ROWS_PER_SUB, ROWS_PER_SUB), :],
                    dpart.at[cid, pl.ds(sid * ROWS_PER_SUB, ROWS_PER_SUB), :])
    pltpu.sync_copy(osh.at[pl.ds(sid * ROWS_PER_SUB, ROWS_PER_SUB), :],
                    opart.at[cid, pl.ds(sid * ROWS_PER_SUB, ROWS_PER_SUB), :])


def _l2_call(t2, qidx, dstp, att2f, z4, z16r):
    f = pl.kernel(
        _l2_body,
        out_type=[jax.ShapeDtypeStruct((2, NPAD, 4), _f32),
                  jax.ShapeDtypeStruct((2, NPAD, 16), _f32)],
        mesh=_mesh(),
        compiler_params=pltpu.CompilerParams(needs_layout_passes=False),
        scratch_types=[
            pltpu.VMEM((2 * BLKA,), _i32), pltpu.VMEM((BLKA,), _i32),
            pltpu.VMEM((2 * BLKA, 128), _f32), pltpu.VMEM((BLKA, 16), _f32),
            pltpu.VMEM((16,), _f32), pltpu.VMEM((BLKA,), _f32),
            pltpu.VMEM((BLKA, 4), _f32),
            pltpu.VMEM_SHARED((NPAD, 4), _f32),
            pltpu.VMEM_SHARED((NPAD, 16), _f32),
            pltpu.SemaphoreType.DMA,
        ],
    )
    return f(t2, qidx, dstp, att2f, z4, z16r)


def _mm1_k(x_ref, wl_ref, wr_ref, t_ref):
    xb = x_ref[...]
    t_ref[0] = jnp.dot(xb, wl_ref[...], preferred_element_type=_f32)
    t_ref[1] = jnp.dot(xb, wr_ref[...], preferred_element_type=_f32)


def _mm1(xpad, Wl1, Wr1):
    return pl.pallas_call(
        _mm1_k,
        grid=(20,),
        in_specs=[pl.BlockSpec((512, 128), lambda i: (i, 0)),
                  pl.BlockSpec((128, 128), lambda i: (0, 0)),
                  pl.BlockSpec((128, 128), lambda i: (0, 0))],
        out_specs=[pl.BlockSpec((2, 512, 128), lambda i: (0, i, 0))],
        out_shape=[jax.ShapeDtypeStruct((2, NPAD, 128), _f32)],
    )(xpad, Wl1, Wr1)[0]


def _mm2_k(op_ref, dp_ref, b1_ref, wl_ref, wr_ref, t_ref):
    i = pl.program_id(0)
    p = op_ref[0] + op_ref[1]
    den = dp_ref[0] + dp_ref[1]
    cols = []
    for h in range(4):
        cols.append(p[:, h * 32:(h + 1) * 32] / den[:, h:h + 1])
    p = jnp.concatenate(cols, axis=1) + b1_ref[...]
    rows = i * 512 + lax.broadcasted_iota(_i32, (512, 128), 0)
    hmat = jnp.where(rows < N, jnp.tanh(p), 0.0)
    t_ref[0] = jnp.dot(hmat, wl_ref[...], preferred_element_type=_f32)
    t_ref[1] = jnp.dot(hmat, wr_ref[...], preferred_element_type=_f32)


def _mm2(opart, dpart, b1, Wl2p, Wr2p):
    return pl.pallas_call(
        _mm2_k,
        grid=(20,),
        in_specs=[pl.BlockSpec((2, 512, 128), lambda i: (0, i, 0)),
                  pl.BlockSpec((2, 512, 4), lambda i: (0, i, 0)),
                  pl.BlockSpec((1, 128), lambda i: (0, 0)),
                  pl.BlockSpec((128, 128), lambda i: (0, 0)),
                  pl.BlockSpec((128, 128), lambda i: (0, 0))],
        out_specs=[pl.BlockSpec((2, 512, 128), lambda i: (0, i, 0))],
        out_shape=[jax.ShapeDtypeStruct((2, NPAD, 128), _f32)],
    )(opart, dpart, b1.reshape(1, 128), Wl2p, Wr2p)[0]


def _fin_k(op_ref, dp_ref, b2_ref, out_ref, ls_ref):
    den = dp_ref[0] + dp_ref[1]
    p = (op_ref[0] + op_ref[1]) / den[:, 0:1] + b2_ref[...]
    out_ref[...] = p
    m = jnp.max(p, axis=1, keepdims=True)
    s = jnp.log(jnp.sum(jnp.exp(p - m), axis=1, keepdims=True))
    ls_ref[...] = p - m - s


def _final(opart2, dpart2, b2):
    return pl.pallas_call(
        _fin_k,
        grid=(20,),
        in_specs=[pl.BlockSpec((2, 512, 16), lambda i: (0, i, 0)),
                  pl.BlockSpec((2, 512, 4), lambda i: (0, i, 0)),
                  pl.BlockSpec((1, 16), lambda i: (0, 0))],
        out_specs=[pl.BlockSpec((512, 16), lambda i: (i, 0)),
                   pl.BlockSpec((512, 16), lambda i: (i, 0))],
        out_shape=[jax.ShapeDtypeStruct((NPAD, 16), _f32),
                   jax.ShapeDtypeStruct((NPAD, 16), _f32)],
    )(opart2, dpart2, b2.reshape(1, 16))


def kernel(x, edge_index, Wl1, Wr1, att1, b1, Wl2, Wr2, att2, b2):
    xpad = jnp.zeros((NPAD, 128), _f32).at[:N].set(x)
    loop = jnp.arange(N, dtype=_i32)
    pad = jnp.full((E_PAD - E_TOT,), DUMMY, _i32)
    srcp = jnp.concatenate([edge_index[0].astype(_i32), loop, pad])
    dstp = jnp.concatenate([edge_index[1].astype(_i32), loop, pad])
    qidx = jnp.concatenate([srcp.reshape(-1, BLKA),
                            dstp.reshape(-1, BLKA) + NPAD], axis=1).reshape(-1)
    z4 = jnp.zeros((ROWS_PER_SUB, 4), _f32)
    z128 = jnp.zeros((ROWS_PER_SUB, 128), _f32)
    z16r = jnp.zeros((ROWS_PER_SUB, 16), _f32)
    att1r = att1.reshape(8, 16)
    att2f = att2.reshape(16)
    Wl2p = jnp.zeros((128, 128), _f32).at[:, :16].set(Wl2)
    Wr2p = jnp.zeros((128, 128), _f32).at[:, :16].set(Wr2)
    t1 = _mm1(xpad, Wl1, Wr1).reshape(2 * NPAD, 128)
    dpart1, opart1 = _l1_call(t1, qidx, dstp, att1r, z4, z128)
    t2 = _mm2(opart1, dpart1, b1, Wl2p, Wr2p).reshape(2 * NPAD, 128)
    dpart2, opart2 = _l2_call(t2, qidx, dstp, att2f, z4, z16r)
    out, ls = _final(opart2, dpart2, b2)
    return (out[:N], ls[:N])

# --- scband reference (transcript-rebuilt; emitter-appended) ---
"""Pipeline reference for scband-qgat-28424093565783 (READ-ONLY COPY).

The authoritative reference and input builder live on the scoring server;
editing this copy changes nothing except your own understanding.
"""

import jax, jax.numpy as jnp
import numpy as np


def gatv2_layer(x, src, dst, Wl, Wr, att, bias, concat):
    # Faithful GATv2Conv (PyG semantics): x_l = lin_l(x) for source nodes,
    # x_r = lin_r(x) for target nodes; e_ij = att . leaky_relu(x_l[j] + x_r[i]);
    # alpha = softmax over incoming edges of node i; out_i = sum_j alpha_ij * x_l[j] + bias
    N = x.shape[0]
    H, C = att.shape
    xl = (x @ Wl).reshape(N, H, C)
    xr = (x @ Wr).reshape(N, H, C)
    e = jax.nn.leaky_relu(xl[src] + xr[dst], negative_slope=0.2)  # [E, H, C]
    logits = (e * att[None, :, :]).sum(-1)  # [E, H]
    amax = jax.ops.segment_max(logits, dst, num_segments=N)
    amax = jnp.where(jnp.isfinite(amax), amax, 0.0)
    expv = jnp.exp(logits - amax[dst])
    denom = jax.ops.segment_sum(expv, dst, num_segments=N)
    alpha = expv / (denom[dst] + 1e-16)
    out = jax.ops.segment_sum(xl[src] * alpha[..., None], dst, num_segments=N)  # [N, H, C]
    if concat:
        out = out.reshape(N, H * C)
    else:
        out = out.mean(axis=1)
    return out + bias


def setup_inputs(seed: int = 0):
    key = jax.random.key(seed)
    ks = jax.random.split(key, 12)
    N, E = 10000, 320000
    in_dim, h_dim, out_dim, heads = 128, 32, 16, 4
    s = 0.1
    x = jax.random.normal(ks[0], (N, in_dim), dtype=jnp.float32)
    edge_index = jax.random.randint(ks[1], (2, E), 0, N, dtype=jnp.int32)
    Wl1 = jax.random.normal(ks[2], (in_dim, heads * h_dim), dtype=jnp.float32) * s
    Wr1 = jax.random.normal(ks[3], (in_dim, heads * h_dim), dtype=jnp.float32) * s
    att1 = jax.random.normal(ks[4], (heads, h_dim), dtype=jnp.float32) * s
    b1 = jnp.zeros((heads * h_dim,), dtype=jnp.float32)
    Wl2 = jax.random.normal(ks[5], (heads * h_dim, out_dim), dtype=jnp.float32) * s
    Wr2 = jax.random.normal(ks[6], (heads * h_dim, out_dim), dtype=jnp.float32) * s
    att2 = jax.random.normal(ks[7], (1, out_dim), dtype=jnp.float32) * s
    b2 = jnp.zeros((out_dim,), dtype=jnp.float32)
    return {"x": x, "edge_index": edge_index, "Wl1": Wl1, "Wr1": Wr1,
            "att1": att1, "b1": b1, "Wl2": Wl2, "Wr2": Wr2, "att2": att2, "b2": b2}


def reference(x, edge_index, Wl1, Wr1, att1, b1, Wl2, Wr2, att2, b2):
    N = x.shape[0]
    # PyG GATv2Conv adds self-loops by default
    loop = jnp.arange(N, dtype=edge_index.dtype)
    src = jnp.concatenate([edge_index[0], loop])
    dst = jnp.concatenate([edge_index[1], loop])
    h = jnp.tanh(gatv2_layer(x, src, dst, Wl1, Wr1, att1, b1, concat=True))
    out = gatv2_layer(h, src, dst, Wl2, Wr2, att2, b2, concat=False)
    return (out, jax.nn.log_softmax(out, axis=1))

if __name__ == "__main__":
    import jax
    _d = setup_inputs()
    print(jax.jit(kernel)(*tuple(_d.values())))

</pallas_src>

<mosaic_0001>
#map = affine_map<(d0, d1) -> (0, 0)>
#map1 = affine_map<(d0, d1) -> (0)>
#map2 = affine_map<(d0, d1) -> (0, 0, 0)>
module attributes {stable_mosaic.version = 14 : i64} {
  func.func @_l1_body(%arg0: i32, %arg1: i32, %arg2: memref<20480x128xf32, #tpu.memory_space<hbm>>, %arg3: memref<663552xi32, #tpu.memory_space<hbm>>, %arg4: memref<331776xi32, #tpu.memory_space<hbm>>, %arg5: memref<8x16xf32, #tpu.memory_space<hbm>>, %arg6: memref<640x4xf32, #tpu.memory_space<hbm>>, %arg7: memref<640x128xf32, #tpu.memory_space<hbm>>, %arg8: memref<2x10240x4xf32, #tpu.memory_space<hbm>>, %arg9: memref<2x10240x128xf32, #tpu.memory_space<hbm>>, %arg10: memref<128xi32, #tpu.memory_space<vmem>>, %arg11: memref<64xi32, #tpu.memory_space<vmem>>, %arg12: memref<128x128xf32, #tpu.memory_space<vmem>>, %arg13: memref<8x16xf32, #tpu.memory_space<vmem>>, %arg14: memref<4x64xf32, #tpu.memory_space<vmem>>, %arg15: memref<64x4xf32, #tpu.memory_space<vmem>>, %arg16: memref<10240x4xf32, #tpu.memory_space<vmem_shared>>, %arg17: memref<10240x128xf32, #tpu.memory_space<vmem_shared>>, %arg18: memref<!tpu.dma_semaphore, #tpu.memory_space<semaphore_mem>>) attributes {dimension_semantics = [#tpu.dimension_semantics<core_parallel>, #tpu.dimension_semantics<subcore_parallel>], iteration_bounds = array<i64: 2, 16>, scalar_prefetch = 0 : i64, scratch_operands = 9 : i64, tpu.core_type = #tpu.core_type<sc_vector_subcore>, window_params = [{transform_indices = #map}, {transform_indices = #map1}, {transform_indices = #map1}, {transform_indices = #map}, {transform_indices = #map}, {transform_indices = #map}, {transform_indices = #map2}, {transform_indices = #map2}]} {
    %mul3A = arith.constant 640 : i32
    %mul3A_0 = arith.muli %arg1, %mul3A : i32
    "tpu.region"() ({
      %run_scoped3A = tpu.sem_alloc : memref<!tpu.dma_semaphore, #tpu.memory_space<semaphore_mem>>
      %dma_start3A = arith.constant 0 : i32
      %dma_start3A_21 = tpu.memref_slice %arg16[%mul3A_0, %dma_start3A] : memref<10240x4xf32, #tpu.memory_space<vmem_shared>> -> memref<640x4xf32, #tpu.memory_space<vmem_shared>>
      tpu.enqueue_dma source(%arg6 : memref<640x4xf32, #tpu.memory_space<hbm>>) target(%dma_start3A_21 : memref<640x4xf32, #tpu.memory_space<vmem_shared>>) target_semaphore(%run_scoped3A : memref<!tpu.dma_semaphore, #tpu.memory_space<semaphore_mem>>)
      %dma_wait3A = arith.constant 0 : i32
      %dma_wait3A_22 = tpu.memref_slice %arg16[%mul3A_0, %dma_wait3A] : memref<10240x4xf32, #tpu.memory_space<vmem_shared>> -> memref<640x4xf32, #tpu.memory_space<vmem_shared>>
      tpu.wait_dma2 semaphore(%run_scoped3A : memref<!tpu.dma_semaphore, #tpu.memory_space<semaphore_mem>>) src(%arg6 : memref<640x4xf32, #tpu.memory_space<hbm>>) dst(%dma_wait3A_22 : memref<640x4xf32, #tpu.memory_space<vmem_shared>>)
      tpu.yield
    }) : () -> ()
    %mul3A_1 = arith.constant 640 : i32
    %mul3A_2 = arith.muli %arg1, %mul3A_1 : i32
    "tpu.region"() ({
      %run_scoped3A = tpu.sem_alloc : memref<!tpu.dma_semaphore, #tpu.memory_space<semaphore_mem>>
      %dma_start3A = arith.constant 0 : i32
      %dma_start3A_21 = tpu.memref_slice %arg17[%mul3A_2, %dma_start3A] : memref<10240x128xf32, #tpu.memory_space<vmem_shared>> -> memref<640x128xf32, #tpu.memory_space<vmem_shared>>
      tpu.enqueue_dma source(%arg7 : memref<640x128xf32, #tpu.memory_space<hbm>>) target(%dma_start3A_21 : memref<640x128xf32, #tpu.memory_space<vmem_shared>>) target_semaphore(%run_scoped3A : memref<!tpu.dma_semaphore, #tpu.memory_space<semaphore_mem>>)
      %dma_wait3A = arith.constant 0 : i32
      %dma_wait3A_22 = tpu.memref_slice %arg17[%mul3A_2, %dma_wait3A] : memref<10240x128xf32, #tpu.memory_space<vmem_shared>> -> memref<640x128xf32, #tpu.memory_space<vmem_shared>>
      tpu.wait_dma2 semaphore(%run_scoped3A : memref<!tpu.dma_semaphore, #tpu.memory_space<semaphore_mem>>) src(%arg7 : memref<640x128xf32, #tpu.memory_space<hbm>>) dst(%dma_wait3A_22 : memref<640x128xf32, #tpu.memory_space<vmem_shared>>)
      tpu.yield
    }) : () -> ()
    "tpu.region"() ({
      %run_scoped3A = tpu.sem_alloc : memref<!tpu.dma_semaphore, #tpu.memory_space<semaphore_mem>>
      tpu.enqueue_dma source(%arg5 : memref<8x16xf32, #tpu.memory_space<hbm>>) target(%arg13 : memref<8x16xf32, #tpu.memory_space<vmem>>) target_semaphore(%run_scoped3A : memref<!tpu.dma_semaphore, #tpu.memory_space<semaphore_mem>>)
      tpu.wait_dma2 semaphore(%run_scoped3A : memref<!tpu.dma_semaphore, #tpu.memory_space<semaphore_mem>>) src(%arg5 : memref<8x16xf32, #tpu.memory_space<hbm>>) dst(%arg13 : memref<8x16xf32, #tpu.memory_space<vmem>>)
      tpu.yield
    }) : () -> ()
    %barrier3A = arith.constant 0 : index
    tpu.barrier barrier_id(%barrier3A)
    %mul3A_3 = arith.constant 16 : i32
    %mul3A_4 = arith.muli %arg0, %mul3A_3 : i32
    %add3A = arith.addi %mul3A_4, %arg1 : i32
    %mul3A_5 = arith.constant 10368 : i32
    %mul3A_6 = arith.muli %add3A, %mul3A_5 : i32
    %scan3A = arith.constant 0 : i32
    %scan3A_7 = arith.constant 0 : i32
    %scan3A_8 = arith.constant 162 : i32
    %scan3A_9 = arith.addi %scan3A_7, %scan3A_8 : i32
    %scan3A_10 = arith.constant 1 : i32
    scf.for %scan3A_21 = %scan3A_7 to %scan3A_9 step %scan3A_10  : i32 {
      %mul3A_22 = arith.constant 64 : i32
      %mul3A_23 = arith.muli %scan3A_21, %mul3A_22 : i32
      %add3A_24 = arith.addi %mul3A_6, %mul3A_23 : i32
      %mul3A_25 = arith.constant 2 : i32
      %mul3A_26 = arith.muli %add3A_24, %mul3A_25 : i32
      "tpu.region"() ({
        %run_scoped3A = tpu.sem_alloc : memref<!tpu.dma_semaphore, #tpu.memory_space<semaphore_mem>>
        %dma_start3A_185 = tpu.memref_slice %arg3[%mul3A_26] : memref<663552xi32, #tpu.memory_space<hbm>> -> memref<128xi32, #tpu.memory_space<hbm>>
        %dma_start3A_186 = tpu.memref_slice %arg3[%mul3A_26] : memref<663552xi32, #tpu.memory_space<hbm>> -> memref<128xi32, #tpu.memory_space<hbm>>
        tpu.enqueue_dma source(%dma_start3A_186 : memref<128xi32, #tpu.memory_space<hbm>>) target(%arg10 : memref<128xi32, #tpu.memory_space<vmem>>) target_semaphore(%run_scoped3A : memref<!tpu.dma_semaphore, #tpu.memory_space<semaphore_mem>>)
        %dma_wait3A_187 = tpu.memref_slice %arg3[%mul3A_26] : memref<663552xi32, #tpu.memory_space<hbm>> -> memref<128xi32, #tpu.memory_space<hbm>>
        %dma_wait3A_188 = tpu.memref_slice %arg3[%mul3A_26] : memref<663552xi32, #tpu.memory_space<hbm>> -> memref<128xi32, #tpu.memory_space<hbm>>
        tpu.wait_dma2 semaphore(%run_scoped3A : memref<!tpu.dma_semaphore, #tpu.memory_space<semaphore_mem>>) src(%dma_wait3A_188 : memref<128xi32, #tpu.memory_space<hbm>>) dst(%arg10 : memref<128xi32, #tpu.memory_space<vmem>>)
        tpu.yield
      }) : () -> ()
      "tpu.region"() ({
        %run_scoped3A = tpu.sem_alloc : memref<!tpu.dma_semaphore, #tpu.memory_space<semaphore_mem>>
        %dma_start3A_185 = tpu.memref_slice %arg4[%add3A_24] : memref<331776xi32, #tpu.memory_space<hbm>> -> memref<64xi32, #tpu.memory_space<hbm>>
        %dma_start3A_186 = tpu.memref_slice %arg4[%add3A_24] : memref<331776xi32, #tpu.memory_space<hbm>> -> memref<64xi32, #tpu.memory_space<hbm>>
        tpu.enqueue_dma source(%dma_start3A_186 : memref<64xi32, #tpu.memory_space<hbm>>) target(%arg11 : memref<64xi32, #tpu.memory_space<vmem>>) target_semaphore(%run_scoped3A : memref<!tpu.dma_semaphore, #tpu.memory_space<semaphore_mem>>)
        %dma_wait3A_187 = tpu.memref_slice %arg4[%add3A_24] : memref<331776xi32, #tpu.memory_space<hbm>> -> memref<64xi32, #tpu.memory_space<hbm>>
        %dma_wait3A_188 = tpu.memref_slice %arg4[%add3A_24] : memref<331776xi32, #tpu.memory_space<hbm>> -> memref<64xi32, #tpu.memory_space<hbm>>
        tpu.wait_dma2 semaphore(%run_scoped3A : memref<!tpu.dma_semaphore, #tpu.memory_space<semaphore_mem>>) src(%dma_wait3A_188 : memref<64xi32, #tpu.memory_space<hbm>>) dst(%arg11 : memref<64xi32, #tpu.memory_space<vmem>>)
        tpu.yield
      }) : () -> ()
      %dma_start3A = arith.constant 0 : i32
      %dma_start3A_27 = arith.constant 0 : i32
      %dma_start3A_28 = tpu.memref_slice %arg2[%dma_start3A, %dma_start3A_27] : memref<20480x128xf32, #tpu.memory_space<hbm>> -> memref<20480x128xf32, #tpu.memory_space<hbm>>
      tpu.enqueue_indirect_dma source(%dma_start3A_28 : memref<20480x128xf32, #tpu.memory_space<hbm>>) target(%arg12 : memref<128x128xf32, #tpu.memory_space<vmem>>) offsets(%arg10 : memref<128xi32, #tpu.memory_space<vmem>>) semaphore(%arg18 : memref<!tpu.dma_semaphore, #tpu.memory_space<semaphore_mem>>)
      %dma_wait3A = arith.constant 0 : i32
      %dma_wait3A_29 = arith.constant 0 : i32
      %dma_wait3A_30 = tpu.memref_slice %arg2[%dma_wait3A, %dma_wait3A_29] : memref<20480x128xf32, #tpu.memory_space<hbm>> -> memref<20480x128xf32, #tpu.memory_space<hbm>>
      tpu.wait_indirect_dma semaphore(%arg18 : memref<!tpu.dma_semaphore, #tpu.memory_space<semaphore_mem>>) src(%dma_wait3A_30 : memref<20480x128xf32, #tpu.memory_space<hbm>>) dst(%arg12 : memref<128x128xf32, #tpu.memory_space<vmem>>)
      %scan3A_31 = arith.constant 0 : i32
      %scan3A_32 = arith.constant 0 : i32
      %scan3A_33 = arith.constant 64 : i32
      %scan3A_34 = arith.addi %scan3A_32, %scan3A_33 : i32
      %scan3A_35 = arith.constant 4 : i32
      scf.for %scan3A_185 = %scan3A_32 to %scan3A_34 step %scan3A_35  : i32 {
        %add3A_186 = arith.constant 0 : i32
        %add3A_187 = arith.addi %add3A_186, %scan3A_185 : i32
        %get3A_188 = arith.index_cast %add3A_187 : i32 to index
        %get3A_189 = arith.constant 0 : index
        %get3A_190 = tpu.vector_load %arg12[%get3A_188, %get3A_189] {strides = array<i32>} : memref<128x128xf32, #tpu.memory_space<vmem>>, vector<16xf32>,
        %add3A_191 = arith.constant 64 : i32
        %add3A_192 = arith.addi %add3A_191, %scan3A_185 : i32
        %get3A_193 = arith.index_cast %add3A_192 : i32 to index
        %get3A_194 = arith.constant 0 : index
        %get3A_195 = tpu.vector_load %arg12[%get3A_193, %get3A_194] {strides = array<i32>} : memref<128x128xf32, #tpu.memory_space<vmem>>, vector<16xf32>,
        %add3A_196 = arith.addf %get3A_190, %get3A_195 : vector<16xf32>
        %add3A_197 = arith.constant 0 : i32
        %add3A_198 = arith.addi %add3A_197, %scan3A_185 : i32
        %get3A_199 = arith.index_cast %add3A_198 : i32 to index
        %get3A_200 = arith.constant 16 : index
        %get3A_201 = tpu.vector_load %arg12[%get3A_199, %get3A_200] {strides = array<i32>} : memref<128x128xf32, #tpu.memory_space<vmem>>, vector<16xf32>,
        %add3A_202 = arith.constant 64 : i32
        %add3A_203 = arith.addi %add3A_202, %scan3A_185 : i32
        %get3A_204 = arith.index_cast %add3A_203 : i32 to index
        %get3A_205 = arith.constant 16 : index
        %get3A_206 = tpu.vector_load %arg12[%get3A_204, %get3A_205] {strides = array<i32>} : memref<128x128xf32, #tpu.memory_space<vmem>>, vector<16xf32>,
        %add3A_207 = arith.addf %get3A_201, %get3A_206 : vector<16xf32>
        %mul3A_208 = arith.constant 2.000000e-01 : f32
        %mul3A_209 = vector.broadcast %mul3A_208 : f32 to vector<16xf32>
        %mul3A_210 = arith.mulf %mul3A_209, %add3A_196 : vector<16xf32>
        %max3A = arith.maximumf %add3A_196, %mul3A_210 : vector<16xf32>
        %get3A_211 = arith.constant 0 : i32
        %get3A_212 = arith.index_cast %get3A_211 : i32 to index
        %get3A_213 = arith.constant 0 : index
        %get3A_214 = tpu.vector_load %arg13[%get3A_212, %get3A_213] {strides = array<i32>} : memref<8x16xf32, #tpu.memory_space<vmem>>, vector<16xf32>,
        %mul3A_215 = arith.mulf %max3A, %get3A_214 : vector<16xf32>
        %mul3A_216 = arith.constant 2.000000e-01 : f32
        %mul3A_217 = vector.broadcast %mul3A_216 : f32 to vector<16xf32>
        %mul3A_218 = arith.mulf %mul3A_217, %add3A_207 : vector<16xf32>
        %max3A_219 = arith.maximumf %add3A_207, %mul3A_218 : vector<16xf32>
        %get3A_220 = arith.constant 1 : i32
        %get3A_221 = arith.index_cast %get3A_220 : i32 to index
        %get3A_222 = arith.constant 0 : index
        %get3A_223 = tpu.vector_load %arg13[%get3A_221, %get3A_222] {strides = array<i32>} : memref<8x16xf32, #tpu.memory_space<vmem>>, vector<16xf32>,
        %mul3A_224 = arith.mulf %max3A_219, %get3A_223 : vector<16xf32>
        %add3A_225 = arith.addf %mul3A_215, %mul3A_224 : vector<16xf32>
        %broadcast_in_dim3A_226 = arith.constant true
        %broadcast_in_dim3A_227 = vector.broadcast %broadcast_in_dim3A_226 : i1 to vector<16xi1>
        %masked_cumsum3A = tpu.scan <sum>, %add3A_225 masked %broadcast_in_dim3A_227 : vector<16xf32>, vector<16xi1> -> vector<16xf32>
        %broadcast_in_dim3A_228 = arith.constant 0 : i32
        %broadcast_in_dim3A_229 = vector.broadcast %broadcast_in_dim3A_228 : i32 to vector<16xi32>
        %broadcast_in_dim3A_230 = vector.broadcast %scan3A_185 : i32 to vector<16xi32>
        %iota3A_231 = tpu.iota {dimensions = array<i32: 0>} : vector<16xi32>
        %eq3A = arith.constant 15 : i32
        %eq3A_232 = vector.broadcast %eq3A : i32 to vector<16xi32>
        %eq3A_233 = arith.cmpi eq, %iota3A_231, %eq3A_232 : vector<16xi32>
        tpu.vector_store_idx %arg14[%broadcast_in_dim3A_229, %broadcast_in_dim3A_230], %masked_cumsum3A masked %eq3A_233 : memref<4x64xf32, #tpu.memory_space<vmem>>[vector<16xi32>, vector<16xi32>], vector<16xf32>, vector<16xi1>
        %add3A_234 = arith.constant 0 : i32
        %add3A_235 = arith.addi %add3A_234, %scan3A_185 : i32
        %get3A_236 = arith.index_cast %add3A_235 : i32 to index
        %get3A_237 = arith.constant 32 : index
        %get3A_238 = tpu.vector_load %arg12[%get3A_236, %get3A_237] {strides = array<i32>} : memref<128x128xf32, #tpu.memory_space<vmem>>, vector<16xf32>,
        %add3A_239 = arith.constant 64 : i32
        %add3A_240 = arith.addi %add3A_239, %scan3A_185 : i32
        %get3A_241 = arith.index_cast %add3A_240 : i32 to index
        %get3A_242 = arith.constant 32 : index
        %get3A_243 = tpu.vector_load %arg12[%get3A_241, %get3A_242] {strides = array<i32>} : memref<128x128xf32, #tpu.memory_space<vmem>>, vector<16xf32>,
        %add3A_244 = arith.addf %get3A_238, %get3A_243 : vector<16xf32>
        %add3A_245 = arith.constant 0 : i32
        %add3A_246 = arith.addi %add3A_245, %scan3A_185 : i32
        %get3A_247 = arith.index_cast %add3A_246 : i32 to index
        %get3A_248 = arith.constant 48 : index
        %get3A_249 = tpu.vector_load %arg12[%get3A_247, %get3A_248] {strides = array<i32>} : memref<128x128xf32, #tpu.memory_space<vmem>>, vector<16xf32>,
        %add3A_250 = arith.constant 64 : i32
        %add3A_251 = arith.addi %add3A_250, %scan3A_185 : i32
        %get3A_252 = arith.index_cast %add3A_251 : i32 to index
        %get3A_253 = arith.constant 48 : index
        %get3A_254 = tpu.vector_load %arg12[%get3A_252, %get3A_253] {strides = array<i32>} : memref<128x128xf32, #tpu.memory_space<vmem>>, vector<16xf32>,
        %add3A_255 = arith.addf %get3A_249, %get3A_254 : vector<16xf32>
        %mul3A_256 = arith.constant 2.000000e-01 : f32
        %mul3A_257 = vector.broadcast %mul3A_256 : f32 to vector<16xf32>
        %mul3A_258 = arith.mulf %mul3A_257, %add3A_244 : vector<16xf32>
        %max3A_259 = arith.maximumf %add3A_244, %mul3A_258 : vector<16xf32>
        %get3A_260 = arith.constant 2 : i32
        %get3A_261 = arith.index_cast %get3A_260 : i32 to index
        %get3A_262 = arith.constant 0 : index
        %get3A_263 = tpu.vector_load %arg13[%get3A_261, %get3A_262] {strides = array<i32>} : memref<8x16xf32, #tpu.memory_space<vmem>>, vector<16xf32>,
        %mul3A_264 = arith.mulf %max3A_259, %get3A_263 : vector<16xf32>
        %mul3A_265 = arith.constant 2.000000e-01 : f32
        %mul3A_266 = vector.broadcast %mul3A_265 : f32 to vector<16xf32>
        %mul3A_267 = arith.mulf %mul3A_266, %add3A_255 : vector<16xf32>
        %max3A_268 = arith.maximumf %add3A_255, %mul3A_267 : vector<16xf32>
        %get3A_269 = arith.constant 3 : i32
        %get3A_270 = arith.index_cast %get3A_269 : i32 to index
        %get3A_271 = arith.constant 0 : index
        %get3A_272 = tpu.vector_load %arg13[%get3A_270, %get3A_271] {strides = array<i32>} : memref<8x16xf32, #tpu.memory_space<vmem>>, vector<16xf32>,
        %mul3A_273 = arith.mulf %max3A_268, %get3A_272 : vector<16xf32>
        %add3A_274 = arith.addf %mul3A_264, %mul3A_273 : vector<16xf32>
        %broadcast_in_dim3A_275 = arith.constant true
        %broadcast_in_dim3A_276 = vector.broadcast %broadcast_in_dim3A_275 : i1 to vector<16xi1>
        %masked_cumsum3A_277 = tpu.scan <sum>, %add3A_274 masked %broadcast_in_dim3A_276 : vector<16xf32>, vector<16xi1> -> vector<16xf32>
        %broadcast_in_dim3A_278 = arith.constant 1 : i32
        %broadcast_in_dim3A_279 = vector.broadcast %broadcast_in_dim3A_278 : i32 to vector<16xi32>
        %broadcast_in_dim3A_280 = vector.broadcast %scan3A_185 : i32 to vector<16xi32>
        %iota3A_281 = tpu.iota {dimensions = array<i32: 0>} : vector<16xi32>
        %eq3A_282 = arith.constant 15 : i32
        %eq3A_283 = vector.broadcast %eq3A_282 : i32 to vector<16xi32>
        %eq3A_284 = arith.cmpi eq, %iota3A_281, %eq3A_283 : vector<16xi32>
        tpu.vector_store_idx %arg14[%broadcast_in_dim3A_279, %broadcast_in_dim3A_280], %masked_cumsum3A_277 masked %eq3A_284 : memref<4x64xf32, #tpu.memory_space<vmem>>[vector<16xi32>, vector<16xi32>], vector<16xf32>, vector<16xi1>
        %add3A_285 = arith.constant 0 : i32
        %add3A_286 = arith.addi %add3A_285, %scan3A_185 : i32
        %get3A_287 = arith.index_cast %add3A_286 : i32 to index
        %get3A_288 = arith.constant 64 : index
        %get3A_289 = tpu.vector_load %arg12[%get3A_287, %get3A_288] {strides = array<i32>} : memref<128x128xf32, #tpu.memory_space<vmem>>, vector<16xf32>,
        %add3A_290 = arith.constant 64 : i32
        %add3A_291 = arith.addi %add3A_290, %scan3A_185 : i32
        %get3A_292 = arith.index_cast %add3A_291 : i32 to index
        %get3A_293 = arith.constant 64 : index
        %get3A_294 = tpu.vector_load %arg12[%get3A_292, %get3A_293] {strides = array<i32>} : memref<128x128xf32, #tpu.memory_space<vmem>>, vector<16xf32>,
        %add3A_295 = arith.addf %get3A_289, %get3A_294 : vector<16xf32>
        %add3A_296 = arith.constant 0 : i32
        %add3A_297 = arith.addi %add3A_296, %scan3A_185 : i32
        %get3A_298 = arith.index_cast %add3A_297 : i32 to index
        %get3A_299 = arith.constant 80 : index
        %get3A_300 = tpu.vector_load %arg12[%get3A_298, %get3A_299] {strides = array<i32>} : memref<128x128xf32, #tpu.memory_space<vmem>>, vector<16xf32>,
        %add3A_301 = arith.constant 64 : i32
        %add3A_302 = arith.addi %add3A_301, %scan3A_185 : i32
        %get3A_303 = arith.index_cast %add3A_302 : i32 to index
        %get3A_304 = arith.constant 80 : index
        %get3A_305 = tpu.vector_load %arg12[%get3A_303, %get3A_304] {strides = array<i32>} : memref<128x128xf32, #tpu.memory_space<vmem>>, vector<16xf32>,
        %add3A_306 = arith.addf %get3A_300, %get3A_305 : vector<16xf32>
        %mul3A_307 = arith.constant 2.000000e-01 : f32
        %mul3A_308 = vector.broadcast %mul3A_307 : f32 to vector<16xf32>
        %mul3A_309 = arith.mulf %mul3A_308, %add3A_295 : vector<16xf32>
        %max3A_310 = arith.maximumf %add3A_295, %mul3A_309 : vector<16xf32>
        %get3A_311 = arith.constant 4 : i32
        %get3A_312 = arith.index_cast %get3A_311 : i32 to index
        %get3A_313 = arith.constant 0 : index
        %get3A_314 = tpu.vector_load %arg13[%get3A_312, %get3A_313] {strides = array<i32>} : memref<8x16xf32, #tpu.memory_space<vmem>>, vector<16xf32>,
        %mul3A_315 = arith.mulf %max3A_310, %get3A_314 : vector<16xf32>
        %mul3A_316 = arith.constant 2.000000e-01 : f32
        %mul3A_317 = vector.broadcast %mul3A_316 : f32 to vector<16xf32>
        %mul3A_318 = arith.mulf %mul3A_317, %add3A_306 : vector<16xf32>
        %max3A_319 = arith.maximumf %add3A_306, %mul3A_318 : vector<16xf32>
        %get3A_320 = arith.constant 5 : i32
        %get3A_321 = arith.index_cast %get3A_320 : i32 to index
        %get3A_322 = arith.constant 0 : index
        %get3A_323 = tpu.vector_load %arg13[%get3A_321, %get3A_322] {strides = array<i32>} : memref<8x16xf32, #tpu.memory_space<vmem>>, vector<16xf32>,
        %mul3A_324 = arith.mulf %max3A_319, %get3A_323 : vector<16xf32>
        %add3A_325 = arith.addf %mul3A_315, %mul3A_324 : vector<16xf32>
        %broadcast_in_dim3A_326 = arith.constant true
        %broadcast_in_dim3A_327 = vector.broadcast %broadcast_in_dim3A_326 : i1 to vector<16xi1>
        %masked_cumsum3A_328 = tpu.scan <sum>, %add3A_325 masked %broadcast_in_dim3A_327 : vector<16xf32>, vector<16xi1> -> vector<16xf32>
        %broadcast_in_dim3A_329 = arith.constant 2 : i32
        %broadcast_in_dim3A_330 = vector.broadcast %broadcast_in_dim3A_329 : i32 to vector<16xi32>
        %broadcast_in_dim3A_331 = vector.broadcast %scan3A_185 : i32 to vector<16xi32>
        %iota3A_332 = tpu.iota {dimensions = array<i32: 0>} : vector<16xi32>
        %eq3A_333 = arith.constant 15 : i32
        %eq3A_334 = vector.broadcast %eq3A_333 : i32 to vector<16xi32>
        %eq3A_335 = arith.cmpi eq, %iota3A_332, %eq3A_334 : vector<16xi32>
        tpu.vector_store_idx %arg14[%broadcast_in_dim3A_330, %broadcast_in_dim3A_331], %masked_cumsum3A_328 masked %eq3A_335 : memref<4x64xf32, #tpu.memory_space<vmem>>[vector<16xi32>, vector<16xi32>], vector<16xf32>, vector<16xi1>
        %add3A_336 = arith.constant 0 : i32
        %add3A_337 = arith.addi %add3A_336, %scan3A_185 : i32
        %get3A_338 = arith.index_cast %add3A_337 : i32 to index
        %get3A_339 = arith.constant 96 : index
        %get3A_340 = tpu.vector_load %arg12[%get3A_338, %get3A_339] {strides = array<i32>} : memref<128x128xf32, #tpu.memory_space<vmem>>, vector<16xf32>,
        %add3A_341 = arith.constant 64 : i32
        %add3A_342 = arith.addi %add3A_341, %scan3A_185 : i32
        %get3A_343 = arith.index_cast %add3A_342 : i32 to index
        %get3A_344 = arith.constant 96 : index
        %get3A_345 = tpu.vector_load %arg12[%get3A_343, %get3A_344] {strides = array<i32>} : memref<128x128xf32, #tpu.memory_space<vmem>>, vector<16xf32>,
        %add3A_346 = arith.addf %get3A_340, %get3A_345 : vector<16xf32>
        %add3A_347 = arith.constant 0 : i32
        %add3A_348 = arith.addi %add3A_347, %scan3A_185 : i32
        %get3A_349 = arith.index_cast %add3A_348 : i32 to index
        %get3A_350 = arith.constant 112 : index
        %get3A_351 = tpu.vector_load %arg12[%get3A_349, %get3A_350] {strides = array<i32>} : memref<128x128xf32, #tpu.memory_space<vmem>>, vector<16xf32>,
        %add3A_352 = arith.constant 64 : i32
        %add3A_353 = arith.addi %add3A_352, %scan3A_185 : i32
        %get3A_354 = arith.index_cast %add3A_353 : i32 to index
        %get3A_355 = arith.constant 112 : index
        %get3A_356 = tpu.vector_load %arg12[%get3A_354, %get3A_355] {strides = array<i32>} : memref<128x128xf32, #tpu.memory_space<vmem>>, vector<16xf32>,
        %add3A_357 = arith.addf %get3A_351, %get3A_356 : vector<16xf32>
        %mul3A_358 = arith.constant 2.000000e-01 : f32
        %mul3A_359 = vector.broadcast %mul3A_358 : f32 to vector<16xf32>
        %mul3A_360 = arith.mulf %mul3A_359, %add3A_346 : vector<16xf32>
        %max3A_361 = arith.maximumf %add3A_346, %mul3A_360 : vector<16xf32>
        %get3A_362 = arith.constant 6 : i32
        %get3A_363 = arith.index_cast %get3A_362 : i32 to index
        %get3A_364 = arith.constant 0 : index
        %get3A_365 = tpu.vector_load %arg13[%get3A_363, %get3A_364] {strides = array<i32>} : memref<8x16xf32, #tpu.memory_space<vmem>>, vector<16xf32>,
        %mul3A_366 = arith.mulf %max3A_361, %get3A_365 : vector<16xf32>
        %mul3A_367 = arith.constant 2.000000e-01 : f32
        %mul3A_368 = vector.broadcast %mul3A_367 : f32 to vector<16xf32>
        %mul3A_369 = arith.mulf %mul3A_368, %add3A_357 : vector<16xf32>
        %max3A_370 = arith.maximumf %add3A_357, %mul3A_369 : vector<16xf32>
        %get3A_371 = arith.constant 7 : i32
        %get3A_372 = arith.index_cast %get3A_371 : i32 to index
        %get3A_373 = arith.constant 0 : index
        %get3A_374 = tpu.vector_load %arg13[%get3A_372, %get3A_373] {strides = array<i32>} : memref<8x16xf32, #tpu.memory_space<vmem>>, vector<16xf32>,
        %mul3A_375 = arith.mulf %max3A_370, %get3A_374 : vector<16xf32>
        %add3A_376 = arith.addf %mul3A_366, %mul3A_375 : vector<16xf32>
        %broadcast_in_dim3A_377 = arith.constant true
        %broadcast_in_dim3A_378 = vector.broadcast %broadcast_in_dim3A_377 : i1 to vector<16xi1>
        %masked_cumsum3A_379 = tpu.scan <sum>, %add3A_376 masked %broadcast_in_dim3A_378 : vector<16xf32>, vector<16xi1> -> vector<16xf32>
        %broadcast_in_dim3A_380 = arith.constant 3 : i32
        %broadcast_in_dim3A_381 = vector.broadcast %broadcast_in_dim3A_380 : i32 to vector<16xi32>
        %broadcast_in_dim3A_382 = vector.broadcast %scan3A_185 : i32 to vector<16xi32>
        %iota3A_383 = tpu.iota {dimensions = array<i32: 0>} : vector<16xi32>
        %eq3A_384 = arith.constant 15 : i32
        %eq3A_385 = vector.broadcast %eq3A_384 : i32 to vector<16xi32>
        %eq3A_386 = arith.cmpi eq, %iota3A_383, %eq3A_385 : vector<16xi32>
        tpu.vector_store_idx %arg14[%broadcast_in_dim3A_381, %broadcast_in_dim3A_382], %masked_cumsum3A_379 masked %eq3A_386 : memref<4x64xf32, #tpu.memory_space<vmem>>[vector<16xi32>, vector<16xi32>], vector<16xf32>, vector<16xi1>
        %scan3A_387 = arith.constant 1 : i32
        %scan3A_388 = arith.addi %scan3A_185, %scan3A_387 : i32
        %add3A_389 = arith.constant 0 : i32
        %add3A_390 = arith.addi %add3A_389, %scan3A_388 : i32
        %get3A_391 = arith.index_cast %add3A_390 : i32 to index
        %get3A_392 = arith.constant 0 : index
        %get3A_393 = tpu.vector_load %arg12[%get3A_391, %get3A_392] {strides = array<i32>} : memref<128x128xf32, #tpu.memory_space<vmem>>, vector<16xf32>,
        %add3A_394 = arith.constant 64 : i32
        %add3A_395 = arith.addi %add3A_394, %scan3A_388 : i32
        %get3A_396 = arith.index_cast %add3A_395 : i32 to index
        %get3A_397 = arith.constant 0 : index
        %get3A_398 = tpu.vector_load %arg12[%get3A_396, %get3A_397] {strides = array<i32>} : memref<128x128xf32, #tpu.memory_space<vmem>>, vector<16xf32>,
        %add3A_399 = arith.addf %get3A_393, %get3A_398 : vector<16xf32>
        %add3A_400 = arith.constant 0 : i32
        %add3A_401 = arith.addi %add3A_400, %scan3A_388 : i32
        %get3A_402 = arith.index_cast %add3A_401 : i32 to index
        %get3A_403 = arith.constant 16 : index
        %get3A_404 = tpu.vector_load %arg12[%get3A_402, %get3A_403] {strides = array<i32>} : memref<128x128xf32, #tpu.memory_space<vmem>>, vector<16xf32>,
        %add3A_405 = arith.constant 64 : i32
        %add3A_406 = arith.addi %add3A_405, %scan3A_388 : i32
        %get3A_407 = arith.index_cast %add3A_406 : i32 to index
        %get3A_408 = arith.constant 16 : index
        %get3A_409 = tpu.vector_load %arg12[%get3A_407, %get3A_408] {strides = array<i32>} : memref<128x128xf32, #tpu.memory_space<vmem>>, vector<16xf32>,
        %add3A_410 = arith.addf %get3A_404, %get3A_409 : vector<16xf32>
        %mul3A_411 = arith.constant 2.000000e-01 : f32
        %mul3A_412 = vector.broadcast %mul3A_411 : f32 to vector<16xf32>
        %mul3A_413 = arith.mulf %mul3A_412, %add3A_399 : vector<16xf32>
        %max3A_414 = arith.maximumf %add3A_399, %mul3A_413 : vector<16xf32>
        %get3A_415 = arith.constant 0 : i32
        %get3A_416 = arith.index_cast %get3A_415 : i32 to index
        %get3A_417 = arith.constant 0 : index
        %get3A_418 = tpu.vector_load %arg13[%get3A_416, %get3A_417] {strides = array<i32>} : memref<8x16xf32, #tpu.memory_space<vmem>>, vector<16xf32>,
        %mul3A_419 = arith.mulf %max3A_414, %get3A_418 : vector<16xf32>
        %mul3A_420 = arith.constant 2.000000e-01 : f32
        %mul3A_421 = vector.broadcast %mul3A_420 : f32 to vector<16xf32>
        %mul3A_422 = arith.mulf %mul3A_421, %add3A_410 : vector<16xf32>
        %max3A_423 = arith.maximumf %add3A_410, %mul3A_422 : vector<16xf32>
        %get3A_424 = arith.constant 1 : i32
        %get3A_425 = arith.index_cast %get3A_424 : i32 to index
        %get3A_426 = arith.constant 0 : index
        %get3A_427 = tpu.vector_load %arg13[%get3A_425, %get3A_426] {strides = array<i32>} : memref<8x16xf32, #tpu.memory_space<vmem>>, vector<16xf32>,
        %mul3A_428 = arith.mulf %max3A_423, %get3A_427 : vector<16xf32>
        %add3A_429 = arith.addf %mul3A_419, %mul3A_428 : vector<16xf32>
        %broadcast_in_dim3A_430 = arith.constant true
        %broadcast_in_dim3A_431 = vector.broadcast %broadcast_in_dim3A_430 : i1 to vector<16xi1>
        %masked_cumsum3A_432 = tpu.scan <sum>, %add3A_429 masked %broadcast_in_dim3A_431 : vector<16xf32>, vector<16xi1> -> vector<16xf32>
        %broadcast_in_dim3A_433 = arith.constant 0 : i32
        %broadcast_in_dim3A_434 = vector.broadcast %broadcast_in_dim3A_433 : i32 to vector<16xi32>
        %broadcast_in_dim3A_435 = vector.broadcast %scan3A_388 : i32 to vector<16xi32>
        %iota3A_436 = tpu.iota {dimensions = array<i32: 0>} : vector<16xi32>
        %eq3A_437 = arith.constant 15 : i32
        %eq3A_438 = vector.broadcast %eq3A_437 : i32 to vector<16xi32>
        %eq3A_439 = arith.cmpi eq, %iota3A_436, %eq3A_438 : vector<16xi32>
        tpu.vector_store_idx %arg14[%broadcast_in_dim3A_434, %broadcast_in_dim3A_435], %masked_cumsum3A_432 masked %eq3A_439 : memref<4x64xf32, #tpu.memory_space<vmem>>[vector<16xi32>, vector<16xi32>], vector<16xf32>, vector<16xi1>
        %add3A_440 = arith.constant 0 : i32
        %add3A_441 = arith.addi %add3A_440, %scan3A_388 : i32
        %get3A_442 = arith.index_cast %add3A_441 : i32 to index
        %get3A_443 = arith.constant 32 : index
        %get3A_444 = tpu.vector_load %arg12[%get3A_442, %get3A_443] {strides = array<i32>} : memref<128x128xf32, #tpu.memory_space<vmem>>, vector<16xf32>,
        %add3A_445 = arith.constant 64 : i32
        %add3A_446 = arith.addi %add3A_445, %scan3A_388 : i32
        %get3A_447 = arith.index_cast %add3A_446 : i32 to index
        %get3A_448 = arith.constant 32 : index
        %get3A_449 = tpu.vector_load %arg12[%get3A_447, %get3A_448] {strides = array<i32>} : memref<128x128xf32, #tpu.memory_space<vmem>>, vector<16xf32>,
        %add3A_450 = arith.addf %get3A_444, %get3A_449 : vector<16xf32>
        %add3A_451 = arith.constant 0 : i32
        %add3A_452 = arith.addi %add3A_451, %scan3A_388 : i32
        %get3A_453 = arith.index_cast %add3A_452 : i32 to index
        %get3A_454 = arith.constant 48 : index
        %get3A_455 = tpu.vector_load %arg12[%get3A_453, %get3A_454] {strides = array<i32>} : memref<128x128xf32, #tpu.memory_space<vmem>>, vector<16xf32>,
        %add3A_456 = arith.constant 64 : i32
        %add3A_457 = arith.addi %add3A_456, %scan3A_388 : i32
        %get3A_458 = arith.index_cast %add3A_457 : i32 to index
        %get3A_459 = arith.constant 48 : index
        %get3A_460 = tpu.vector_load %arg12[%get3A_458, %get3A_459] {strides = array<i32>} : memref<128x128xf32, #tpu.memory_space<vmem>>, vector<16xf32>,
        %add3A_461 = arith.addf %get3A_455, %get3A_460 : vector<16xf32>
        %mul3A_462 = arith.constant 2.000000e-01 : f32
        %mul3A_463 = vector.broadcast %mul3A_462 : f32 to vector<16xf32>
        %mul3A_464 = arith.mulf %mul3A_463, %add3A_450 : vector<16xf32>
        %max3A_465 = arith.maximumf %add3A_450, %mul3A_464 : vector<16xf32>
        %get3A_466 = arith.constant 2 : i32
        %get3A_467 = arith.index_cast %get3A_466 : i32 to index
        %get3A_468 = arith.constant 0 : index
        %get3A_469 = tpu.vector_load %arg13[%get3A_467, %get3A_468] {strides = array<i32>} : memref<8x16xf32, #tpu.memory_space<vmem>>, vector<16xf32>,
        %mul3A_470 = arith.mulf %max3A_465, %get3A_469 : vector<16xf32>
        %mul3A_471 = arith.constant 2.000000e-01 : f32
        %mul3A_472 = vector.broadcast %mul3A_471 : f32 to vector<16xf32>
        %mul3A_473 = arith.mulf %mul3A_472, %add3A_461 : vector<16xf32>
        %max3A_474 = arith.maximumf %add3A_461, %mul3A_473 : vector<16xf32>
        %get3A_475 = arith.constant 3 : i32
        %get3A_476 = arith.index_cast %get3A_475 : i32 to index
        %get3A_477 = arith.constant 0 : index
        %get3A_478 = tpu.vector_load %arg13[%get3A_476, %get3A_477] {strides = array<i32>} : memref<8x16xf32, #tpu.memory_space<vmem>>, vector<16xf32>,
        %mul3A_479 = arith.mulf %max3A_474, %get3A_478 : vector<16xf32>
        %add3A_480 = arith.addf %mul3A_470, %mul3A_479 : vector<16xf32>
        %broadcast_in_dim3A_481 = arith.constant true
        %broadcast_in_dim3A_482 = vector.broadcast %broadcast_in_dim3A_481 : i1 to vector<16xi1>
        %masked_cumsum3A_483 = tpu.scan <sum>, %add3A_480 masked %broadcast_in_dim3A_482 : vector<16xf32>, vector<16xi1> -> vector<16xf32>
        %broadcast_in_dim3A_484 = arith.constant 1 : i32
        %broadcast_in_dim3A_485 = vector.broadcast %broadcast_in_dim3A_484 : i32 to vector<16xi32>
        %broadcast_in_dim3A_486 = vector.broadcast %scan3A_388 : i32 to vector<16xi32>
        %iota3A_487 = tpu.iota {dimensions = array<i32: 0>} : vector<16xi32>
        %eq3A_488 = arith.constant 15 : i32
        %eq3A_489 = vector.broadcast %eq3A_488 : i32 to vector<16xi32>
        %eq3A_490 = arith.cmpi eq, %iota3A_487, %eq3A_489 : vector<16xi32>
        tpu.vector_store_idx %arg14[%broadcast_in_dim3A_485, %broadcast_in_dim3A_486], %masked_cumsum3A_483 masked %eq3A_490 : memref<4x64xf32, #tpu.memory_space<vmem>>[vector<16xi32>, vector<16xi32>], vector<16xf32>, vector<16xi1>
        %add3A_491 = arith.constant 0 : i32
        %add3A_492 = arith.addi %add3A_491, %scan3A_388 : i32
        %get3A_493 = arith.index_cast %add3A_492 : i32 to index
        %get3A_494 = arith.constant 64 : index
        %get3A_495 = tpu.vector_load %arg12[%get3A_493, %get3A_494] {strides = array<i32>} : memref<128x128xf32, #tpu.memory_space<vmem>>, vector<16xf32>,
        %add3A_496 = arith.constant 64 : i32
        %add3A_497 = arith.addi %add3A_496, %scan3A_388 : i32
        %get3A_498 = arith.index_cast %add3A_497 : i32 to index
        %get3A_499 = arith.constant 64 : index
        %get3A_500 = tpu.vector_load %arg12[%get3A_498, %get3A_499] {strides = array<i32>} : memref<128x128xf32, #tpu.memory_space<vmem>>, vector<16xf32>,
        %add3A_501 = arith.addf %get3A_495, %get3A_500 : vector<16xf32>
        %add3A_502 = arith.constant 0 : i32
        %add3A_503 = arith.addi %add3A_502, %scan3A_388 : i32
        %get3A_504 = arith.index_cast %add3A_503 : i32 to index
        %get3A_505 = arith.constant 80 : index
        %get3A_506 = tpu.vector_load %arg12[%get3A_504, %get3A_505] {strides = array<i32>} : memref<128x128xf32, #tpu.memory_space<vmem>>, vector<16xf32>,
        %add3A_507 = arith.constant 64 : i32
        %add3A_508 = arith.addi %add3A_507, %scan3A_388 : i32
        %get3A_509 = arith.index_cast %add3A_508 : i32 to index
        %get3A_510 = arith.constant 80 : index
        %get3A_511 = tpu.vector_load %arg12[%get3A_509, %get3A_510] {strides = array<i32>} : memref<128x128xf32, #tpu.memory_space<vmem>>, vector<16xf32>,
        %add3A_512 = arith.addf %get3A_506, %get3A_511 : vector<16xf32>
        %mul3A_513 = arith.constant 2.000000e-01 : f32
        %mul3A_514 = vector.broadcast %mul3A_513 : f32 to vector<16xf32>
        %mul3A_515 = arith.mulf %mul3A_514, %add3A_501 : vector<16xf32>
        %max3A_516 = arith.maximumf %add3A_501, %mul3A_515 : vector<16xf32>
        %get3A_517 = arith.constant 4 : i32
        %get3A_518 = arith.index_cast %get3A_517 : i32 to index
        %get3A_519 = arith.constant 0 : index
        %get3A_520 = tpu.vector_load %arg13[%get3A_518, %get3A_519] {strides = array<i32>} : memref<8x16xf32, #tpu.memory_space<vmem>>, vector<16xf32>,
        %mul3A_521 = arith.mulf %max3A_516, %get3A_520 : vector<16xf32>
        %mul3A_522 = arith.constant 2.000000e-01 : f32
        %mul3A_523 = vector.broadcast %mul3A_522 : f32 to vector<16xf32>
        %mul3A_524 = arith.mulf %mul3A_523, %add3A_512 : vector<16xf32>
        %max3A_525 = arith.maximumf %add3A_512, %mul3A_524 : vector<16xf32>
        %get3A_526 = arith.constant 5 : i32
        %get3A_527 = arith.index_cast %get3A_526 : i32 to index
        %get3A_528 = arith.constant 0 : index
        %get3A_529 = tpu.vector_load %arg13[%get3A_527, %get3A_528] {strides = array<i32>} : memref<8x16xf32, #tpu.memory_space<vmem>>, vector<16xf32>,
        %mul3A_530 = arith.mulf %max3A_525, %get3A_529 : vector<16xf32>
        %add3A_531 = arith.addf %mul3A_521, %mul3A_530 : vector<16xf32>
        %broadcast_in_dim3A_532 = arith.constant true
        %broadcast_in_dim3A_533 = vector.broadcast %broadcast_in_dim3A_532 : i1 to vector<16xi1>
        %masked_cumsum3A_534 = tpu.scan <sum>, %add3A_531 masked %broadcast_in_dim3A_533 : vector<16xf32>, vector<16xi1> -> vector<16xf32>
        %broadcast_in_dim3A_535 = arith.constant 2 : i32
        %broadcast_in_dim3A_536 = vector.broadcast %broadcast_in_dim3A_535 : i32 to vector<16xi32>
        %broadcast_in_dim3A_537 = vector.broadcast %scan3A_388 : i32 to vector<16xi32>
        %iota3A_538 = tpu.iota {dimensions = array<i32: 0>} : vector<16xi32>
        %eq3A_539 = arith.constant 15 : i32
        %eq3A_540 = vector.broadcast %eq3A_539 : i32 to vector<16xi32>
        %eq3A_541 = arith.cmpi eq, %iota3A_538, %eq3A_540 : vector<16xi32>
        tpu.vector_store_idx %arg14[%broadcast_in_dim3A_536, %broadcast_in_dim3A_537], %masked_cumsum3A_534 masked %eq3A_541 : memref<4x64xf32, #tpu.memory_space<vmem>>[vector<16xi32>, vector<16xi32>], vector<16xf32>, vector<16xi1>
        %add3A_542 = arith.constant 0 : i32
        %add3A_543 = arith.addi %add3A_542, %scan3A_388 : i32
        %get3A_544 = arith.index_cast %add3A_543 : i32 to index
        %get3A_545 = arith.constant 96 : index
        %get3A_546 = tpu.vector_load %arg12[%get3A_544, %get3A_545] {strides = array<i32>} : memref<128x128xf32, #tpu.memory_space<vmem>>, vector<16xf32>,
        %add3A_547 = arith.constant 64 : i32
        %add3A_548 = arith.addi %add3A_547, %scan3A_388 : i32
        %get3A_549 = arith.index_cast %add3A_548 : i32 to index
        %get3A_550 = arith.constant 96 : index
        %get3A_551 = tpu.vector_load %arg12[%get3A_549, %get3A_550] {strides = array<i32>} : memref<128x128xf32, #tpu.memory_space<vmem>>, vector<16xf32>,
        %add3A_552 = arith.addf %get3A_546, %get3A_551 : vector<16xf32>
        %add3A_553 = arith.constant 0 : i32
        %add3A_554 = arith.addi %add3A_553, %scan3A_388 : i32
        %get3A_555 = arith.index_cast %add3A_554 : i32 to index
        %get3A_556 = arith.constant 112 : index
        %get3A_557 = tpu.vector_load %arg12[%get3A_555, %get3A_556] {strides = array<i32>} : memref<128x128xf32, #tpu.memory_space<vmem>>, vector<16xf32>,
        %add3A_558 = arith.constant 64 : i32
        %add3A_559 = arith.addi %add3A_558, %scan3A_388 : i32
        %get3A_560 = arith.index_cast %add3A_559 : i32 to index
        %get3A_561 = arith.constant 112 : index
        %get3A_562 = tpu.vector_load %arg12[%get3A_560, %get3A_561] {strides = array<i32>} : memref<128x128xf32, #tpu.memory_space<vmem>>, vector<16xf32>,
        %add3A_563 = arith.addf %get3A_557, %get3A_562 : vector<16xf32>
        %mul3A_564 = arith.constant 2.000000e-01 : f32
        %mul3A_565 = vector.broadcast %mul3A_564 : f32 to vector<16xf32>
        %mul3A_566 = arith.mulf %mul3A_565, %add3A_552 : vector<16xf32>
        %max3A_567 = arith.maximumf %add3A_552, %mul3A_566 : vector<16xf32>
        %get3A_568 = arith.constant 6 : i32
        %get3A_569 = arith.index_cast %get3A_568 : i32 to index
        %get3A_570 = arith.constant 0 : index
        %get3A_571 = tpu.vector_load %arg13[%get3A_569, %get3A_570] {strides = array<i32>} : memref<8x16xf32, #tpu.memory_space<vmem>>, vector<16xf32>,
        %mul3A_572 = arith.mulf %max3A_567, %get3A_571 : vector<16xf32>
        %mul3A_573 = arith.constant 2.000000e-01 : f32
        %mul3A_574 = vector.broadcast %mul3A_573 : f32 to vector<16xf32>
        %mul3A_575 = arith.mulf %mul3A_574, %add3A_563 : vector<16xf32>
        %max3A_576 = arith.maximumf %add3A_563, %mul3A_575 : vector<16xf32>
        %get3A_577 = arith.constant 7 : i32
        %get3A_578 = arith.index_cast %get3A_577 : i32 to index
        %get3A_579 = arith.constant 0 : index
        %get3A_580 = tpu.vector_load %arg13[%get3A_578, %get3A_579] {strides = array<i32>} : memref<8x16xf32, #tpu.memory_space<vmem>>, vector<16xf32>,
        %mul3A_581 = arith.mulf %max3A_576, %get3A_580 : vector<16xf32>
        %add3A_582 = arith.addf %mul3A_572, %mul3A_581 : vector<16xf32>
        %broadcast_in_dim3A_583 = arith.constant true
        %broadcast_in_dim3A_584 = vector.broadcast %broadcast_in_dim3A_583 : i1 to vector<16xi1>
        %masked_cumsum3A_585 = tpu.scan <sum>, %add3A_582 masked %broadcast_in_dim3A_584 : vector<16xf32>, vector<16xi1> -> vector<16xf32>
        %broadcast_in_dim3A_586 = arith.constant 3 : i32
        %broadcast_in_dim3A_587 = vector.broadcast %broadcast_in_dim3A_586 : i32 to vector<16xi32>
        %broadcast_in_dim3A_588 = vector.broadcast %scan3A_388 : i32 to vector<16xi32>
        %iota3A_589 = tpu.iota {dimensions = array<i32: 0>} : vector<16xi32>
        %eq3A_590 = arith.constant 15 : i32
        %eq3A_591 = vector.broadcast %eq3A_590 : i32 to vector<16xi32>
        %eq3A_592 = arith.cmpi eq, %iota3A_589, %eq3A_591 : vector<16xi32>
        tpu.vector_store_idx %arg14[%broadcast_in_dim3A_587, %broadcast_in_dim3A_588], %masked_cumsum3A_585 masked %eq3A_592 : memref<4x64xf32, #tpu.memory_space<vmem>>[vector<16xi32>, vector<16xi32>], vector<16xf32>, vector<16xi1>
        %scan3A_593 = arith.constant 2 : i32
        %scan3A_594 = arith.addi %scan3A_185, %scan3A_593 : i32
        %add3A_595 = arith.constant 0 : i32
        %add3A_596 = arith.addi %add3A_595, %scan3A_594 : i32
        %get3A_597 = arith.index_cast %add3A_596 : i32 to index
        %get3A_598 = arith.constant 0 : index
        %get3A_599 = tpu.vector_load %arg12[%get3A_597, %get3A_598] {strides = array<i32>} : memref<128x128xf32, #tpu.memory_space<vmem>>, vector<16xf32>,
        %add3A_600 = arith.constant 64 : i32
        %add3A_601 = arith.addi %add3A_600, %scan3A_594 : i32
        %get3A_602 = arith.index_cast %add3A_601 : i32 to index
        %get3A_603 = arith.constant 0 : index
        %get3A_604 = tpu.vector_load %arg12[%get3A_602, %get3A_603] {strides = array<i32>} : memref<128x128xf32, #tpu.memory_space<vmem>>, vector<16xf32>,
        %add3A_605 = arith.addf %get3A_599, %get3A_604 : vector<16xf32>
        %add3A_606 = arith.constant 0 : i32
        %add3A_607 = arith.addi %add3A_606, %scan3A_594 : i32
        %get3A_608 = arith.index_cast %add3A_607 : i32 to index
        %get3A_609 = arith.constant 16 : index
        %get3A_610 = tpu.vector_load %arg12[%get3A_608, %get3A_609] {strides = array<i32>} : memref<128x128xf32, #tpu.memory_space<vmem>>, vector<16xf32>,
        %add3A_611 = arith.constant 64 : i32
        %add3A_612 = arith.addi %add3A_611, %scan3A_594 : i32
        %get3A_613 = arith.index_cast %add3A_612 : i32 to index
        %get3A_614 = arith.constant 16 : index
        %get3A_615 = tpu.vector_load %arg12[%get3A_613, %get3A_614] {strides = array<i32>} : memref<128x128xf32, #tpu.memory_space<vmem>>, vector<16xf32>,
        %add3A_616 = arith.addf %get3A_610, %get3A_615 : vector<16xf32>
        %mul3A_617 = arith.constant 2.000000e-01 : f32
        %mul3A_618 = vector.broadcast %mul3A_617 : f32 to vector<16xf32>
        %mul3A_619 = arith.mulf %mul3A_618, %add3A_605 : vector<16xf32>
        %max3A_620 = arith.maximumf %add3A_605, %mul3A_619 : vector<16xf32>
        %get3A_621 = arith.constant 0 : i32
        %get3A_622 = arith.index_cast %get3A_621 : i32 to index
        %get3A_623 = arith.constant 0 : index
        %get3A_624 = tpu.vector_load %arg13[%get3A_622, %get3A_623] {strides = array<i32>} : memref<8x16xf32, #tpu.memory_space<vmem>>, vector<16xf32>,
        %mul3A_625 = arith.mulf %max3A_620, %get3A_624 : vector<16xf32>
        %mul3A_626 = arith.constant 2.000000e-01 : f32
        %mul3A_627 = vector.broadcast %mul3A_626 : f32 to vector<16xf32>
        %mul3A_628 = arith.mulf %mul3A_627, %add3A_616 : vector<16xf32>
        %max3A_629 = arith.maximumf %add3A_616, %mul3A_628 : vector<16xf32>
        %get3A_630 = arith.constant 1 : i32
        %get3A_631 = arith.index_cast %get3A_630 : i32 to index
        %get3A_632 = arith.constant 0 : index
        %get3A_633 = tpu.vector_load %arg13[%get3A_631, %get3A_632] {strides = array<i32>} : memref<8x16xf32, #tpu.memory_space<vmem>>, vector<16xf32>,
        %mul3A_634 = arith.mulf %max3A_629, %get3A_633 : vector<16xf32>
        %add3A_635 = arith.addf %mul3A_625, %mul3A_634 : vector<16xf32>
        %broadcast_in_dim3A_636 = arith.constant true
        %broadcast_in_dim3A_637 = vector.broadcast %broadcast_in_dim3A_636 : i1 to vector<16xi1>
        %masked_cumsum3A_638 = tpu.scan <sum>, %add3A_635 masked %broadcast_in_dim3A_637 : vector<16xf32>, vector<16xi1> -> vector<16xf32>
        %broadcast_in_dim3A_639 = arith.constant 0 : i32
        %broadcast_in_dim3A_640 = vector.broadcast %broadcast_in_dim3A_639 : i32 to vector<16xi32>
        %broadcast_in_dim3A_641 = vector.broadcast %scan3A_594 : i32 to vector<16xi32>
        %iota3A_642 = tpu.iota {dimensions = array<i32: 0>} : vector<16xi32>
        %eq3A_643 = arith.constant 15 : i32
        %eq3A_644 = vector.broadcast %eq3A_643 : i32 to vector<16xi32>
        %eq3A_645 = arith.cmpi eq, %iota3A_642, %eq3A_644 : vector<16xi32>
        tpu.vector_store_idx %arg14[%broadcast_in_dim3A_640, %broadcast_in_dim3A_641], %masked_cumsum3A_638 masked %eq3A_645 : memref<4x64xf32, #tpu.memory_space<vmem>>[vector<16xi32>, vector<16xi32>], vector<16xf32>, vector<16xi1>
        %add3A_646 = arith.constant 0 : i32
        %add3A_647 = arith.addi %add3A_646, %scan3A_594 : i32
        %get3A_648 = arith.index_cast %add3A_647 : i32 to index
        %get3A_649 = arith.constant 32 : index
        %get3A_650 = tpu.vector_load %arg12[%get3A_648, %get3A_649] {strides = array<i32>} : memref<128x128xf32, #tpu.memory_space<vmem>>, vector<16xf32>,
        %add3A_651 = arith.constant 64 : i32
        %add3A_652 = arith.addi %add3A_651, %scan3A_594 : i32
        %get3A_653 = arith.index_cast %add3A_652 : i32 to index
        %get3A_654 = arith.constant 32 : index
        %get3A_655 = tpu.vector_load %arg12[%get3A_653, %get3A_654] {strides = array<i32>} : memref<128x128xf32, #tpu.memory_space<vmem>>, vector<16xf32>,
        %add3A_656 = arith.addf %get3A_650, %get3A_655 : vector<16xf32>
        %add3A_657 = arith.constant 0 : i32
        %add3A_658 = arith.addi %add3A_657, %scan3A_594 : i32
        %get3A_659 = arith.index_cast %add3A_658 : i32 to index
        %get3A_660 = arith.constant 48 : index
        %get3A_661 = tpu.vector_load %arg12[%get3A_659, %get3A_660] {strides = array<i32>} : memref<128x128xf32, #tpu.memory_space<vmem>>, vector<16xf32>,
        %add3A_662 = arith.constant 64 : i32
        %add3A_663 = arith.addi %add3A_662, %scan3A_594 : i32
        %get3A_664 = arith.index_cast %add3A_663 : i32 to index
        %get3A_665 = arith.constant 48 : index
        %get3A_666 = tpu.vector_load %arg12[%get3A_664, %get3A_665] {strides = array<i32>} : memref<128x128xf32, #tpu.memory_space<vmem>>, vector<16xf32>,
        %add3A_667 = arith.addf %get3A_661, %get3A_666 : vector<16xf32>
        %mul3A_668 = arith.constant 2.000000e-01 : f32
        %mul3A_669 = vector.broadcast %mul3A_668 : f32 to vector<16xf32>
        %mul3A_670 = arith.mulf %mul3A_669, %add3A_656 : vector<16xf32>
        %max3A_671 = arith.maximumf %add3A_656, %mul3A_670 : vector<16xf32>
        %get3A_672 = arith.constant 2 : i32
        %get3A_673 = arith.index_cast %get3A_672 : i32 to index
        %get3A_674 = arith.constant 0 : index
        %get3A_675 = tpu.vector_load %arg13[%get3A_673, %get3A_674] {strides = array<i32>} : memref<8x16xf32, #tpu.memory_space<vmem>>, vector<16xf32>,
        %mul3A_676 = arith.mulf %max3A_671, %get3A_675 : vector<16xf32>
        %mul3A_677 = arith.constant 2.000000e-01 : f32
        %mul3A_678 = vector.broadcast %mul3A_677 : f32 to vector<16xf32>
        %mul3A_679 = arith.mulf %mul3A_678, %add3A_667 : vector<16xf32>
        %max3A_680 = arith.maximumf %add3A_667, %mul3A_679 : vector<16xf32>
        %get3A_681 = arith.constant 3 : i32
        %get3A_682 = arith.index_cast %get3A_681 : i32 to index
        %get3A_683 = arith.constant 0 : index
        %get3A_684 = tpu.vector_load %arg13[%get3A_682, %get3A_683] {strides = array<i32>} : memref<8x16xf32, #tpu.memory_space<vmem>>, vector<16xf32>,
        %mul3A_685 = arith.mulf %max3A_680, %get3A_684 : vector<16xf32>
        %add3A_686 = arith.addf %mul3A_676, %mul3A_685 : vector<16xf32>
        %broadcast_in_dim3A_687 = arith.constant true
        %broadcast_in_dim3A_688 = vector.broadcast %broadcast_in_dim3A_687 : i1 to vector<16xi1>
        %masked_cumsum3A_689 = tpu.scan <sum>, %add3A_686 masked %broadcast_in_dim3A_688 : vector<16xf32>, vector<16xi1> -> vector<16xf32>
        %broadcast_in_dim3A_690 = arith.constant 1 : i32
        %broadcast_in_dim3A_691 = vector.broadcast %broadcast_in_dim3A_690 : i32 to vector<16xi32>
        %broadcast_in_dim3A_692 = vector.broadcast %scan3A_594 : i32 to vector<16xi32>
        %iota3A_693 = tpu.iota {dimensions = array<i32: 0>} : vector<16xi32>
        %eq3A_694 = arith.constant 15 : i32
        %eq3A_695 = vector.broadcast %eq3A_694 : i32 to vector<16xi32>
        %eq3A_696 = arith.cmpi eq, %iota3A_693, %eq3A_695 : vector<16xi32>
        tpu.vector_store_idx %arg14[%broadcast_in_dim3A_691, %broadcast_in_dim3A_692], %masked_cumsum3A_689 masked %eq3A_696 : memref<4x64xf32, #tpu.memory_space<vmem>>[vector<16xi32>, vector<16xi32>], vector<16xf32>, vector<16xi1>
        %add3A_697 = arith.constant 0 : i32
        %add3A_698 = arith.addi %add3A_697, %scan3A_594 : i32
        %get3A_699 = arith.index_cast %add3A_698 : i32 to index
        %get3A_700 = arith.constant 64 : index
        %get3A_701 = tpu.vector_load %arg12[%get3A_699, %get3A_700] {strides = array<i32>} : memref<128x128xf32, #tpu.memory_space<vmem>>, vector<16xf32>,
        %add3A_702 = arith.constant 64 : i32
        %add3A_703 = arith.addi %add3A_702, %scan3A_594 : i32
        %get3A_704 = arith.index_cast %add3A_703 : i32 to index
        %get3A_705 = arith.constant 64 : index
        %get3A_706 = tpu.vector_load %arg12[%get3A_704, %get3A_705] {strides = array<i32>} : memref<128x128xf32, #tpu.memory_space<vmem>>, vector<16xf32>,
        %add3A_707 = arith.addf %get3A_701, %get3A_706 : vector<16xf32>
        %add3A_708 = arith.constant 0 : i32
        %add3A_709 = arith.addi %add3A_708, %scan3A_594 : i32
        %get3A_710 = arith.index_cast %add3A_709 : i32 to index
        %get3A_711 = arith.constant 80 : index
        %get3A_712 = tpu.vector_load %arg12[%get3A_710, %get3A_711] {strides = array<i32>} : memref<128x128xf32, #tpu.memory_space<vmem>>, vector<16xf32>,
        %add3A_713 = arith.constant 64 : i32
        %add3A_714 = arith.addi %add3A_713, %scan3A_594 : i32
        %get3A_715 = arith.index_cast %add3A_714 : i32 to index
        %get3A_716 = arith.constant 80 : index
        %get3A_717 = tpu.vector_load %arg12[%get3A_715, %get3A_716] {strides = array<i32>} : memref<128x128xf32, #tpu.memory_space<vmem>>, vector<16xf32>,
        %add3A_718 = arith.addf %get3A_712, %get3A_717 : vector<16xf32>
        %mul3A_719 = arith.constant 2.000000e-01 : f32
        %mul3A_720 = vector.broadcast %mul3A_719 : f32 to vector<16xf32>
        %mul3A_721 = arith.mulf %mul3A_720, %add3A_707 : vector<16xf32>
        %max3A_722 = arith.maximumf %add3A_707, %mul3A_721 : vector<16xf32>
        %get3A_723 = arith.constant 4 : i32
        %get3A_724 = arith.index_cast %get3A_723 : i32 to index
        %get3A_725 = arith.constant 0 : index
        %get3A_726 = tpu.vector_load %arg13[%get3A_724, %get3A_725] {strides = array<i32>} : memref<8x16xf32, #tpu.memory_space<vmem>>, vector<16xf32>,
        %mul3A_727 = arith.mulf %max3A_722, %get3A_726 : vector<16xf32>
        %mul3A_728 = arith.constant 2.000000e-01 : f32
        %mul3A_729 = vector.broadcast %mul3A_728 : f32 to vector<16xf32>
        %mul3A_730 = arith.mulf %mul3A_729, %add3A_718 : vector<16xf32>
        %max3A_731 = arith.maximumf %add3A_718, %mul3A_730 : vector<16xf32>
        %get3A_732 = arith.constant 5 : i32
        %get3A_733 = arith.index_cast %get3A_732 : i32 to index
        %get3A_734 = arith.constant 0 : index
        %get3A_735 = tpu.vector_load %arg13[%get3A_733, %get3A_734] {strides = array<i32>} : memref<8x16xf32, #tpu.memory_space<vmem>>, vector<16xf32>,
        %mul3A_736 = arith.mulf %max3A_731, %get3A_735 : vector<16xf32>
        %add3A_737 = arith.addf %mul3A_727, %mul3A_736 : vector<16xf32>
        %broadcast_in_dim3A_738 = arith.constant true
        %broadcast_in_dim3A_739 = vector.broadcast %broadcast_in_dim3A_738 : i1 to vector<16xi1>
        %masked_cumsum3A_740 = tpu.scan <sum>, %add3A_737 masked %broadcast_in_dim3A_739 : vector<16xf32>, vector<16xi1> -> vector<16xf32>
        %broadcast_in_dim3A_741 = arith.constant 2 : i32
        %broadcast_in_dim3A_742 = vector.broadcast %broadcast_in_dim3A_741 : i32 to vector<16xi32>
        %broadcast_in_dim3A_743 = vector.broadcast %scan3A_594 : i32 to vector<16xi32>
        %iota3A_744 = tpu.iota {dimensions = array<i32: 0>} : vector<16xi32>
        %eq3A_745 = arith.constant 15 : i32
        %eq3A_746 = vector.broadcast %eq3A_745 : i32 to vector<16xi32>
        %eq3A_747 = arith.cmpi eq, %iota3A_744, %eq3A_746 : vector<16xi32>
        tpu.vector_store_idx %arg14[%broadcast_in_dim3A_742, %broadcast_in_dim3A_743], %masked_cumsum3A_740 masked %eq3A_747 : memref<4x64xf32, #tpu.memory_space<vmem>>[vector<16xi32>, vector<16xi32>], vector<16xf32>, vector<16xi1>
        %add3A_748 = arith.constant 0 : i32
        %add3A_749 = arith.addi %add3A_748, %scan3A_594 : i32
        %get3A_750 = arith.index_cast %add3A_749 : i32 to index
        %get3A_751 = arith.constant 96 : index
        %get3A_752 = tpu.vector_load %arg12[%get3A_750, %get3A_751] {strides = array<i32>} : memref<128x128xf32, #tpu.memory_space<vmem>>, vector<16xf32>,
        %add3A_753 = arith.constant 64 : i32
        %add3A_754 = arith.addi %add3A_753, %scan3A_594 : i32
        %get3A_755 = arith.index_cast %add3A_754 : i32 to index
        %get3A_756 = arith.constant 96 : index
        %get3A_757 = tpu.vector_load %arg12[%get3A_755, %get3A_756] {strides = array<i32>} : memref<128x128xf32, #tpu.memory_space<vmem>>, vector<16xf32>,
        %add3A_758 = arith.addf %get3A_752, %get3A_757 : vector<16xf32>
        %add3A_759 = arith.constant 0 : i32
        %add3A_760 = arith.addi %add3A_759, %scan3A_594 : i32
        %get3A_761 = arith.index_cast %add3A_760 : i32 to index
        %get3A_762 = arith.constant 112 : index
        %get3A_763 = tpu.vector_load %arg12[%get3A_761, %get3A_762] {strides = array<i32>} : memref<128x128xf32, #tpu.memory_space<vmem>>, vector<16xf32>,
        %add3A_764 = arith.constant 64 : i32
        %add3A_765 = arith.addi %add3A_764, %scan3A_594 : i32
        %get3A_766 = arith.index_cast %add3A_765 : i32 to index
        %get3A_767 = arith.constant 112 : index
        %get3A_768 = tpu.vector_load %arg12[%get3A_766, %get3A_767] {strides = array<i32>} : memref<128x128xf32, #tpu.memory_space<vmem>>, vector<16xf32>,
        %add3A_769 = arith.addf %get3A_763, %get3A_768 : vector<16xf32>
        %mul3A_770 = arith.constant 2.000000e-01 : f32
        %mul3A_771 = vector.broadcast %mul3A_770 : f32 to vector<16xf32>
        %mul3A_772 = arith.mulf %mul3A_771, %add3A_758 : vector<16xf32>
        %max3A_773 = arith.maximumf %add3A_758, %mul3A_772 : vector<16xf32>
        %get3A_774 = arith.constant 6 : i32
        %get3A_775 = arith.index_cast %get3A_774 : i32 to index
        %get3A_776 = arith.constant 0 : index
        %get3A_777 = tpu.vector_load %arg13[%get3A_775, %get3A_776] {strides = array<i32>} : memref<8x16xf32, #tpu.memory_space<vmem>>, vector<16xf32>,
        %mul3A_778 = arith.mulf %max3A_773, %get3A_777 : vector<16xf32>
        %mul3A_779 = arith.constant 2.000000e-01 : f32
        %mul3A_780 = vector.broadcast %mul3A_779 : f32 to vector<16xf32>
        %mul3A_781 = arith.mulf %mul3A_780, %add3A_769 : vector<16xf32>
        %max3A_782 = arith.maximumf %add3A_769, %mul3A_781 : vector<16xf32>
        %get3A_783 = arith.constant 7 : i32
        %get3A_784 = arith.index_cast %get3A_783 : i32 to index
        %get3A_785 = arith.constant 0 : index
        %get3A_786 = tpu.vector_load %arg13[%get3A_784, %get3A_785] {strides = array<i32>} : memref<8x16xf32, #tpu.memory_space<vmem>>, vector<16xf32>,
        %mul3A_787 = arith.mulf %max3A_782, %get3A_786 : vector<16xf32>
        %add3A_788 = arith.addf %mul3A_778, %mul3A_787 : vector<16xf32>
        %broadcast_in_dim3A_789 = arith.constant true
        %broadcast_in_dim3A_790 = vector.broadcast %broadcast_in_dim3A_789 : i1 to vector<16xi1>
        %masked_cumsum3A_791 = tpu.scan <sum>, %add3A_788 masked %broadcast_in_dim3A_790 : vector<16xf32>, vector<16xi1> -> vector<16xf32>
        %broadcast_in_dim3A_792 = arith.constant 3 : i32
        %broadcast_in_dim3A_793 = vector.broadcast %broadcast_in_dim3A_792 : i32 to vector<16xi32>
        %broadcast_in_dim3A_794 = vector.broadcast %scan3A_594 : i32 to vector<16xi32>
        %iota3A_795 = tpu.iota {dimensions = array<i32: 0>} : vector<16xi32>
        %eq3A_796 = arith.constant 15 : i32
        %eq3A_797 = vector.broadcast %eq3A_796 : i32 to vector<16xi32>
        %eq3A_798 = arith.cmpi eq, %iota3A_795, %eq3A_797 : vector<16xi32>
        tpu.vector_store_idx %arg14[%broadcast_in_dim3A_793, %broadcast_in_dim3A_794], %masked_cumsum3A_791 masked %eq3A_798 : memref<4x64xf32, #tpu.memory_space<vmem>>[vector<16xi32>, vector<16xi32>], vector<16xf32>, vector<16xi1>
        %scan3A_799 = arith.constant 3 : i32
        %scan3A_800 = arith.addi %scan3A_185, %scan3A_799 : i32
        %add3A_801 = arith.constant 0 : i32
        %add3A_802 = arith.addi %add3A_801, %scan3A_800 : i32
        %get3A_803 = arith.index_cast %add3A_802 : i32 to index
        %get3A_804 = arith.constant 0 : index
        %get3A_805 = tpu.vector_load %arg12[%get3A_803, %get3A_804] {strides = array<i32>} : memref<128x128xf32, #tpu.memory_space<vmem>>, vector<16xf32>,
        %add3A_806 = arith.constant 64 : i32
        %add3A_807 = arith.addi %add3A_806, %scan3A_800 : i32
        %get3A_808 = arith.index_cast %add3A_807 : i32 to index
        %get3A_809 = arith.constant 0 : index
        %get3A_810 = tpu.vector_load %arg12[%get3A_808, %get3A_809] {strides = array<i32>} : memref<128x128xf32, #tpu.memory_space<vmem>>, vector<16xf32>,
        %add3A_811 = arith.addf %get3A_805, %get3A_810 : vector<16xf32>
        %add3A_812 = arith.constant 0 : i32
        %add3A_813 = arith.addi %add3A_812, %scan3A_800 : i32
        %get3A_814 = arith.index_cast %add3A_813 : i32 to index
        %get3A_815 = arith.constant 16 : index
        %get3A_816 = tpu.vector_load %arg12[%get3A_814, %get3A_815] {strides = array<i32>} : memref<128x128xf32, #tpu.memory_space<vmem>>, vector<16xf32>,
        %add3A_817 = arith.constant 64 : i32
        %add3A_818 = arith.addi %add3A_817, %scan3A_800 : i32
        %get3A_819 = arith.index_cast %add3A_818 : i32 to index
        %get3A_820 = arith.constant 16 : index
        %get3A_821 = tpu.vector_load %arg12[%get3A_819, %get3A_820] {strides = array<i32>} : memref<128x128xf32, #tpu.memory_space<vmem>>, vector<16xf32>,
        %add3A_822 = arith.addf %get3A_816, %get3A_821 : vector<16xf32>
        %mul3A_823 = arith.constant 2.000000e-01 : f32
        %mul3A_824 = vector.broadcast %mul3A_823 : f32 to vector<16xf32>
        %mul3A_825 = arith.mulf %mul3A_824, %add3A_811 : vector<16xf32>
        %max3A_826 = arith.maximumf %add3A_811, %mul3A_825 : vector<16xf32>
        %get3A_827 = arith.constant 0 : i32
        %get3A_828 = arith.index_cast %get3A_827 : i32 to index
        %get3A_829 = arith.constant 0 : index
        %get3A_830 = tpu.vector_load %arg13[%get3A_828, %get3A_829] {strides = array<i32>} : memref<8x16xf32, #tpu.memory_space<vmem>>, vector<16xf32>,
        %mul3A_831 = arith.mulf %max3A_826, %get3A_830 : vector<16xf32>
        %mul3A_832 = arith.constant 2.000000e-01 : f32
        %mul3A_833 = vector.broadcast %mul3A_832 : f32 to vector<16xf32>
        %mul3A_834 = arith.mulf %mul3A_833, %add3A_822 : vector<16xf32>
        %max3A_835 = arith.maximumf %add3A_822, %mul3A_834 : vector<16xf32>
        %get3A_836 = arith.constant 1 : i32
        %get3A_837 = arith.index_cast %get3A_836 : i32 to index
        %get3A_838 = arith.constant 0 : index
        %get3A_839 = tpu.vector_load %arg13[%get3A_837, %get3A_838] {strides = array<i32>} : memref<8x16xf32, #tpu.memory_space<vmem>>, vector<16xf32>,
        %mul3A_840 = arith.mulf %max3A_835, %get3A_839 : vector<16xf32>
        %add3A_841 = arith.addf %mul3A_831, %mul3A_840 : vector<16xf32>
        %broadcast_in_dim3A_842 = arith.constant true
        %broadcast_in_dim3A_843 = vector.broadcast %broadcast_in_dim3A_842 : i1 to vector<16xi1>
        %masked_cumsum3A_844 = tpu.scan <sum>, %add3A_841 masked %broadcast_in_dim3A_843 : vector<16xf32>, vector<16xi1> -> vector<16xf32>
        %broadcast_in_dim3A_845 = arith.constant 0 : i32
        %broadcast_in_dim3A_846 = vector.broadcast %broadcast_in_dim3A_845 : i32 to vector<16xi32>
        %broadcast_in_dim3A_847 = vector.broadcast %scan3A_800 : i32 to vector<16xi32>
        %iota3A_848 = tpu.iota {dimensions = array<i32: 0>} : vector<16xi32>
        %eq3A_849 = arith.constant 15 : i32
        %eq3A_850 = vector.broadcast %eq3A_849 : i32 to vector<16xi32>
        %eq3A_851 = arith.cmpi eq, %iota3A_848, %eq3A_850 : vector<16xi32>
        tpu.vector_store_idx %arg14[%broadcast_in_dim3A_846, %broadcast_in_dim3A_847], %masked_cumsum3A_844 masked %eq3A_851 : memref<4x64xf32, #tpu.memory_space<vmem>>[vector<16xi32>, vector<16xi32>], vector<16xf32>, vector<16xi1>
        %add3A_852 = arith.constant 0 : i32
        %add3A_853 = arith.addi %add3A_852, %scan3A_800 : i32
        %get3A_854 = arith.index_cast %add3A_853 : i32 to index
        %get3A_855 = arith.constant 32 : index
        %get3A_856 = tpu.vector_load %arg12[%get3A_854, %get3A_855] {strides = array<i32>} : memref<128x128xf32, #tpu.memory_space<vmem>>, vector<16xf32>,
        %add3A_857 = arith.constant 64 : i32
        %add3A_858 = arith.addi %add3A_857, %scan3A_800 : i32
        %get3A_859 = arith.index_cast %add3A_858 : i32 to index
        %get3A_860 = arith.constant 32 : index
        %get3A_861 = tpu.vector_load %arg12[%get3A_859, %get3A_860] {strides = array<i32>} : memref<128x128xf32, #tpu.memory_space<vmem>>, vector<16xf32>,
        %add3A_862 = arith.addf %get3A_856, %get3A_861 : vector<16xf32>
        %add3A_863 = arith.constant 0 : i32
        %add3A_864 = arith.addi %add3A_863, %scan3A_800 : i32
        %get3A_865 = arith.index_cast %add3A_864 : i32 to index
        %get3A_866 = arith.constant 48 : index
        %get3A_867 = tpu.vector_load %arg12[%get3A_865, %get3A_866] {strides = array<i32>} : memref<128x128xf32, #tpu.memory_space<vmem>>, vector<16xf32>,
        %add3A_868 = arith.constant 64 : i32
        %add3A_869 = arith.addi %add3A_868, %scan3A_800 : i32
        %get3A_870 = arith.index_cast %add3A_869 : i32 to index
        %get3A_871 = arith.constant 48 : index
        %get3A_872 = tpu.vector_load %arg12[%get3A_870, %get3A_871] {strides = array<i32>} : memref<128x128xf32, #tpu.memory_space<vmem>>, vector<16xf32>,
        %add3A_873 = arith.addf %get3A_867, %get3A_872 : vector<16xf32>
        %mul3A_874 = arith.constant 2.000000e-01 : f32
        %mul3A_875 = vector.broadcast %mul3A_874 : f32 to vector<16xf32>
        %mul3A_876 = arith.mulf %mul3A_875, %add3A_862 : vector<16xf32>
        %max3A_877 = arith.maximumf %add3A_862, %mul3A_876 : vector<16xf32>
        %get3A_878 = arith.constant 2 : i32
        %get3A_879 = arith.index_cast %get3A_878 : i32 to index
        %get3A_880 = arith.constant 0 : index
        %get3A_881 = tpu.vector_load %arg13[%get3A_879, %get3A_880] {strides = array<i32>} : memref<8x16xf32, #tpu.memory_space<vmem>>, vector<16xf32>,
        %mul3A_882 = arith.mulf %max3A_877, %get3A_881 : vector<16xf32>
        %mul3A_883 = arith.constant 2.000000e-01 : f32
        %mul3A_884 = vector.broadcast %mul3A_883 : f32 to vector<16xf32>
        %mul3A_885 = arith.mulf %mul3A_884, %add3A_873 : vector<16xf32>
        %max3A_886 = arith.maximumf %add3A_873, %mul3A_885 : vector<16xf32>
        %get3A_887 = arith.constant 3 : i32
        %get3A_888 = arith.index_cast %get3A_887 : i32 to index
        %get3A_889 = arith.constant 0 : index
        %get3A_890 = tpu.vector_load %arg13[%get3A_888, %get3A_889] {strides = array<i32>} : memref<8x16xf32, #tpu.memory_space<vmem>>, vector<16xf32>,
        %mul3A_891 = arith.mulf %max3A_886, %get3A_890 : vector<16xf32>
        %add3A_892 = arith.addf %mul3A_882, %mul3A_891 : vector<16xf32>
        %broadcast_in_dim3A_893 = arith.constant true
        %broadcast_in_dim3A_894 = vector.broadcast %broadcast_in_dim3A_893 : i1 to vector<16xi1>
        %masked_cumsum3A_895 = tpu.scan <sum>, %add3A_892 masked %broadcast_in_dim3A_894 : vector<16xf32>, vector<16xi1> -> vector<16xf32>
        %broadcast_in_dim3A_896 = arith.constant 1 : i32
        %broadcast_in_dim3A_897 = vector.broadcast %broadcast_in_dim3A_896 : i32 to vector<16xi32>
        %broadcast_in_dim3A_898 = vector.broadcast %scan3A_800 : i32 to vector<16xi32>
        %iota3A_899 = tpu.iota {dimensions = array<i32: 0>} : vector<16xi32>
        %eq3A_900 = arith.constant 15 : i32
        %eq3A_901 = vector.broadcast %eq3A_900 : i32 to vector<16xi32>
        %eq3A_902 = arith.cmpi eq, %iota3A_899, %eq3A_901 : vector<16xi32>
        tpu.vector_store_idx %arg14[%broadcast_in_dim3A_897, %broadcast_in_dim3A_898], %masked_cumsum3A_895 masked %eq3A_902 : memref<4x64xf32, #tpu.memory_space<vmem>>[vector<16xi32>, vector<16xi32>], vector<16xf32>, vector<16xi1>
        %add3A_903 = arith.constant 0 : i32
        %add3A_904 = arith.addi %add3A_903, %scan3A_800 : i32
        %get3A_905 = arith.index_cast %add3A_904 : i32 to index
        %get3A_906 = arith.constant 64 : index
        %get3A_907 = tpu.vector_load %arg12[%get3A_905, %get3A_906] {strides = array<i32>} : memref<128x128xf32, #tpu.memory_space<vmem>>, vector<16xf32>,
        %add3A_908 = arith.constant 64 : i32
        %add3A_909 = arith.addi %add3A_908, %scan3A_800 : i32
        %get3A_910 = arith.index_cast %add3A_909 : i32 to index
        %get3A_911 = arith.constant 64 : index
        %get3A_912 = tpu.vector_load %arg12[%get3A_910, %get3A_911] {strides = array<i32>} : memref<128x128xf32, #tpu.memory_space<vmem>>, vector<16xf32>,
        %add3A_913 = arith.addf %get3A_907, %get3A_912 : vector<16xf32>
        %add3A_914 = arith.constant 0 : i32
        %add3A_915 = arith.addi %add3A_914, %scan3A_800 : i32
        %get3A_916 = arith.index_cast %add3A_915 : i32 to index
        %get3A_917 = arith.constant 80 : index
        %get3A_918 = tpu.vector_load %arg12[%get3A_916, %get3A_917] {strides = array<i32>} : memref<128x128xf32, #tpu.memory_space<vmem>>, vector<16xf32>,
        %add3A_919 = arith.constant 64 : i32
        %add3A_920 = arith.addi %add3A_919, %scan3A_800 : i32
        %get3A_921 = arith.index_cast %add3A_920 : i32 to index
        %get3A_922 = arith.constant 80 : index
        %get3A_923 = tpu.vector_load %arg12[%get3A_921, %get3A_922] {strides = array<i32>} : memref<128x128xf32, #tpu.memory_space<vmem>>, vector<16xf32>,
        %add3A_924 = arith.addf %get3A_918, %get3A_923 : vector<16xf32>
        %mul3A_925 = arith.constant 2.000000e-01 : f32
        %mul3A_926 = vector.broadcast %mul3A_925 : f32 to vector<16xf32>
        %mul3A_927 = arith.mulf %mul3A_926, %add3A_913 : vector<16xf32>
        %max3A_928 = arith.maximumf %add3A_913, %mul3A_927 : vector<16xf32>
        %get3A_929 = arith.constant 4 : i32
        %get3A_930 = arith.index_cast %get3A_929 : i32 to index
        %get3A_931 = arith.constant 0 : index
        %get3A_932 = tpu.vector_load %arg13[%get3A_930, %get3A_931] {strides = array<i32>} : memref<8x16xf32, #tpu.memory_space<vmem>>, vector<16xf32>,
        %mul3A_933 = arith.mulf %max3A_928, %get3A_932 : vector<16xf32>
        %mul3A_934 = arith.constant 2.000000e-01 : f32
        %mul3A_935 = vector.broadcast %mul3A_934 : f32 to vector<16xf32>
        %mul3A_936 = arith.mulf %mul3A_935, %add3A_924 : vector<16xf32>
        %max3A_937 = arith.maximumf %add3A_924, %mul3A_936 : vector<16xf32>
        %get3A_938 = arith.constant 5 : i32
        %get3A_939 = arith.index_cast %get3A_938 : i32 to index
        %get3A_940 = arith.constant 0 : index
        %get3A_941 = tpu.vector_load %arg13[%get3A_939, %get3A_940] {strides = array<i32>} : memref<8x16xf32, #tpu.memory_space<vmem>>, vector<16xf32>,
        %mul3A_942 = arith.mulf %max3A_937, %get3A_941 : vector<16xf32>
        %add3A_943 = arith.addf %mul3A_933, %mul3A_942 : vector<16xf32>
        %broadcast_in_dim3A_944 = arith.constant true
        %broadcast_in_dim3A_945 = vector.broadcast %broadcast_in_dim3A_944 : i1 to vector<16xi1>
        %masked_cumsum3A_946 = tpu.scan <sum>, %add3A_943 masked %broadcast_in_dim3A_945 : vector<16xf32>, vector<16xi1> -> vector<16xf32>
        %broadcast_in_dim3A_947 = arith.constant 2 : i32
        %broadcast_in_dim3A_948 = vector.broadcast %broadcast_in_dim3A_947 : i32 to vector<16xi32>
        %broadcast_in_dim3A_949 = vector.broadcast %scan3A_800 : i32 to vector<16xi32>
        %iota3A_950 = tpu.iota {dimensions = array<i32: 0>} : vector<16xi32>
        %eq3A_951 = arith.constant 15 : i32
        %eq3A_952 = vector.broadcast %eq3A_951 : i32 to vector<16xi32>
        %eq3A_953 = arith.cmpi eq, %iota3A_950, %eq3A_952 : vector<16xi32>
        tpu.vector_store_idx %arg14[%broadcast_in_dim3A_948, %broadcast_in_dim3A_949], %masked_cumsum3A_946 masked %eq3A_953 : memref<4x64xf32, #tpu.memory_space<vmem>>[vector<16xi32>, vector<16xi32>], vector<16xf32>, vector<16xi1>
        %add3A_954 = arith.constant 0 : i32
        %add3A_955 = arith.addi %add3A_954, %scan3A_800 : i32
        %get3A_956 = arith.index_cast %add3A_955 : i32 to index
        %get3A_957 = arith.constant 96 : index
        %get3A_958 = tpu.vector_load %arg12[%get3A_956, %get3A_957] {strides = array<i32>} : memref<128x128xf32, #tpu.memory_space<vmem>>, vector<16xf32>,
        %add3A_959 = arith.constant 64 : i32
        %add3A_960 = arith.addi %add3A_959, %scan3A_800 : i32
        %get3A_961 = arith.index_cast %add3A_960 : i32 to index
        %get3A_962 = arith.constant 96 : index
        %get3A_963 = tpu.vector_load %arg12[%get3A_961, %get3A_962] {strides = array<i32>} : memref<128x128xf32, #tpu.memory_space<vmem>>, vector<16xf32>,
        %add3A_964 = arith.addf %get3A_958, %get3A_963 : vector<16xf32>
        %add3A_965 = arith.constant 0 : i32
        %add3A_966 = arith.addi %add3A_965, %scan3A_800 : i32
        %get3A_967 = arith.index_cast %add3A_966 : i32 to index
        %get3A_968 = arith.constant 112 : index
        %get3A_969 = tpu.vector_load %arg12[%get3A_967, %get3A_968] {strides = array<i32>} : memref<128x128xf32, #tpu.memory_space<vmem>>, vector<16xf32>,
        %add3A_970 = arith.constant 64 : i32
        %add3A_971 = arith.addi %add3A_970, %scan3A_800 : i32
        %get3A_972 = arith.index_cast %add3A_971 : i32 to index
        %get3A_973 = arith.constant 112 : index
        %get3A_974 = tpu.vector_load %arg12[%get3A_972, %get3A_973] {strides = array<i32>} : memref<128x128xf32, #tpu.memory_space<vmem>>, vector<16xf32>,
        %add3A_975 = arith.addf %get3A_969, %get3A_974 : vector<16xf32>
        %mul3A_976 = arith.constant 2.000000e-01 : f32
        %mul3A_977 = vector.broadcast %mul3A_976 : f32 to vector<16xf32>
        %mul3A_978 = arith.mulf %mul3A_977, %add3A_964 : vector<16xf32>
        %max3A_979 = arith.maximumf %add3A_964, %mul3A_978 : vector<16xf32>
        %get3A_980 = arith.constant 6 : i32
        %get3A_981 = arith.index_cast %get3A_980 : i32 to index
        %get3A_982 = arith.constant 0 : index
        %get3A_983 = tpu.vector_load %arg13[%get3A_981, %get3A_982] {strides = array<i32>} : memref<8x16xf32, #tpu.memory_space<vmem>>, vector<16xf32>,
        %mul3A_984 = arith.mulf %max3A_979, %get3A_983 : vector<16xf32>
        %mul3A_985 = arith.constant 2.000000e-01 : f32
        %mul3A_986 = vector.broadcast %mul3A_985 : f32 to vector<16xf32>
        %mul3A_987 = arith.mulf %mul3A_986, %add3A_975 : vector<16xf32>
        %max3A_988 = arith.maximumf %add3A_975, %mul3A_987 : vector<16xf32>
        %get3A_989 = arith.constant 7 : i32
        %get3A_990 = arith.index_cast %get3A_989 : i32 to index
        %get3A_991 = arith.constant 0 : index
        %get3A_992 = tpu.vector_load %arg13[%get3A_990, %get3A_991] {strides = array<i32>} : memref<8x16xf32, #tpu.memory_space<vmem>>, vector<16xf32>,
        %mul3A_993 = arith.mulf %max3A_988, %get3A_992 : vector<16xf32>
        %add3A_994 = arith.addf %mul3A_984, %mul3A_993 : vector<16xf32>
        %broadcast_in_dim3A_995 = arith.constant true
        %broadcast_in_dim3A_996 = vector.broadcast %broadcast_in_dim3A_995 : i1 to vector<16xi1>
        %masked_cumsum3A_997 = tpu.scan <sum>, %add3A_994 masked %broadcast_in_dim3A_996 : vector<16xf32>, vector<16xi1> -> vector<16xf32>
        %broadcast_in_dim3A_998 = arith.constant 3 : i32
        %broadcast_in_dim3A_999 = vector.broadcast %broadcast_in_dim3A_998 : i32 to vector<16xi32>
        %broadcast_in_dim3A_1000 = vector.broadcast %scan3A_800 : i32 to vector<16xi32>
        %iota3A_1001 = tpu.iota {dimensions = array<i32: 0>} : vector<16xi32>
        %eq3A_1002 = arith.constant 15 : i32
        %eq3A_1003 = vector.broadcast %eq3A_1002 : i32 to vector<16xi32>
        %eq3A_1004 = arith.cmpi eq, %iota3A_1001, %eq3A_1003 : vector<16xi32>
        tpu.vector_store_idx %arg14[%broadcast_in_dim3A_999, %broadcast_in_dim3A_1000], %masked_cumsum3A_997 masked %eq3A_1004 : memref<4x64xf32, #tpu.memory_space<vmem>>[vector<16xi32>, vector<16xi32>], vector<16xf32>, vector<16xi1>
      }
      %scan3A_36 = arith.constant 64 : i32
      %iota3A = tpu.iota {dimensions = array<i32: 0>} : vector<16xi32>
      %add3A_37 = arith.constant 0 : i32
      %add3A_38 = vector.broadcast %add3A_37 : i32 to vector<16xi32>
      %add3A_39 = arith.addi %add3A_38, %iota3A : vector<16xi32>
      %get3A = arith.constant 0 : i32
      %get3A_40 = arith.index_cast %get3A : i32 to index
      %get3A_41 = arith.constant 0 : index
      %get3A_42 = tpu.vector_load %arg14[%get3A_40, %get3A_41] {strides = array<i32>} : memref<4x64xf32, #tpu.memory_space<vmem>>, vector<16xf32>,
      %exp3A = math.exp %get3A_42 : vector<16xf32>
      %broadcast_in_dim3A = arith.constant 0 : i32
      %broadcast_in_dim3A_43 = vector.broadcast %broadcast_in_dim3A : i32 to vector<16xi32>
      tpu.vector_store_idx %arg15[%add3A_39, %broadcast_in_dim3A_43], %exp3A : memref<64x4xf32, #tpu.memory_space<vmem>>[vector<16xi32>, vector<16xi32>], vector<16xf32>,
      %get3A_44 = arith.constant 1 : i32
      %get3A_45 = arith.index_cast %get3A_44 : i32 to index
      %get3A_46 = arith.constant 0 : index
      %get3A_47 = tpu.vector_load %arg14[%get3A_45, %get3A_46] {strides = array<i32>} : memref<4x64xf32, #tpu.memory_space<vmem>>, vector<16xf32>,
      %exp3A_48 = math.exp %get3A_47 : vector<16xf32>
      %broadcast_in_dim3A_49 = arith.constant 1 : i32
      %broadcast_in_dim3A_50 = vector.broadcast %broadcast_in_dim3A_49 : i32 to vector<16xi32>
      tpu.vector_store_idx %arg15[%add3A_39, %broadcast_in_dim3A_50], %exp3A_48 : memref<64x4xf32, #tpu.memory_space<vmem>>[vector<16xi32>, vector<16xi32>], vector<16xf32>,
      %get3A_51 = arith.constant 2 : i32
      %get3A_52 = arith.index_cast %get3A_51 : i32 to index
      %get3A_53 = arith.constant 0 : index
      %get3A_54 = tpu.vector_load %arg14[%get3A_52, %get3A_53] {strides = array<i32>} : memref<4x64xf32, #tpu.memory_space<vmem>>, vector<16xf32>,
      %exp3A_55 = math.exp %get3A_54 : vector<16xf32>
      %broadcast_in_dim3A_56 = arith.constant 2 : i32
      %broadcast_in_dim3A_57 = vector.broadcast %broadcast_in_dim3A_56 : i32 to vector<16xi32>
      tpu.vector_store_idx %arg15[%add3A_39, %broadcast_in_dim3A_57], %exp3A_55 : memref<64x4xf32, #tpu.memory_space<vmem>>[vector<16xi32>, vector<16xi32>], vector<16xf32>,
      %get3A_58 = arith.constant 3 : i32
      %get3A_59 = arith.index_cast %get3A_58 : i32 to index
      %get3A_60 = arith.constant 0 : index
      %get3A_61 = tpu.vector_load %arg14[%get3A_59, %get3A_60] {strides = array<i32>} : memref<4x64xf32, #tpu.memory_space<vmem>>, vector<16xf32>,
      %exp3A_62 = math.exp %get3A_61 : vector<16xf32>
      %broadcast_in_dim3A_63 = arith.constant 3 : i32
      %broadcast_in_dim3A_64 = vector.broadcast %broadcast_in_dim3A_63 : i32 to vector<16xi32>
      tpu.vector_store_idx %arg15[%add3A_39, %broadcast_in_dim3A_64], %exp3A_62 : memref<64x4xf32, #tpu.memory_space<vmem>>[vector<16xi32>, vector<16xi32>], vector<16xf32>,
      %iota3A_65 = tpu.iota {dimensions = array<i32: 0>} : vector<16xi32>
      %add3A_66 = arith.constant 16 : i32
      %add3A_67 = vector.broadcast %add3A_66 : i32 to vector<16xi32>
      %add3A_68 = arith.addi %add3A_67, %iota3A_65 : vector<16xi32>
      %get3A_69 = arith.constant 0 : i32
      %get3A_70 = arith.index_cast %get3A_69 : i32 to index
      %get3A_71 = arith.constant 16 : index
      %get3A_72 = tpu.vector_load %arg14[%get3A_70, %get3A_71] {strides = array<i32>} : memref<4x64xf32, #tpu.memory_space<vmem>>, vector<16xf32>,
      %exp3A_73 = math.exp %get3A_72 : vector<16xf32>
      %broadcast_in_dim3A_74 = arith.constant 0 : i32
      %broadcast_in_dim3A_75 = vector.broadcast %broadcast_in_dim3A_74 : i32 to vector<16xi32>
      tpu.vector_store_idx %arg15[%add3A_68, %broadcast_in_dim3A_75], %exp3A_73 : memref<64x4xf32, #tpu.memory_space<vmem>>[vector<16xi32>, vector<16xi32>], vector<16xf32>,
      %get3A_76 = arith.constant 1 : i32
      %get3A_77 = arith.index_cast %get3A_76 : i32 to index
      %get3A_78 = arith.constant 16 : index
      %get3A_79 = tpu.vector_load %arg14[%get3A_77, %get3A_78] {strides = array<i32>} : memref<4x64xf32, #tpu.memory_space<vmem>>, vector<16xf32>,
      %exp3A_80 = math.exp %get3A_79 : vector<16xf32>
      %broadcast_in_dim3A_81 = arith.constant 1 : i32
      %broadcast_in_dim3A_82 = vector.broadcast %broadcast_in_dim3A_81 : i32 to vector<16xi32>
      tpu.vector_store_idx %arg15[%add3A_68, %broadcast_in_dim3A_82], %exp3A_80 : memref<64x4xf32, #tpu.memory_space<vmem>>[vector<16xi32>, vector<16xi32>], vector<16xf32>,
      %get3A_83 = arith.constant 2 : i32
      %get3A_84 = arith.index_cast %get3A_83 : i32 to index
      %get3A_85 = arith.constant 16 : index
      %get3A_86 = tpu.vector_load %arg14[%get3A_84, %get3A_85] {strides = array<i32>} : memref<4x64xf32, #tpu.memory_space<vmem>>, vector<16xf32>,
      %exp3A_87 = math.exp %get3A_86 : vector<16xf32>
      %broadcast_in_dim3A_88 = arith.constant 2 : i32
      %broadcast_in_dim3A_89 = vector.broadcast %broadcast_in_dim3A_88 : i32 to vector<16xi32>
      tpu.vector_store_idx %arg15[%add3A_68, %broadcast_in_dim3A_89], %exp3A_87 : memref<64x4xf32, #tpu.memory_space<vmem>>[vector<16xi32>, vector<16xi32>], vector<16xf32>,
      %get3A_90 = arith.constant 3 : i32
      %get3A_91 = arith.index_cast %get3A_90 : i32 to index
      %get3A_92 = arith.constant 16 : index
      %get3A_93 = tpu.vector_load %arg14[%get3A_91, %get3A_92] {strides = array<i32>} : memref<4x64xf32, #tpu.memory_space<vmem>>, vector<16xf32>,
      %exp3A_94 = math.exp %get3A_93 : vector<16xf32>
      %broadcast_in_dim3A_95 = arith.constant 3 : i32
      %broadcast_in_dim3A_96 = vector.broadcast %broadcast_in_dim3A_95 : i32 to vector<16xi32>
      tpu.vector_store_idx %arg15[%add3A_68, %broadcast_in_dim3A_96], %exp3A_94 : memref<64x4xf32, #tpu.memory_space<vmem>>[vector<16xi32>, vector<16xi32>], vector<16xf32>,
      %iota3A_97 = tpu.iota {dimensions = array<i32: 0>} : vector<16xi32>
      %add3A_98 = arith.constant 32 : i32
      %add3A_99 = vector.broadcast %add3A_98 : i32 to vector<16xi32>
      %add3A_100 = arith.addi %add3A_99, %iota3A_97 : vector<16xi32>
      %get3A_101 = arith.constant 0 : i32
      %get3A_102 = arith.index_cast %get3A_101 : i32 to index
      %get3A_103 = arith.constant 32 : index
      %get3A_104 = tpu.vector_load %arg14[%get3A_102, %get3A_103] {strides = array<i32>} : memref<4x64xf32, #tpu.memory_space<vmem>>, vector<16xf32>,
      %exp3A_105 = math.exp %get3A_104 : vector<16xf32>
      %broadcast_in_dim3A_106 = arith.constant 0 : i32
      %broadcast_in_dim3A_107 = vector.broadcast %broadcast_in_dim3A_106 : i32 to vector<16xi32>
      tpu.vector_store_idx %arg15[%add3A_100, %broadcast_in_dim3A_107], %exp3A_105 : memref<64x4xf32, #tpu.memory_space<vmem>>[vector<16xi32>, vector<16xi32>], vector<16xf32>,
      %get3A_108 = arith.constant 1 : i32
      %get3A_109 = arith.index_cast %get3A_108 : i32 to index
      %get3A_110 = arith.constant 32 : index
      %get3A_111 = tpu.vector_load %arg14[%get3A_109, %get3A_110] {strides = array<i32>} : memref<4x64xf32, #tpu.memory_space<vmem>>, vector<16xf32>,
      %exp3A_112 = math.exp %get3A_111 : vector<16xf32>
      %broadcast_in_dim3A_113 = arith.constant 1 : i32
      %broadcast_in_dim3A_114 = vector.broadcast %broadcast_in_dim3A_113 : i32 to vector<16xi32>
      tpu.vector_store_idx %arg15[%add3A_100, %broadcast_in_dim3A_114], %exp3A_112 : memref<64x4xf32, #tpu.memory_space<vmem>>[vector<16xi32>, vector<16xi32>], vector<16xf32>,
      %get3A_115 = arith.constant 2 : i32
      %get3A_116 = arith.index_cast %get3A_115 : i32 to index
      %get3A_117 = arith.constant 32 : index
      %get3A_118 = tpu.vector_load %arg14[%get3A_116, %get3A_117] {strides = array<i32>} : memref<4x64xf32, #tpu.memory_space<vmem>>, vector<16xf32>,
      %exp3A_119 = math.exp %get3A_118 : vector<16xf32>
      %broadcast_in_dim3A_120 = arith.constant 2 : i32
      %broadcast_in_dim3A_121 = vector.broadcast %broadcast_in_dim3A_120 : i32 to vector<16xi32>
      tpu.vector_store_idx %arg15[%add3A_100, %broadcast_in_dim3A_121], %exp3A_119 : memref<64x4xf32, #tpu.memory_space<vmem>>[vector<16xi32>, vector<16xi32>], vector<16xf32>,
      %get3A_122 = arith.constant 3 : i32
      %get3A_123 = arith.index_cast %get3A_122 : i32 to index
      %get3A_124 = arith.constant 32 : index
      %get3A_125 = tpu.vector_load %arg14[%get3A_123, %get3A_124] {strides = array<i32>} : memref<4x64xf32, #tpu.memory_space<vmem>>, vector<16xf32>,
      %exp3A_126 = math.exp %get3A_125 : vector<16xf32>
      %broadcast_in_dim3A_127 = arith.constant 3 : i32
      %broadcast_in_dim3A_128 = vector.broadcast %broadcast_in_dim3A_127 : i32 to vector<16xi32>
      tpu.vector_store_idx %arg15[%add3A_100, %broadcast_in_dim3A_128], %exp3A_126 : memref<64x4xf32, #tpu.memory_space<vmem>>[vector<16xi32>, vector<16xi32>], vector<16xf32>,
      %iota3A_129 = tpu.iota {dimensions = array<i32: 0>} : vector<16xi32>
      %add3A_130 = arith.constant 48 : i32
      %add3A_131 = vector.broadcast %add3A_130 : i32 to vector<16xi32>
      %add3A_132 = arith.addi %add3A_131, %iota3A_129 : vector<16xi32>
      %get3A_133 = arith.constant 0 : i32
      %get3A_134 = arith.index_cast %get3A_133 : i32 to index
      %get3A_135 = arith.constant 48 : index
      %get3A_136 = tpu.vector_load %arg14[%get3A_134, %get3A_135] {strides = array<i32>} : memref<4x64xf32, #tpu.memory_space<vmem>>, vector<16xf32>,
      %exp3A_137 = math.exp %get3A_136 : vector<16xf32>
      %broadcast_in_dim3A_138 = arith.constant 0 : i32
      %broadcast_in_dim3A_139 = vector.broadcast %broadcast_in_dim3A_138 : i32 to vector<16xi32>
      tpu.vector_store_idx %arg15[%add3A_132, %broadcast_in_dim3A_139], %exp3A_137 : memref<64x4xf32, #tpu.memory_space<vmem>>[vector<16xi32>, vector<16xi32>], vector<16xf32>,
      %get3A_140 = arith.constant 1 : i32
      %get3A_141 = arith.index_cast %get3A_140 : i32 to index
      %get3A_142 = arith.constant 48 : index
      %get3A_143 = tpu.vector_load %arg14[%get3A_141, %get3A_142] {strides = array<i32>} : memref<4x64xf32, #tpu.memory_space<vmem>>, vector<16xf32>,
      %exp3A_144 = math.exp %get3A_143 : vector<16xf32>
      %broadcast_in_dim3A_145 = arith.constant 1 : i32
      %broadcast_in_dim3A_146 = vector.broadcast %broadcast_in_dim3A_145 : i32 to vector<16xi32>
      tpu.vector_store_idx %arg15[%add3A_132, %broadcast_in_dim3A_146], %exp3A_144 : memref<64x4xf32, #tpu.memory_space<vmem>>[vector<16xi32>, vector<16xi32>], vector<16xf32>,
      %get3A_147 = arith.constant 2 : i32
      %get3A_148 = arith.index_cast %get3A_147 : i32 to index
      %get3A_149 = arith.constant 48 : index
      %get3A_150 = tpu.vector_load %arg14[%get3A_148, %get3A_149] {strides = array<i32>} : memref<4x64xf32, #tpu.memory_space<vmem>>, vector<16xf32>,
      %exp3A_151 = math.exp %get3A_150 : vector<16xf32>
      %broadcast_in_dim3A_152 = arith.constant 2 : i32
      %broadcast_in_dim3A_153 = vector.broadcast %broadcast_in_dim3A_152 : i32 to vector<16xi32>
      tpu.vector_store_idx %arg15[%add3A_132, %broadcast_in_dim3A_153], %exp3A_151 : memref<64x4xf32, #tpu.memory_space<vmem>>[vector<16xi32>, vector<16xi32>], vector<16xf32>,
      %get3A_154 = arith.constant 3 : i32
      %get3A_155 = arith.index_cast %get3A_154 : i32 to index
      %get3A_156 = arith.constant 48 : index
      %get3A_157 = tpu.vector_load %arg14[%get3A_155, %get3A_156] {strides = array<i32>} : memref<4x64xf32, #tpu.memory_space<vmem>>, vector<16xf32>,
      %exp3A_158 = math.exp %get3A_157 : vector<16xf32>
      %broadcast_in_dim3A_159 = arith.constant 3 : i32
      %broadcast_in_dim3A_160 = vector.broadcast %broadcast_in_dim3A_159 : i32 to vector<16xi32>
      tpu.vector_store_idx %arg15[%add3A_132, %broadcast_in_dim3A_160], %exp3A_158 : memref<64x4xf32, #tpu.memory_space<vmem>>[vector<16xi32>, vector<16xi32>], vector<16xf32>,
      %scan3A_161 = arith.constant 0 : i32
      %scan3A_162 = arith.constant 0 : i32
      %scan3A_163 = arith.constant 64 : i32
      %scan3A_164 = arith.addi %scan3A_162, %scan3A_163 : i32
      %scan3A_165 = arith.constant 4 : i32
      scf.for %scan3A_185 = %scan3A_162 to %scan3A_164 step %scan3A_165  : i32 {
        %broadcast_in_dim3A_186 = vector.broadcast %scan3A_185 : i32 to vector<16xi32>
        %broadcast_in_dim3A_187 = arith.constant 0 : i32
        %broadcast_in_dim3A_188 = vector.broadcast %broadcast_in_dim3A_187 : i32 to vector<16xi32>
        %gather3A = tpu.vector_load_idx %arg15[%broadcast_in_dim3A_186, %broadcast_in_dim3A_188] : memref<64x4xf32, #tpu.memory_space<vmem>>[vector<16xi32>, vector<16xi32>], vector<16xf32>,
        %add3A_189 = arith.constant 0 : i32
        %add3A_190 = arith.addi %add3A_189, %scan3A_185 : i32
        %get3A_191 = arith.index_cast %add3A_190 : i32 to index
        %get3A_192 = arith.constant 0 : index
        %get3A_193 = tpu.vector_load %arg12[%get3A_191, %get3A_192] {strides = array<i32>} : memref<128x128xf32, #tpu.memory_space<vmem>>, vector<16xf32>,
        %mul3A_194 = arith.mulf %get3A_193, %gather3A : vector<16xf32>
        %add3A_195 = arith.constant 0 : i32
        %add3A_196 = arith.addi %add3A_195, %scan3A_185 : i32
        %swap3A = arith.index_cast %add3A_196 : i32 to index
        %swap3A_197 = arith.constant 0 : index
        %swap3A_198 = tpu.vector_load %arg12[%swap3A, %swap3A_197] {strides = array<i32>} : memref<128x128xf32, #tpu.memory_space<vmem>>, vector<16xf32>,
        tpu.vector_store %arg12[%swap3A, %swap3A_197], %mul3A_194 {strides = array<i32>} : memref<128x128xf32, #tpu.memory_space<vmem>>, vector<16xf32>,
        %add3A_199 = arith.constant 0 : i32
        %add3A_200 = arith.addi %add3A_199, %scan3A_185 : i32
        %get3A_201 = arith.index_cast %add3A_200 : i32 to index
        %get3A_202 = arith.constant 16 : index
        %get3A_203 = tpu.vector_load %arg12[%get3A_201, %get3A_202] {strides = array<i32>} : memref<128x128xf32, #tpu.memory_space<vmem>>, vector<16xf32>,
        %mul3A_204 = arith.mulf %get3A_203, %gather3A : vector<16xf32>
        %add3A_205 = arith.constant 0 : i32
        %add3A_206 = arith.addi %add3A_205, %scan3A_185 : i32
        %swap3A_207 = arith.index_cast %add3A_206 : i32 to index
        %swap3A_208 = arith.constant 16 : index
        %swap3A_209 = tpu.vector_load %arg12[%swap3A_207, %swap3A_208] {strides = array<i32>} : memref<128x128xf32, #tpu.memory_space<vmem>>, vector<16xf32>,
        tpu.vector_store %arg12[%swap3A_207, %swap3A_208], %mul3A_204 {strides = array<i32>} : memref<128x128xf32, #tpu.memory_space<vmem>>, vector<16xf32>,
        %broadcast_in_dim3A_210 = arith.constant 1 : i32
        %broadcast_in_dim3A_211 = vector.broadcast %broadcast_in_dim3A_210 : i32 to vector<16xi32>
        %gather3A_212 = tpu.vector_load_idx %arg15[%broadcast_in_dim3A_186, %broadcast_in_dim3A_211] : memref<64x4xf32, #tpu.memory_space<vmem>>[vector<16xi32>, vector<16xi32>], vector<16xf32>,
        %add3A_213 = arith.constant 0 : i32
        %add3A_214 = arith.addi %add3A_213, %scan3A_185 : i32
        %get3A_215 = arith.index_cast %add3A_214 : i32 to index
        %get3A_216 = arith.constant 32 : index
        %get3A_217 = tpu.vector_load %arg12[%get3A_215, %get3A_216] {strides = array<i32>} : memref<128x128xf32, #tpu.memory_space<vmem>>, vector<16xf32>,
        %mul3A_218 = arith.mulf %get3A_217, %gather3A_212 : vector<16xf32>
        %add3A_219 = arith.constant 0 : i32
        %add3A_220 = arith.addi %add3A_219, %scan3A_185 : i32
        %swap3A_221 = arith.index_cast %add3A_220 : i32 to index
        %swap3A_222 = arith.constant 32 : index
        %swap3A_223 = tpu.vector_load %arg12[%swap3A_221, %swap3A_222] {strides = array<i32>} : memref<128x128xf32, #tpu.memory_space<vmem>>, vector<16xf32>,
        tpu.vector_store %arg12[%swap3A_221, %swap3A_222], %mul3A_218 {strides = array<i32>} : memref<128x128xf32, #tpu.memory_space<vmem>>, vector<16xf32>,
        %add3A_224 = arith.constant 0 : i32
        %add3A_225 = arith.addi %add3A_224, %scan3A_185 : i32
        %get3A_226 = arith.index_cast %add3A_225 : i32 to index
        %get3A_227 = arith.constant 48 : index
        %get3A_228 = tpu.vector_load %arg12[%get3A_226, %get3A_227] {strides = array<i32>} : memref<128x128xf32, #tpu.memory_space<vmem>>, vector<16xf32>,
        %mul3A_229 = arith.mulf %get3A_228, %gather3A_212 : vector<16xf32>
        %add3A_230 = arith.constant 0 : i32
        %add3A_231 = arith.addi %add3A_230, %scan3A_185 : i32
        %swap3A_232 = arith.index_cast %add3A_231 : i32 to index
        %swap3A_233 = arith.constant 48 : index
        %swap3A_234 = tpu.vector_load %arg12[%swap3A_232, %swap3A_233] {strides = array<i32>} : memref<128x128xf32, #tpu.memory_space<vmem>>, vector<16xf32>,
        tpu.vector_store %arg12[%swap3A_232, %swap3A_233], %mul3A_229 {strides = array<i32>} : memref<128x128xf32, #tpu.memory_space<vmem>>, vector<16xf32>,
        %broadcast_in_dim3A_235 = arith.constant 2 : i32
        %broadcast_in_dim3A_236 = vector.broadcast %broadcast_in_dim3A_235 : i32 to vector<16xi32>
        %gather3A_237 = tpu.vector_load_idx %arg15[%broadcast_in_dim3A_186, %broadcast_in_dim3A_236] : memref<64x4xf32, #tpu.memory_space<vmem>>[vector<16xi32>, vector<16xi32>], vector<16xf32>,
        %add3A_238 = arith.constant 0 : i32
        %add3A_239 = arith.addi %add3A_238, %scan3A_185 : i32
        %get3A_240 = arith.index_cast %add3A_239 : i32 to index
        %get3A_241 = arith.constant 64 : index
        %get3A_242 = tpu.vector_load %arg12[%get3A_240, %get3A_241] {strides = array<i32>} : memref<128x128xf32, #tpu.memory_space<vmem>>, vector<16xf32>,
        %mul3A_243 = arith.mulf %get3A_242, %gather3A_237 : vector<16xf32>
        %add3A_244 = arith.constant 0 : i32
        %add3A_245 = arith.addi %add3A_244, %scan3A_185 : i32
        %swap3A_246 = arith.index_cast %add3A_245 : i32 to index
        %swap3A_247 = arith.constant 64 : index
        %swap3A_248 = tpu.vector_load %arg12[%swap3A_246, %swap3A_247] {strides = array<i32>} : memref<128x128xf32, #tpu.memory_space<vmem>>, vector<16xf32>,
        tpu.vector_store %arg12[%swap3A_246, %swap3A_247], %mul3A_243 {strides = array<i32>} : memref<128x128xf32, #tpu.memory_space<vmem>>, vector<16xf32>,
        %add3A_249 = arith.constant 0 : i32
        %add3A_250 = arith.addi %add3A_249, %scan3A_185 : i32
        %get3A_251 = arith.index_cast %add3A_250 : i32 to index
        %get3A_252 = arith.constant 80 : index
        %get3A_253 = tpu.vector_load %arg12[%get3A_251, %get3A_252] {strides = array<i32>} : memref<128x128xf32, #tpu.memory_space<vmem>>, vector<16xf32>,
        %mul3A_254 = arith.mulf %get3A_253, %gather3A_237 : vector<16xf32>
        %add3A_255 = arith.constant 0 : i32
        %add3A_256 = arith.addi %add3A_255, %scan3A_185 : i32
        %swap3A_257 = arith.index_cast %add3A_256 : i32 to index
        %swap3A_258 = arith.constant 80 : index
        %swap3A_259 = tpu.vector_load %arg12[%swap3A_257, %swap3A_258] {strides = array<i32>} : memref<128x128xf32, #tpu.memory_space<vmem>>, vector<16xf32>,
        tpu.vector_store %arg12[%swap3A_257, %swap3A_258], %mul3A_254 {strides = array<i32>} : memref<128x128xf32, #tpu.memory_space<vmem>>, vector<16xf32>,
        %broadcast_in_dim3A_260 = arith.constant 3 : i32
        %broadcast_in_dim3A_261 = vector.broadcast %broadcast_in_dim3A_260 : i32 to vector<16xi32>
        %gather3A_262 = tpu.vector_load_idx %arg15[%broadcast_in_dim3A_186, %broadcast_in_dim3A_261] : memref<64x4xf32, #tpu.memory_space<vmem>>[vector<16xi32>, vector<16xi32>], vector<16xf32>,
        %add3A_263 = arith.constant 0 : i32
        %add3A_264 = arith.addi %add3A_263, %scan3A_185 : i32
        %get3A_265 = arith.index_cast %add3A_264 : i32 to index
        %get3A_266 = arith.constant 96 : index
        %get3A_267 = tpu.vector_load %arg12[%get3A_265, %get3A_266] {strides = array<i32>} : memref<128x128xf32, #tpu.memory_space<vmem>>, vector<16xf32>,
        %mul3A_268 = arith.mulf %get3A_267, %gather3A_262 : vector<16xf32>
        %add3A_269 = arith.constant 0 : i32
        %add3A_270 = arith.addi %add3A_269, %scan3A_185 : i32
        %swap3A_271 = arith.index_cast %add3A_270 : i32 to index
        %swap3A_272 = arith.constant 96 : index
        %swap3A_273 = tpu.vector_load %arg12[%swap3A_271, %swap3A_272] {strides = array<i32>} : memref<128x128xf32, #tpu.memory_space<vmem>>, vector<16xf32>,
        tpu.vector_store %arg12[%swap3A_271, %swap3A_272], %mul3A_268 {strides = array<i32>} : memref<128x128xf32, #tpu.memory_space<vmem>>, vector<16xf32>,
        %add3A_274 = arith.constant 0 : i32
        %add3A_275 = arith.addi %add3A_274, %scan3A_185 : i32
        %get3A_276 = arith.index_cast %add3A_275 : i32 to index
        %get3A_277 = arith.constant 112 : index
        %get3A_278 = tpu.vector_load %arg12[%get3A_276, %get3A_277] {strides = array<i32>} : memref<128x128xf32, #tpu.memory_space<vmem>>, vector<16xf32>,
        %mul3A_279 = arith.mulf %get3A_278, %gather3A_262 : vector<16xf32>
        %add3A_280 = arith.constant 0 : i32
        %add3A_281 = arith.addi %add3A_280, %scan3A_185 : i32
        %swap3A_282 = arith.index_cast %add3A_281 : i32 to index
        %swap3A_283 = arith.constant 112 : index
        %swap3A_284 = tpu.vector_load %arg12[%swap3A_282, %swap3A_283] {strides = array<i32>} : memref<128x128xf32, #tpu.memory_space<vmem>>, vector<16xf32>,
        tpu.vector_store %arg12[%swap3A_282, %swap3A_283], %mul3A_279 {strides = array<i32>} : memref<128x128xf32, #tpu.memory_space<vmem>>, vector<16xf32>,
        %scan3A_285 = arith.constant 1 : i32
        %scan3A_286 = arith.addi %scan3A_185, %scan3A_285 : i32
        %broadcast_in_dim3A_287 = vector.broadcast %scan3A_286 : i32 to vector<16xi32>
        %broadcast_in_dim3A_288 = arith.constant 0 : i32
        %broadcast_in_dim3A_289 = vector.broadcast %broadcast_in_dim3A_288 : i32 to vector<16xi32>
        %gather3A_290 = tpu.vector_load_idx %arg15[%broadcast_in_dim3A_287, %broadcast_in_dim3A_289] : memref<64x4xf32, #tpu.memory_space<vmem>>[vector<16xi32>, vector<16xi32>], vector<16xf32>,
        %add3A_291 = arith.constant 0 : i32
        %add3A_292 = arith.addi %add3A_291, %scan3A_286 : i32
        %get3A_293 = arith.index_cast %add3A_292 : i32 to index
        %get3A_294 = arith.constant 0 : index
        %get3A_295 = tpu.vector_load %arg12[%get3A_293, %get3A_294] {strides = array<i32>} : memref<128x128xf32, #tpu.memory_space<vmem>>, vector<16xf32>,
        %mul3A_296 = arith.mulf %get3A_295, %gather3A_290 : vector<16xf32>
        %add3A_297 = arith.constant 0 : i32
        %add3A_298 = arith.addi %add3A_297, %scan3A_286 : i32
        %swap3A_299 = arith.index_cast %add3A_298 : i32 to index
        %swap3A_300 = arith.constant 0 : index
        %swap3A_301 = tpu.vector_load %arg12[%swap3A_299, %swap3A_300] {strides = array<i32>} : memref<128x128xf32, #tpu.memory_space<vmem>>, vector<16xf32>,
        tpu.vector_store %arg12[%swap3A_299, %swap3A_300], %mul3A_296 {strides = array<i32>} : memref<128x128xf32, #tpu.memory_space<vmem>>, vector<16xf32>,
        %add3A_302 = arith.constant 0 : i32
        %add3A_303 = arith.addi %add3A_302, %scan3A_286 : i32
        %get3A_304 = arith.index_cast %add3A_303 : i32 to index
        %get3A_305 = arith.constant 16 : index
        %get3A_306 = tpu.vector_load %arg12[%get3A_304, %get3A_305] {strides = array<i32>} : memref<128x128xf32, #tpu.memory_space<vmem>>, vector<16xf32>,
        %mul3A_307 = arith.mulf %get3A_306, %gather3A_290 : vector<16xf32>
        %add3A_308 = arith.constant 0 : i32
        %add3A_309 = arith.addi %add3A_308, %scan3A_286 : i32
        %swap3A_310 = arith.index_cast %add3A_309 : i32 to index
        %swap3A_311 = arith.constant 16 : index
        %swap3A_312 = tpu.vector_load %arg12[%swap3A_310, %swap3A_311] {strides = array<i32>} : memref<128x128xf32, #tpu.memory_space<vmem>>, vector<16xf32>,
        tpu.vector_store %arg12[%swap3A_310, %swap3A_311], %mul3A_307 {strides = array<i32>} : memref<128x128xf32, #tpu.memory_space<vmem>>, vector<16xf32>,
        %broadcast_in_dim3A_313 = arith.constant 1 : i32
        %broadcast_in_dim3A_314 = vector.broadcast %broadcast_in_dim3A_313 : i32 to vector<16xi32>
        %gather3A_315 = tpu.vector_load_idx %arg15[%broadcast_in_dim3A_287, %broadcast_in_dim3A_314] : memref<64x4xf32, #tpu.memory_space<vmem>>[vector<16xi32>, vector<16xi32>], vector<16xf32>,
        %add3A_316 = arith.constant 0 : i32
        %add3A_317 = arith.addi %add3A_316, %scan3A_286 : i32
        %get3A_318 = arith.index_cast %add3A_317 : i32 to index
        %get3A_319 = arith.constant 32 : index
        %get3A_320 = tpu.vector_load %arg12[%get3A_318, %get3A_319] {strides = array<i32>} : memref<128x128xf32, #tpu.memory_space<vmem>>, vector<16xf32>,
        %mul3A_321 = arith.mulf %get3A_320, %gather3A_315 : vector<16xf32>
        %add3A_322 = arith.constant 0 : i32
        %add3A_323 = arith.addi %add3A_322, %scan3A_286 : i32
        %swap3A_324 = arith.index_cast %add3A_323 : i32 to index
        %swap3A_325 = arith.constant 32 : index
        %swap3A_326 = tpu.vector_load %arg12[%swap3A_324, %swap3A_325] {strides = array<i32>} : memref<128x128xf32, #tpu.memory_space<vmem>>, vector<16xf32>,
        tpu.vector_store %arg12[%swap3A_324, %swap3A_325], %mul3A_321 {strides = array<i32>} : memref<128x128xf32, #tpu.memory_space<vmem>>, vector<16xf32>,
        %add3A_327 = arith.constant 0 : i32
        %add3A_328 = arith.addi %add3A_327, %scan3A_286 : i32
        %get3A_329 = arith.index_cast %add3A_328 : i32 to index
        %get3A_330 = arith.constant 48 : index
        %get3A_331 = tpu.vector_load %arg12[%get3A_329, %get3A_330] {strides = array<i32>} : memref<128x128xf32, #tpu.memory_space<vmem>>, vector<16xf32>,
        %mul3A_332 = arith.mulf %get3A_331, %gather3A_315 : vector<16xf32>
        %add3A_333 = arith.constant 0 : i32
        %add3A_334 = arith.addi %add3A_333, %scan3A_286 : i32
        %swap3A_335 = arith.index_cast %add3A_334 : i32 to index
        %swap3A_336 = arith.constant 48 : index
        %swap3A_337 = tpu.vector_load %arg12[%swap3A_335, %swap3A_336] {strides = array<i32>} : memref<128x128xf32, #tpu.memory_space<vmem>>, vector<16xf32>,
        tpu.vector_store %arg12[%swap3A_335, %swap3A_336], %mul3A_332 {strides = array<i32>} : memref<128x128xf32, #tpu.memory_space<vmem>>, vector<16xf32>,
        %broadcast_in_dim3A_338 = arith.constant 2 : i32
        %broadcast_in_dim3A_339 = vector.broadcast %broadcast_in_dim3A_338 : i32 to vector<16xi32>
        %gather3A_340 = tpu.vector_load_idx %arg15[%broadcast_in_dim3A_287, %broadcast_in_dim3A_339] : memref<64x4xf32, #tpu.memory_space<vmem>>[vector<16xi32>, vector<16xi32>], vector<16xf32>,
        %add3A_341 = arith.constant 0 : i32
        %add3A_342 = arith.addi %add3A_341, %scan3A_286 : i32
        %get3A_343 = arith.index_cast %add3A_342 : i32 to index
        %get3A_344 = arith.constant 64 : index
        %get3A_345 = tpu.vector_load %arg12[%get3A_343, %get3A_344] {strides = array<i32>} : memref<128x128xf32, #tpu.memory_space<vmem>>, vector<16xf32>,
        %mul3A_346 = arith.mulf %get3A_345, %gather3A_340 : vector<16xf32>
        %add3A_347 = arith.constant 0 : i32
        %add3A_348 = arith.addi %add3A_347, %scan3A_286 : i32
        %swap3A_349 = arith.index_cast %add3A_348 : i32 to index
        %swap3A_350 = arith.constant 64 : index
        %swap3A_351 = tpu.vector_load %arg12[%swap3A_349, %swap3A_350] {strides = array<i32>} : memref<128x128xf32, #tpu.memory_space<vmem>>, vector<16xf32>,
        tpu.vector_store %arg12[%swap3A_349, %swap3A_350], %mul3A_346 {strides = array<i32>} : memref<128x128xf32, #tpu.memory_space<vmem>>, vector<16xf32>,
        %add3A_352 = arith.constant 0 : i32
        %add3A_353 = arith.addi %add3A_352, %scan3A_286 : i32
        %get3A_354 = arith.index_cast %add3A_353 : i32 to index
        %get3A_355 = arith.constant 80 : index
        %get3A_356 = tpu.vector_load %arg12[%get3A_354, %get3A_355] {strides = array<i32>} : memref<128x128xf32, #tpu.memory_space<vmem>>, vector<16xf32>,
        %mul3A_357 = arith.mulf %get3A_356, %gather3A_340 : vector<16xf32>
        %add3A_358 = arith.constant 0 : i32
        %add3A_359 = arith.addi %add3A_358, %scan3A_286 : i32
        %swap3A_360 = arith.index_cast %add3A_359 : i32 to index
        %swap3A_361 = arith.constant 80 : index
        %swap3A_362 = tpu.vector_load %arg12[%swap3A_360, %swap3A_361] {strides = array<i32>} : memref<128x128xf32, #tpu.memory_space<vmem>>, vector<16xf32>,
        tpu.vector_store %arg12[%swap3A_360, %swap3A_361], %mul3A_357 {strides = array<i32>} : memref<128x128xf32, #tpu.memory_space<vmem>>, vector<16xf32>,
        %broadcast_in_dim3A_363 = arith.constant 3 : i32
        %broadcast_in_dim3A_364 = vector.broadcast %broadcast_in_dim3A_363 : i32 to vector<16xi32>
        %gather3A_365 = tpu.vector_load_idx %arg15[%broadcast_in_dim3A_287, %broadcast_in_dim3A_364] : memref<64x4xf32, #tpu.memory_space<vmem>>[vector<16xi32>, vector<16xi32>], vector<16xf32>,
        %add3A_366 = arith.constant 0 : i32
        %add3A_367 = arith.addi %add3A_366, %scan3A_286 : i32
        %get3A_368 = arith.index_cast %add3A_367 : i32 to index
        %get3A_369 = arith.constant 96 : index
        %get3A_370 = tpu.vector_load %arg12[%get3A_368, %get3A_369] {strides = array<i32>} : memref<128x128xf32, #tpu.memory_space<vmem>>, vector<16xf32>,
        %mul3A_371 = arith.mulf %get3A_370, %gather3A_365 : vector<16xf32>
        %add3A_372 = arith.constant 0 : i32
        %add3A_373 = arith.addi %add3A_372, %scan3A_286 : i32
        %swap3A_374 = arith.index_cast %add3A_373 : i32 to index
        %swap3A_375 = arith.constant 96 : index
        %swap3A_376 = tpu.vector_load %arg12[%swap3A_374, %swap3A_375] {strides = array<i32>} : memref<128x128xf32, #tpu.memory_space<vmem>>, vector<16xf32>,
        tpu.vector_store %arg12[%swap3A_374, %swap3A_375], %mul3A_371 {strides = array<i32>} : memref<128x128xf32, #tpu.memory_space<vmem>>, vector<16xf32>,
        %add3A_377 = arith.constant 0 : i32
        %add3A_378 = arith.addi %add3A_377, %scan3A_286 : i32
        %get3A_379 = arith.index_cast %add3A_378 : i32 to index
        %get3A_380 = arith.constant 112 : index
        %get3A_381 = tpu.vector_load %arg12[%get3A_379, %get3A_380] {strides = array<i32>} : memref<128x128xf32, #tpu.memory_space<vmem>>, vector<16xf32>,
        %mul3A_382 = arith.mulf %get3A_381, %gather3A_365 : vector<16xf32>
        %add3A_383 = arith.constant 0 : i32
        %add3A_384 = arith.addi %add3A_383, %scan3A_286 : i32
        %swap3A_385 = arith.index_cast %add3A_384 : i32 to index
        %swap3A_386 = arith.constant 112 : index
        %swap3A_387 = tpu.vector_load %arg12[%swap3A_385, %swap3A_386] {strides = array<i32>} : memref<128x128xf32, #tpu.memory_space<vmem>>, vector<16xf32>,
        tpu.vector_store %arg12[%swap3A_385, %swap3A_386], %mul3A_382 {strides = array<i32>} : memref<128x128xf32, #tpu.memory_space<vmem>>, vector<16xf32>,
        %scan3A_388 = arith.constant 2 : i32
        %scan3A_389 = arith.addi %scan3A_185, %scan3A_388 : i32
        %broadcast_in_dim3A_390 = vector.broadcast %scan3A_389 : i32 to vector<16xi32>
        %broadcast_in_dim3A_391 = arith.constant 0 : i32
        %broadcast_in_dim3A_392 = vector.broadcast %broadcast_in_dim3A_391 : i32 to vector<16xi32>
        %gather3A_393 = tpu.vector_load_idx %arg15[%broadcast_in_dim3A_390, %broadcast_in_dim3A_392] : memref<64x4xf32, #tpu.memory_space<vmem>>[vector<16xi32>, vector<16xi32>], vector<16xf32>,
        %add3A_394 = arith.constant 0 : i32
        %add3A_395 = arith.addi %add3A_394, %scan3A_389 : i32
        %get3A_396 = arith.index_cast %add3A_395 : i32 to index
        %get3A_397 = arith.constant 0 : index
        %get3A_398 = tpu.vector_load %arg12[%get3A_396, %get3A_397] {strides = array<i32>} : memref<128x128xf32, #tpu.memory_space<vmem>>, vector<16xf32>,
        %mul3A_399 = arith.mulf %get3A_398, %gather3A_393 : vector<16xf32>
        %add3A_400 = arith.constant 0 : i32
        %add3A_401 = arith.addi %add3A_400, %scan3A_389 : i32
        %swap3A_402 = arith.index_cast %add3A_401 : i32 to index
        %swap3A_403 = arith.constant 0 : index
        %swap3A_404 = tpu.vector_load %arg12[%swap3A_402, %swap3A_403] {strides = array<i32>} : memref<128x128xf32, #tpu.memory_space<vmem>>, vector<16xf32>,
        tpu.vector_store %arg12[%swap3A_402, %swap3A_403], %mul3A_399 {strides = array<i32>} : memref<128x128xf32, #tpu.memory_space<vmem>>, vector<16xf32>,
        %add3A_405 = arith.constant 0 : i32
        %add3A_406 = arith.addi %add3A_405, %scan3A_389 : i32
        %get3A_407 = arith.index_cast %add3A_406 : i32 to index
        %get3A_408 = arith.constant 16 : index
        %get3A_409 = tpu.vector_load %arg12[%get3A_407, %get3A_408] {strides = array<i32>} : memref<128x128xf32, #tpu.memory_space<vmem>>, vector<16xf32>,
        %mul3A_410 = arith.mulf %get3A_409, %gather3A_393 : vector<16xf32>
        %add3A_411 = arith.constant 0 : i32
        %add3A_412 = arith.addi %add3A_411, %scan3A_389 : i32
        %swap3A_413 = arith.index_cast %add3A_412 : i32 to index
        %swap3A_414 = arith.constant 16 : index
        %swap3A_415 = tpu.vector_load %arg12[%swap3A_413, %swap3A_414] {strides = array<i32>} : memref<128x128xf32, #tpu.memory_space<vmem>>, vector<16xf32>,
        tpu.vector_store %arg12[%swap3A_413, %swap3A_414], %mul3A_410 {strides = array<i32>} : memref<128x128xf32, #tpu.memory_space<vmem>>, vector<16xf32>,
        %broadcast_in_dim3A_416 = arith.constant 1 : i32
        %broadcast_in_dim3A_417 = vector.broadcast %broadcast_in_dim3A_416 : i32 to vector<16xi32>
        %gather3A_418 = tpu.vector_load_idx %arg15[%broadcast_in_dim3A_390, %broadcast_in_dim3A_417] : memref<64x4xf32, #tpu.memory_space<vmem>>[vector<16xi32>, vector<16xi32>], vector<16xf32>,
        %add3A_419 = arith.constant 0 : i32
        %add3A_420 = arith.addi %add3A_419, %scan3A_389 : i32
        %get3A_421 = arith.index_cast %add3A_420 : i32 to index
        %get3A_422 = arith.constant 32 : index
        %get3A_423 = tpu.vector_load %arg12[%get3A_421, %get3A_422] {strides = array<i32>} : memref<128x128xf32, #tpu.memory_space<vmem>>, vector<16xf32>,
        %mul3A_424 = arith.mulf %get3A_423, %gather3A_418 : vector<16xf32>
        %add3A_425 = arith.constant 0 : i32
        %add3A_426 = arith.addi %add3A_425, %scan3A_389 : i32
        %swap3A_427 = arith.index_cast %add3A_426 : i32 to index
        %swap3A_428 = arith.constant 32 : index
        %swap3A_429 = tpu.vector_load %arg12[%swap3A_427, %swap3A_428] {strides = array<i32>} : memref<128x128xf32, #tpu.memory_space<vmem>>, vector<16xf32>,
        tpu.vector_store %arg12[%swap3A_427, %swap3A_428], %mul3A_424 {strides = array<i32>} : memref<128x128xf32, #tpu.memory_space<vmem>>, vector<16xf32>,
        %add3A_430 = arith.constant 0 : i32
        %add3A_431 = arith.addi %add3A_430, %scan3A_389 : i32
        %get3A_432 = arith.index_cast %add3A_431 : i32 to index
        %get3A_433 = arith.constant 48 : index
        %get3A_434 = tpu.vector_load %arg12[%get3A_432, %get3A_433] {strides = array<i32>} : memref<128x128xf32, #tpu.memory_space<vmem>>, vector<16xf32>,
        %mul3A_435 = arith.mulf %get3A_434, %gather3A_418 : vector<16xf32>
        %add3A_436 = arith.constant 0 : i32
        %add3A_437 = arith.addi %add3A_436, %scan3A_389 : i32
        %swap3A_438 = arith.index_cast %add3A_437 : i32 to index
        %swap3A_439 = arith.constant 48 : index
        %swap3A_440 = tpu.vector_load %arg12[%swap3A_438, %swap3A_439] {strides = array<i32>} : memref<128x128xf32, #tpu.memory_space<vmem>>, vector<16xf32>,
        tpu.vector_store %arg12[%swap3A_438, %swap3A_439], %mul3A_435 {strides = array<i32>} : memref<128x128xf32, #tpu.memory_space<vmem>>, vector<16xf32>,
        %broadcast_in_dim3A_441 = arith.constant 2 : i32
        %broadcast_in_dim3A_442 = vector.broadcast %broadcast_in_dim3A_441 : i32 to vector<16xi32>
        %gather3A_443 = tpu.vector_load_idx %arg15[%broadcast_in_dim3A_390, %broadcast_in_dim3A_442] : memref<64x4xf32, #tpu.memory_space<vmem>>[vector<16xi32>, vector<16xi32>], vector<16xf32>,
        %add3A_444 = arith.constant 0 : i32
        %add3A_445 = arith.addi %add3A_444, %scan3A_389 : i32
        %get3A_446 = arith.index_cast %add3A_445 : i32 to index
        %get3A_447 = arith.constant 64 : index
        %get3A_448 = tpu.vector_load %arg12[%get3A_446, %get3A_447] {strides = array<i32>} : memref<128x128xf32, #tpu.memory_space<vmem>>, vector<16xf32>,
        %mul3A_449 = arith.mulf %get3A_448, %gather3A_443 : vector<16xf32>
        %add3A_450 = arith.constant 0 : i32
        %add3A_451 = arith.addi %add3A_450, %scan3A_389 : i32
        %swap3A_452 = arith.index_cast %add3A_451 : i32 to index
        %swap3A_453 = arith.constant 64 : index
        %swap3A_454 = tpu.vector_load %arg12[%swap3A_452, %swap3A_453] {strides = array<i32>} : memref<128x128xf32, #tpu.memory_space<vmem>>, vector<16xf32>,
        tpu.vector_store %arg12[%swap3A_452, %swap3A_453], %mul3A_449 {strides = array<i32>} : memref<128x128xf32, #tpu.memory_space<vmem>>, vector<16xf32>,
        %add3A_455 = arith.constant 0 : i32
        %add3A_456 = arith.addi %add3A_455, %scan3A_389 : i32
        %get3A_457 = arith.index_cast %add3A_456 : i32 to index
        %get3A_458 = arith.constant 80 : index
        %get3A_459 = tpu.vector_load %arg12[%get3A_457, %get3A_458] {strides = array<i32>} : memref<128x128xf32, #tpu.memory_space<vmem>>, vector<16xf32>,
        %mul3A_460 = arith.mulf %get3A_459, %gather3A_443 : vector<16xf32>
        %add3A_461 = arith.constant 0 : i32
        %add3A_462 = arith.addi %add3A_461, %scan3A_389 : i32
        %swap3A_463 = arith.index_cast %add3A_462 : i32 to index
        %swap3A_464 = arith.constant 80 : index
        %swap3A_465 = tpu.vector_load %arg12[%swap3A_463, %swap3A_464] {strides = array<i32>} : memref<128x128xf32, #tpu.memory_space<vmem>>, vector<16xf32>,
        tpu.vector_store %arg12[%swap3A_463, %swap3A_464], %mul3A_460 {strides = array<i32>} : memref<128x128xf32, #tpu.memory_space<vmem>>, vector<16xf32>,
        %broadcast_in_dim3A_466 = arith.constant 3 : i32
        %broadcast_in_dim3A_467 = vector.broadcast %broadcast_in_dim3A_466 : i32 to vector<16xi32>
        %gather3A_468 = tpu.vector_load_idx %arg15[%broadcast_in_dim3A_390, %broadcast_in_dim3A_467] : memref<64x4xf32, #tpu.memory_space<vmem>>[vector<16xi32>, vector<16xi32>], vector<16xf32>,
        %add3A_469 = arith.constant 0 : i32
        %add3A_470 = arith.addi %add3A_469, %scan3A_389 : i32
        %get3A_471 = arith.index_cast %add3A_470 : i32 to index
        %get3A_472 = arith.constant 96 : index
        %get3A_473 = tpu.vector_load %arg12[%get3A_471, %get3A_472] {strides = array<i32>} : memref<128x128xf32, #tpu.memory_space<vmem>>, vector<16xf32>,
        %mul3A_474 = arith.mulf %get3A_473, %gather3A_468 : vector<16xf32>
        %add3A_475 = arith.constant 0 : i32
        %add3A_476 = arith.addi %add3A_475, %scan3A_389 : i32
        %swap3A_477 = arith.index_cast %add3A_476 : i32 to index
        %swap3A_478 = arith.constant 96 : index
        %swap3A_479 = tpu.vector_load %arg12[%swap3A_477, %swap3A_478] {strides = array<i32>} : memref<128x128xf32, #tpu.memory_space<vmem>>, vector<16xf32>,
        tpu.vector_store %arg12[%swap3A_477, %swap3A_478], %mul3A_474 {strides = array<i32>} : memref<128x128xf32, #tpu.memory_space<vmem>>, vector<16xf32>,
        %add3A_480 = arith.constant 0 : i32
        %add3A_481 = arith.addi %add3A_480, %scan3A_389 : i32
        %get3A_482 = arith.index_cast %add3A_481 : i32 to index
        %get3A_483 = arith.constant 112 : index
        %get3A_484 = tpu.vector_load %arg12[%get3A_482, %get3A_483] {strides = array<i32>} : memref<128x128xf32, #tpu.memory_space<vmem>>, vector<16xf32>,
        %mul3A_485 = arith.mulf %get3A_484, %gather3A_468 : vector<16xf32>
        %add3A_486 = arith.constant 0 : i32
        %add3A_487 = arith.addi %add3A_486, %scan3A_389 : i32
        %swap3A_488 = arith.index_cast %add3A_487 : i32 to index
        %swap3A_489 = arith.constant 112 : index
        %swap3A_490 = tpu.vector_load %arg12[%swap3A_488, %swap3A_489] {strides = array<i32>} : memref<128x128xf32, #tpu.memory_space<vmem>>, vector<16xf32>,
        tpu.vector_store %arg12[%swap3A_488, %swap3A_489], %mul3A_485 {strides = array<i32>} : memref<128x128xf32, #tpu.memory_space<vmem>>, vector<16xf32>,
        %scan3A_491 = arith.constant 3 : i32
        %scan3A_492 = arith.addi %scan3A_185, %scan3A_491 : i32
        %broadcast_in_dim3A_493 = vector.broadcast %scan3A_492 : i32 to vector<16xi32>
        %broadcast_in_dim3A_494 = arith.constant 0 : i32
        %broadcast_in_dim3A_495 = vector.broadcast %broadcast_in_dim3A_494 : i32 to vector<16xi32>
        %gather3A_496 = tpu.vector_load_idx %arg15[%broadcast_in_dim3A_493, %broadcast_in_dim3A_495] : memref<64x4xf32, #tpu.memory_space<vmem>>[vector<16xi32>, vector<16xi32>], vector<16xf32>,
        %add3A_497 = arith.constant 0 : i32
        %add3A_498 = arith.addi %add3A_497, %scan3A_492 : i32
        %get3A_499 = arith.index_cast %add3A_498 : i32 to index
        %get3A_500 = arith.constant 0 : index
        %get3A_501 = tpu.vector_load %arg12[%get3A_499, %get3A_500] {strides = array<i32>} : memref<128x128xf32, #tpu.memory_space<vmem>>, vector<16xf32>,
        %mul3A_502 = arith.mulf %get3A_501, %gather3A_496 : vector<16xf32>
        %add3A_503 = arith.constant 0 : i32
        %add3A_504 = arith.addi %add3A_503, %scan3A_492 : i32
        %swap3A_505 = arith.index_cast %add3A_504 : i32 to index
        %swap3A_506 = arith.constant 0 : index
        %swap3A_507 = tpu.vector_load %arg12[%swap3A_505, %swap3A_506] {strides = array<i32>} : memref<128x128xf32, #tpu.memory_space<vmem>>, vector<16xf32>,
        tpu.vector_store %arg12[%swap3A_505, %swap3A_506], %mul3A_502 {strides = array<i32>} : memref<128x128xf32, #tpu.memory_space<vmem>>, vector<16xf32>,
        %add3A_508 = arith.constant 0 : i32
        %add3A_509 = arith.addi %add3A_508, %scan3A_492 : i32
        %get3A_510 = arith.index_cast %add3A_509 : i32 to index
        %get3A_511 = arith.constant 16 : index
        %get3A_512 = tpu.vector_load %arg12[%get3A_510, %get3A_511] {strides = array<i32>} : memref<128x128xf32, #tpu.memory_space<vmem>>, vector<16xf32>,
        %mul3A_513 = arith.mulf %get3A_512, %gather3A_496 : vector<16xf32>
        %add3A_514 = arith.constant 0 : i32
        %add3A_515 = arith.addi %add3A_514, %scan3A_492 : i32
        %swap3A_516 = arith.index_cast %add3A_515 : i32 to index
        %swap3A_517 = arith.constant 16 : index
        %swap3A_518 = tpu.vector_load %arg12[%swap3A_516, %swap3A_517] {strides = array<i32>} : memref<128x128xf32, #tpu.memory_space<vmem>>, vector<16xf32>,
        tpu.vector_store %arg12[%swap3A_516, %swap3A_517], %mul3A_513 {strides = array<i32>} : memref<128x128xf32, #tpu.memory_space<vmem>>, vector<16xf32>,
        %broadcast_in_dim3A_519 = arith.constant 1 : i32
        %broadcast_in_dim3A_520 = vector.broadcast %broadcast_in_dim3A_519 : i32 to vector<16xi32>
        %gather3A_521 = tpu.vector_load_idx %arg15[%broadcast_in_dim3A_493, %broadcast_in_dim3A_520] : memref<64x4xf32, #tpu.memory_space<vmem>>[vector<16xi32>, vector<16xi32>], vector<16xf32>,
        %add3A_522 = arith.constant 0 : i32
        %add3A_523 = arith.addi %add3A_522, %scan3A_492 : i32
        %get3A_524 = arith.index_cast %add3A_523 : i32 to index
        %get3A_525 = arith.constant 32 : index
        %get3A_526 = tpu.vector_load %arg12[%get3A_524, %get3A_525] {strides = array<i32>} : memref<128x128xf32, #tpu.memory_space<vmem>>, vector<16xf32>,
        %mul3A_527 = arith.mulf %get3A_526, %gather3A_521 : vector<16xf32>
        %add3A_528 = arith.constant 0 : i32
        %add3A_529 = arith.addi %add3A_528, %scan3A_492 : i32
        %swap3A_530 = arith.index_cast %add3A_529 : i32 to index
        %swap3A_531 = arith.constant 32 : index
        %swap3A_532 = tpu.vector_load %arg12[%swap3A_530, %swap3A_531] {strides = array<i32>} : memref<128x128xf32, #tpu.memory_space<vmem>>, vector<16xf32>,
        tpu.vector_store %arg12[%swap3A_530, %swap3A_531], %mul3A_527 {strides = array<i32>} : memref<128x128xf32, #tpu.memory_space<vmem>>, vector<16xf32>,
        %add3A_533 = arith.constant 0 : i32
        %add3A_534 = arith.addi %add3A_533, %scan3A_492 : i32
        %get3A_535 = arith.index_cast %add3A_534 : i32 to index
        %get3A_536 = arith.constant 48 : index
        %get3A_537 = tpu.vector_load %arg12[%get3A_535, %get3A_536] {strides = array<i32>} : memref<128x128xf32, #tpu.memory_space<vmem>>, vector<16xf32>,
        %mul3A_538 = arith.mulf %get3A_537, %gather3A_521 : vector<16xf32>
        %add3A_539 = arith.constant 0 : i32
        %add3A_540 = arith.addi %add3A_539, %scan3A_492 : i32
        %swap3A_541 = arith.index_cast %add3A_540 : i32 to index
        %swap3A_542 = arith.constant 48 : index
        %swap3A_543 = tpu.vector_load %arg12[%swap3A_541, %swap3A_542] {strides = array<i32>} : memref<128x128xf32, #tpu.memory_space<vmem>>, vector<16xf32>,
        tpu.vector_store %arg12[%swap3A_541, %swap3A_542], %mul3A_538 {strides = array<i32>} : memref<128x128xf32, #tpu.memory_space<vmem>>, vector<16xf32>,
        %broadcast_in_dim3A_544 = arith.constant 2 : i32
        %broadcast_in_dim3A_545 = vector.broadcast %broadcast_in_dim3A_544 : i32 to vector<16xi32>
        %gather3A_546 = tpu.vector_load_idx %arg15[%broadcast_in_dim3A_493, %broadcast_in_dim3A_545] : memref<64x4xf32, #tpu.memory_space<vmem>>[vector<16xi32>, vector<16xi32>], vector<16xf32>,
        %add3A_547 = arith.constant 0 : i32
        %add3A_548 = arith.addi %add3A_547, %scan3A_492 : i32
        %get3A_549 = arith.index_cast %add3A_548 : i32 to index
        %get3A_550 = arith.constant 64 : index
        %get3A_551 = tpu.vector_load %arg12[%get3A_549, %get3A_550] {strides = array<i32>} : memref<128x128xf32, #tpu.memory_space<vmem>>, vector<16xf32>,
        %mul3A_552 = arith.mulf %get3A_551, %gather3A_546 : vector<16xf32>
        %add3A_553 = arith.constant 0 : i32
        %add3A_554 = arith.addi %add3A_553, %scan3A_492 : i32
        %swap3A_555 = arith.index_cast %add3A_554 : i32 to index
        %swap3A_556 = arith.constant 64 : index
        %swap3A_557 = tpu.vector_load %arg12[%swap3A_555, %swap3A_556] {strides = array<i32>} : memref<128x128xf32, #tpu.memory_space<vmem>>, vector<16xf32>,
        tpu.vector_store %arg12[%swap3A_555, %swap3A_556], %mul3A_552 {strides = array<i32>} : memref<128x128xf32, #tpu.memory_space<vmem>>, vector<16xf32>,
        %add3A_558 = arith.constant 0 : i32
        %add3A_559 = arith.addi %add3A_558, %scan3A_492 : i32
        %get3A_560 = arith.index_cast %add3A_559 : i32 to index
        %get3A_561 = arith.constant 80 : index
        %get3A_562 = tpu.vector_load %arg12[%get3A_560, %get3A_561] {strides = array<i32>} : memref<128x128xf32, #tpu.memory_space<vmem>>, vector<16xf32>,
        %mul3A_563 = arith.mulf %get3A_562, %gather3A_546 : vector<16xf32>
        %add3A_564 = arith.constant 0 : i32
        %add3A_565 = arith.addi %add3A_564, %scan3A_492 : i32
        %swap3A_566 = arith.index_cast %add3A_565 : i32 to index
        %swap3A_567 = arith.constant 80 : index
        %swap3A_568 = tpu.vector_load %arg12[%swap3A_566, %swap3A_567] {strides = array<i32>} : memref<128x128xf32, #tpu.memory_space<vmem>>, vector<16xf32>,
        tpu.vector_store %arg12[%swap3A_566, %swap3A_567], %mul3A_563 {strides = array<i32>} : memref<128x128xf32, #tpu.memory_space<vmem>>, vector<16xf32>,
        %broadcast_in_dim3A_569 = arith.constant 3 : i32
        %broadcast_in_dim3A_570 = vector.broadcast %broadcast_in_dim3A_569 : i32 to vector<16xi32>
        %gather3A_571 = tpu.vector_load_idx %arg15[%broadcast_in_dim3A_493, %broadcast_in_dim3A_570] : memref<64x4xf32, #tpu.memory_space<vmem>>[vector<16xi32>, vector<16xi32>], vector<16xf32>,
        %add3A_572 = arith.constant 0 : i32
        %add3A_573 = arith.addi %add3A_572, %scan3A_492 : i32
        %get3A_574 = arith.index_cast %add3A_573 : i32 to index
        %get3A_575 = arith.constant 96 : index
        %get3A_576 = tpu.vector_load %arg12[%get3A_574, %get3A_575] {strides = array<i32>} : memref<128x128xf32, #tpu.memory_space<vmem>>, vector<16xf32>,
        %mul3A_577 = arith.mulf %get3A_576, %gather3A_571 : vector<16xf32>
        %add3A_578 = arith.constant 0 : i32
        %add3A_579 = arith.addi %add3A_578, %scan3A_492 : i32
        %swap3A_580 = arith.index_cast %add3A_579 : i32 to index
        %swap3A_581 = arith.constant 96 : index
        %swap3A_582 = tpu.vector_load %arg12[%swap3A_580, %swap3A_581] {strides = array<i32>} : memref<128x128xf32, #tpu.memory_space<vmem>>, vector<16xf32>,
        tpu.vector_store %arg12[%swap3A_580, %swap3A_581], %mul3A_577 {strides = array<i32>} : memref<128x128xf32, #tpu.memory_space<vmem>>, vector<16xf32>,
        %add3A_583 = arith.constant 0 : i32
        %add3A_584 = arith.addi %add3A_583, %scan3A_492 : i32
        %get3A_585 = arith.index_cast %add3A_584 : i32 to index
        %get3A_586 = arith.constant 112 : index
        %get3A_587 = tpu.vector_load %arg12[%get3A_585, %get3A_586] {strides = array<i32>} : memref<128x128xf32, #tpu.memory_space<vmem>>, vector<16xf32>,
        %mul3A_588 = arith.mulf %get3A_587, %gather3A_571 : vector<16xf32>
        %add3A_589 = arith.constant 0 : i32
        %add3A_590 = arith.addi %add3A_589, %scan3A_492 : i32
        %swap3A_591 = arith.index_cast %add3A_590 : i32 to index
        %swap3A_592 = arith.constant 112 : index
        %swap3A_593 = tpu.vector_load %arg12[%swap3A_591, %swap3A_592] {strides = array<i32>} : memref<128x128xf32, #tpu.memory_space<vmem>>, vector<16xf32>,
        tpu.vector_store %arg12[%swap3A_591, %swap3A_592], %mul3A_588 {strides = array<i32>} : memref<128x128xf32, #tpu.memory_space<vmem>>, vector<16xf32>,
      }
      %scan3A_166 = arith.constant 64 : i32
      %dma_start3A_167 = arith.constant 0 : i32
      %dma_start3A_168 = arith.constant 0 : i32
      %dma_start3A_169 = tpu.memref_slice %arg16[%dma_start3A_167, %dma_start3A_168] : memref<10240x4xf32, #tpu.memory_space<vmem_shared>> -> memref<10240x4xf32, #tpu.memory_space<vmem_shared>>
      tpu.enqueue_indirect_dma source(%arg15 : memref<64x4xf32, #tpu.memory_space<vmem>>) target(%dma_start3A_169 : memref<10240x4xf32, #tpu.memory_space<vmem_shared>>) offsets(%arg11 : memref<64xi32, #tpu.memory_space<vmem>>) semaphore(%arg18 : memref<!tpu.dma_semaphore, #tpu.memory_space<semaphore_mem>>) {add = true}
      %dma_start3A_170 = arith.constant 0 : i32
      %dma_start3A_171 = arith.constant 0 : i32
      %dma_start3A_172 = tpu.memref_slice %arg12[%dma_start3A_170, %dma_start3A_171] : memref<128x128xf32, #tpu.memory_space<vmem>> -> memref<64x128xf32, #tpu.memory_space<vmem>>
      %dma_start3A_173 = arith.constant 0 : i32
      %dma_start3A_174 = arith.constant 0 : i32
      %dma_start3A_175 = tpu.memref_slice %arg17[%dma_start3A_173, %dma_start3A_174] : memref<10240x128xf32, #tpu.memory_space<vmem_shared>> -> memref<10240x128xf32, #tpu.memory_space<vmem_shared>>
      tpu.enqueue_indirect_dma source(%dma_start3A_172 : memref<64x128xf32, #tpu.memory_space<vmem>>) target(%dma_start3A_175 : memref<10240x128xf32, #tpu.memory_space<vmem_shared>>) offsets(%arg11 : memref<64xi32, #tpu.memory_space<vmem>>) semaphore(%arg18 : memref<!tpu.dma_semaphore, #tpu.memory_space<semaphore_mem>>) {add = true}
      %dma_wait3A_176 = arith.constant 0 : i32
      %dma_wait3A_177 = arith.constant 0 : i32
      %dma_wait3A_178 = tpu.memref_slice %arg16[%dma_wait3A_176, %dma_wait3A_177] : memref<10240x4xf32, #tpu.memory_space<vmem_shared>> -> memref<10240x4xf32, #tpu.memory_space<vmem_shared>>
      tpu.wait_indirect_dma semaphore(%arg18 : memref<!tpu.dma_semaphore, #tpu.memory_space<semaphore_mem>>) src(%arg15 : memref<64x4xf32, #tpu.memory_space<vmem>>) dst(%dma_wait3A_178 : memref<10240x4xf32, #tpu.memory_space<vmem_shared>>)
      %dma_wait3A_179 = arith.constant 0 : i32
      %dma_wait3A_180 = arith.constant 0 : i32
      %dma_wait3A_181 = tpu.memref_slice %arg12[%dma_wait3A_179, %dma_wait3A_180] : memref<128x128xf32, #tpu.memory_space<vmem>> -> memref<64x128xf32, #tpu.memory_space<vmem>>
      %dma_wait3A_182 = arith.constant 0 : i32
      %dma_wait3A_183 = arith.constant 0 : i32
      %dma_wait3A_184 = tpu.memref_slice %arg17[%dma_wait3A_182, %dma_wait3A_183] : memref<10240x128xf32, #tpu.memory_space<vmem_shared>> -> memref<10240x128xf32, #tpu.memory_space<vmem_shared>>
      tpu.wait_indirect_dma semaphore(%arg18 : memref<!tpu.dma_semaphore, #tpu.memory_space<semaphore_mem>>) src(%dma_wait3A_181 : memref<64x128xf32, #tpu.memory_space<vmem>>) dst(%dma_wait3A_184 : memref<10240x128xf32, #tpu.memory_space<vmem_shared>>)
    }
    %scan3A_11 = arith.constant 162 : i32
    %barrier3A_12 = arith.constant 0 : index
    tpu.barrier barrier_id(%barrier3A_12)
    %mul3A_13 = arith.constant 640 : i32
    %mul3A_14 = arith.muli %arg1, %mul3A_13 : i32
    %mul3A_15 = arith.constant 640 : i32
    %mul3A_16 = arith.muli %arg1, %mul3A_15 : i32
    "tpu.region"() ({
      %run_scoped3A = tpu.sem_alloc : memref<!tpu.dma_semaphore, #tpu.memory_space<semaphore_mem>>
      %dma_start3A = arith.constant 0 : i32
      %dma_start3A_21 = tpu.memref_slice %arg8[%arg0, %mul3A_16, %dma_start3A] : memref<2x10240x4xf32, #tpu.memory_space<hbm>> -> memref<1x640x4xf32, #tpu.memory_space<hbm>>
      %dma_start3A_22 = tpu.memref_squeeze %dma_start3A_21 : memref<1x640x4xf32, #tpu.memory_space<hbm>> -> memref<640x4xf32, #tpu.memory_space<hbm>>
      %dma_start3A_23 = arith.constant 0 : i32
      %dma_start3A_24 = tpu.memref_slice %arg16[%mul3A_14, %dma_start3A_23] : memref<10240x4xf32, #tpu.memory_space<vmem_shared>> -> memref<640x4xf32, #tpu.memory_space<vmem_shared>>
      tpu.enqueue_dma source(%dma_start3A_24 : memref<640x4xf32, #tpu.memory_space<vmem_shared>>) target(%dma_start3A_22 : memref<640x4xf32, #tpu.memory_space<hbm>>) target_semaphore(%run_scoped3A : memref<!tpu.dma_semaphore, #tpu.memory_space<semaphore_mem>>)
      %dma_wait3A = arith.constant 0 : i32
      %dma_wait3A_25 = tpu.memref_slice %arg8[%arg0, %mul3A_16, %dma_wait3A] : memref<2x10240x4xf32, #tpu.memory_space<hbm>> -> memref<1x640x4xf32, #tpu.memory_space<hbm>>
      %dma_wait3A_26 = tpu.memref_squeeze %dma_wait3A_25 : memref<1x640x4xf32, #tpu.memory_space<hbm>> -> memref<640x4xf32, #tpu.memory_space<hbm>>
      %dma_wait3A_27 = arith.constant 0 : i32
      %dma_wait3A_28 = tpu.memref_slice %arg16[%mul3A_14, %dma_wait3A_27] : memref<10240x4xf32, #tpu.memory_space<vmem_shared>> -> memref<640x4xf32, #tpu.memory_space<vmem_shared>>
      tpu.wait_dma2 semaphore(%run_scoped3A : memref<!tpu.dma_semaphore, #tpu.memory_space<semaphore_mem>>) src(%dma_wait3A_28 : memref<640x4xf32, #tpu.memory_space<vmem_shared>>) dst(%dma_wait3A_26 : memref<640x4xf32, #tpu.memory_space<hbm>>)
      tpu.yield
    }) : () -> ()
    %mul3A_17 = arith.constant 640 : i32
    %mul3A_18 = arith.muli %arg1, %mul3A_17 : i32
    %mul3A_19 = arith.constant 640 : i32
    %mul3A_20 = arith.muli %arg1, %mul3A_19 : i32
    "tpu.region"() ({
      %run_scoped3A = tpu.sem_alloc : memref<!tpu.dma_semaphore, #tpu.memory_space<semaphore_mem>>
      %dma_start3A = arith.constant 0 : i32
      %dma_start3A_21 = tpu.memref_slice %arg9[%arg0, %mul3A_20, %dma_start3A] : memref<2x10240x128xf32, #tpu.memory_space<hbm>> -> memref<1x640x128xf32, #tpu.memory_space<hbm>>
      %dma_start3A_22 = tpu.memref_squeeze %dma_start3A_21 : memref<1x640x128xf32, #tpu.memory_space<hbm>> -> memref<640x128xf32, #tpu.memory_space<hbm>>
      %dma_start3A_23 = arith.constant 0 : i32
      %dma_start3A_24 = tpu.memref_slice %arg17[%mul3A_18, %dma_start3A_23] : memref<10240x128xf32, #tpu.memory_space<vmem_shared>> -> memref<640x128xf32, #tpu.memory_space<vmem_shared>>
      tpu.enqueue_dma source(%dma_start3A_24 : memref<640x128xf32, #tpu.memory_space<vmem_shared>>) target(%dma_start3A_22 : memref<640x128xf32, #tpu.memory_space<hbm>>) target_semaphore(%run_scoped3A : memref<!tpu.dma_semaphore, #tpu.memory_space<semaphore_mem>>)
      %dma_wait3A = arith.constant 0 : i32
      %dma_wait3A_25 = tpu.memref_slice %arg9[%arg0, %mul3A_20, %dma_wait3A] : memref<2x10240x128xf32, #tpu.memory_space<hbm>> -> memref<1x640x128xf32, #tpu.memory_space<hbm>>
      %dma_wait3A_26 = tpu.memref_squeeze %dma_wait3A_25 : memref<1x640x128xf32, #tpu.memory_space<hbm>> -> memref<640x128xf32, #tpu.memory_space<hbm>>
      %dma_wait3A_27 = arith.constant 0 : i32
      %dma_wait3A_28 = tpu.memref_slice %arg17[%mul3A_18, %dma_wait3A_27] : memref<10240x128xf32, #tpu.memory_space<vmem_shared>> -> memref<640x128xf32, #tpu.memory_space<vmem_shared>>
      tpu.wait_dma2 semaphore(%run_scoped3A : memref<!tpu.dma_semaphore, #tpu.memory_space<semaphore_mem>>) src(%dma_wait3A_28 : memref<640x128xf32, #tpu.memory_space<vmem_shared>>) dst(%dma_wait3A_26 : memref<640x128xf32, #tpu.memory_space<hbm>>)
      tpu.yield
    }) : () -> ()
    return
  }
}

#map = affine_map<(d0, d1) -> (0, 0)>
#map1 = affine_map<(d0, d1) -> (0)>
#map2 = affine_map<(d0, d1) -> (0, 0, 0)>
module attributes {stable_mosaic.version = 14 : i64} {
  func.func @_l2_body(%arg0: i32, %arg1: i32, %arg2: memref<20480x128xf32, #tpu.memory_space<hbm>>, %arg3: memref<663552xi32, #tpu.memory_space<hbm>>, %arg4: memref<331776xi32, #tpu.memory_space<hbm>>, %arg5: memref<16xf32, #tpu.memory_space<hbm>>, %arg6: memref<640x4xf32, #tpu.memory_space<hbm>>, %arg7: memref<640x16xf32, #tpu.memory_space<hbm>>, %arg8: memref<2x10240x4xf32, #tpu.memory_space<hbm>>, %arg9: memref<2x10240x16xf32, #tpu.memory_space<hbm>>, %arg10: memref<128xi32, #tpu.memory_space<vmem>>, %arg11: memref<64xi32, #tpu.memory_space<vmem>>, %arg12: memref<128x128xf32, #tpu.memory_space<vmem>>, %arg13: memref<64x16xf32, #tpu.memory_space<vmem>>, %arg14: memref<16xf32, #tpu.memory_space<vmem>>, %arg15: memref<64xf32, #tpu.memory_space<vmem>>, %arg16: memref<64x4xf32, #tpu.memory_space<vmem>>, %arg17: memref<10240x4xf32, #tpu.memory_space<vmem_shared>>, %arg18: memref<10240x16xf32, #tpu.memory_space<vmem_shared>>, %arg19: memref<!tpu.dma_semaphore, #tpu.memory_space<semaphore_mem>>) attributes {dimension_semantics = [#tpu.dimension_semantics<core_parallel>, #tpu.dimension_semantics<subcore_parallel>], iteration_bounds = array<i64: 2, 16>, scalar_prefetch = 0 : i64, scratch_operands = 10 : i64, tpu.core_type = #tpu.core_type<sc_vector_subcore>, window_params = [{transform_indices = #map}, {transform_indices = #map1}, {transform_indices = #map1}, {transform_indices = #map1}, {transform_indices = #map}, {transform_indices = #map}, {transform_indices = #map2}, {transform_indices = #map2}]} {
    %mul3A = arith.constant 640 : i32
    %mul3A_0 = arith.muli %arg1, %mul3A : i32
    "tpu.region"() ({
      %run_scoped3A = tpu.sem_alloc : memref<!tpu.dma_semaphore, #tpu.memory_space<semaphore_mem>>
      %dma_start3A = arith.constant 0 : i32
      %dma_start3A_61 = tpu.memref_slice %arg17[%mul3A_0, %dma_start3A] : memref<10240x4xf32, #tpu.memory_space<vmem_shared>> -> memref<640x4xf32, #tpu.memory_space<vmem_shared>>
      tpu.enqueue_dma source(%arg6 : memref<640x4xf32, #tpu.memory_space<hbm>>) target(%dma_start3A_61 : memref<640x4xf32, #tpu.memory_space<vmem_shared>>) target_semaphore(%run_scoped3A : memref<!tpu.dma_semaphore, #tpu.memory_space<semaphore_mem>>)
      %dma_wait3A = arith.constant 0 : i32
      %dma_wait3A_62 = tpu.memref_slice %arg17[%mul3A_0, %dma_wait3A] : memref<10240x4xf32, #tpu.memory_space<vmem_shared>> -> memref<640x4xf32, #tpu.memory_space<vmem_shared>>
      tpu.wait_dma2 semaphore(%run_scoped3A : memref<!tpu.dma_semaphore, #tpu.memory_space<semaphore_mem>>) src(%arg6 : memref<640x4xf32, #tpu.memory_space<hbm>>) dst(%dma_wait3A_62 : memref<640x4xf32, #tpu.memory_space<vmem_shared>>)
      tpu.yield
    }) : () -> ()
    %mul3A_1 = arith.constant 640 : i32
    %mul3A_2 = arith.muli %arg1, %mul3A_1 : i32
    "tpu.region"() ({
      %run_scoped3A = tpu.sem_alloc : memref<!tpu.dma_semaphore, #tpu.memory_space<semaphore_mem>>
      %dma_start3A = arith.constant 0 : i32
      %dma_start3A_61 = tpu.memref_slice %arg18[%mul3A_2, %dma_start3A] : memref<10240x16xf32, #tpu.memory_space<vmem_shared>> -> memref<640x16xf32, #tpu.memory_space<vmem_shared>>
      tpu.enqueue_dma source(%arg7 : memref<640x16xf32, #tpu.memory_space<hbm>>) target(%dma_start3A_61 : memref<640x16xf32, #tpu.memory_space<vmem_shared>>) target_semaphore(%run_scoped3A : memref<!tpu.dma_semaphore, #tpu.memory_space<semaphore_mem>>)
      %dma_wait3A = arith.constant 0 : i32
      %dma_wait3A_62 = tpu.memref_slice %arg18[%mul3A_2, %dma_wait3A] : memref<10240x16xf32, #tpu.memory_space<vmem_shared>> -> memref<640x16xf32, #tpu.memory_space<vmem_shared>>
      tpu.wait_dma2 semaphore(%run_scoped3A : memref<!tpu.dma_semaphore, #tpu.memory_space<semaphore_mem>>) src(%arg7 : memref<640x16xf32, #tpu.memory_space<hbm>>) dst(%dma_wait3A_62 : memref<640x16xf32, #tpu.memory_space<vmem_shared>>)
      tpu.yield
    }) : () -> ()
    "tpu.region"() ({
      %run_scoped3A = tpu.sem_alloc : memref<!tpu.dma_semaphore, #tpu.memory_space<semaphore_mem>>
      tpu.enqueue_dma source(%arg5 : memref<16xf32, #tpu.memory_space<hbm>>) target(%arg14 : memref<16xf32, #tpu.memory_space<vmem>>) target_semaphore(%run_scoped3A : memref<!tpu.dma_semaphore, #tpu.memory_space<semaphore_mem>>)
      tpu.wait_dma2 semaphore(%run_scoped3A : memref<!tpu.dma_semaphore, #tpu.memory_space<semaphore_mem>>) src(%arg5 : memref<16xf32, #tpu.memory_space<hbm>>) dst(%arg14 : memref<16xf32, #tpu.memory_space<vmem>>)
      tpu.yield
    }) : () -> ()
    %broadcast_in_dim3A = arith.constant 0.000000e+00 : f32
    %broadcast_in_dim3A_3 = vector.broadcast %broadcast_in_dim3A : f32 to vector<16xf32>
    %iota3A = tpu.iota {dimensions = array<i32: 0>} : vector<16xi32>
    %add3A = arith.constant 0 : i32
    %add3A_4 = vector.broadcast %add3A : i32 to vector<16xi32>
    %add3A_5 = arith.addi %add3A_4, %iota3A : vector<16xi32>
    %broadcast_in_dim3A_6 = arith.constant 1 : i32
    %broadcast_in_dim3A_7 = vector.broadcast %broadcast_in_dim3A_6 : i32 to vector<16xi32>
    tpu.vector_store_idx %arg16[%add3A_5, %broadcast_in_dim3A_7], %broadcast_in_dim3A_3 : memref<64x4xf32, #tpu.memory_space<vmem>>[vector<16xi32>, vector<16xi32>], vector<16xf32>,
    %broadcast_in_dim3A_8 = arith.constant 2 : i32
    %broadcast_in_dim3A_9 = vector.broadcast %broadcast_in_dim3A_8 : i32 to vector<16xi32>
    tpu.vector_store_idx %arg16[%add3A_5, %broadcast_in_dim3A_9], %broadcast_in_dim3A_3 : memref<64x4xf32, #tpu.memory_space<vmem>>[vector<16xi32>, vector<16xi32>], vector<16xf32>,
    %broadcast_in_dim3A_10 = arith.constant 3 : i32
    %broadcast_in_dim3A_11 = vector.broadcast %broadcast_in_dim3A_10 : i32 to vector<16xi32>
    tpu.vector_store_idx %arg16[%add3A_5, %broadcast_in_dim3A_11], %broadcast_in_dim3A_3 : memref<64x4xf32, #tpu.memory_space<vmem>>[vector<16xi32>, vector<16xi32>], vector<16xf32>,
    %iota3A_12 = tpu.iota {dimensions = array<i32: 0>} : vector<16xi32>
    %add3A_13 = arith.constant 16 : i32
    %add3A_14 = vector.broadcast %add3A_13 : i32 to vector<16xi32>
    %add3A_15 = arith.addi %add3A_14, %iota3A_12 : vector<16xi32>
    %broadcast_in_dim3A_16 = arith.constant 1 : i32
    %broadcast_in_dim3A_17 = vector.broadcast %broadcast_in_dim3A_16 : i32 to vector<16xi32>
    tpu.vector_store_idx %arg16[%add3A_15, %broadcast_in_dim3A_17], %broadcast_in_dim3A_3 : memref<64x4xf32, #tpu.memory_space<vmem>>[vector<16xi32>, vector<16xi32>], vector<16xf32>,
    %broadcast_in_dim3A_18 = arith.constant 2 : i32
    %broadcast_in_dim3A_19 = vector.broadcast %broadcast_in_dim3A_18 : i32 to vector<16xi32>
    tpu.vector_store_idx %arg16[%add3A_15, %broadcast_in_dim3A_19], %broadcast_in_dim3A_3 : memref<64x4xf32, #tpu.memory_space<vmem>>[vector<16xi32>, vector<16xi32>], vector<16xf32>,
    %broadcast_in_dim3A_20 = arith.constant 3 : i32
    %broadcast_in_dim3A_21 = vector.broadcast %broadcast_in_dim3A_20 : i32 to vector<16xi32>
    tpu.vector_store_idx %arg16[%add3A_15, %broadcast_in_dim3A_21], %broadcast_in_dim3A_3 : memref<64x4xf32, #tpu.memory_space<vmem>>[vector<16xi32>, vector<16xi32>], vector<16xf32>,
    %iota3A_22 = tpu.iota {dimensions = array<i32: 0>} : vector<16xi32>
    %add3A_23 = arith.constant 32 : i32
    %add3A_24 = vector.broadcast %add3A_23 : i32 to vector<16xi32>
    %add3A_25 = arith.addi %add3A_24, %iota3A_22 : vector<16xi32>
    %broadcast_in_dim3A_26 = arith.constant 1 : i32
    %broadcast_in_dim3A_27 = vector.broadcast %broadcast_in_dim3A_26 : i32 to vector<16xi32>
    tpu.vector_store_idx %arg16[%add3A_25, %broadcast_in_dim3A_27], %broadcast_in_dim3A_3 : memref<64x4xf32, #tpu.memory_space<vmem>>[vector<16xi32>, vector<16xi32>], vector<16xf32>,
    %broadcast_in_dim3A_28 = arith.constant 2 : i32
    %broadcast_in_dim3A_29 = vector.broadcast %broadcast_in_dim3A_28 : i32 to vector<16xi32>
    tpu.vector_store_idx %arg16[%add3A_25, %broadcast_in_dim3A_29], %broadcast_in_dim3A_3 : memref<64x4xf32, #tpu.memory_space<vmem>>[vector<16xi32>, vector<16xi32>], vector<16xf32>,
    %broadcast_in_dim3A_30 = arith.constant 3 : i32
    %broadcast_in_dim3A_31 = vector.broadcast %broadcast_in_dim3A_30 : i32 to vector<16xi32>
    tpu.vector_store_idx %arg16[%add3A_25, %broadcast_in_dim3A_31], %broadcast_in_dim3A_3 : memref<64x4xf32, #tpu.memory_space<vmem>>[vector<16xi32>, vector<16xi32>], vector<16xf32>,
    %iota3A_32 = tpu.iota {dimensions = array<i32: 0>} : vector<16xi32>
    %add3A_33 = arith.constant 48 : i32
    %add3A_34 = vector.broadcast %add3A_33 : i32 to vector<16xi32>
    %add3A_35 = arith.addi %add3A_34, %iota3A_32 : vector<16xi32>
    %broadcast_in_dim3A_36 = arith.constant 1 : i32
    %broadcast_in_dim3A_37 = vector.broadcast %broadcast_in_dim3A_36 : i32 to vector<16xi32>
    tpu.vector_store_idx %arg16[%add3A_35, %broadcast_in_dim3A_37], %broadcast_in_dim3A_3 : memref<64x4xf32, #tpu.memory_space<vmem>>[vector<16xi32>, vector<16xi32>], vector<16xf32>,
    %broadcast_in_dim3A_38 = arith.constant 2 : i32
    %broadcast_in_dim3A_39 = vector.broadcast %broadcast_in_dim3A_38 : i32 to vector<16xi32>
    tpu.vector_store_idx %arg16[%add3A_35, %broadcast_in_dim3A_39], %broadcast_in_dim3A_3 : memref<64x4xf32, #tpu.memory_space<vmem>>[vector<16xi32>, vector<16xi32>], vector<16xf32>,
    %broadcast_in_dim3A_40 = arith.constant 3 : i32
    %broadcast_in_dim3A_41 = vector.broadcast %broadcast_in_dim3A_40 : i32 to vector<16xi32>
    tpu.vector_store_idx %arg16[%add3A_35, %broadcast_in_dim3A_41], %broadcast_in_dim3A_3 : memref<64x4xf32, #tpu.memory_space<vmem>>[vector<16xi32>, vector<16xi32>], vector<16xf32>,
    %barrier3A = arith.constant 0 : index
    tpu.barrier barrier_id(%barrier3A)
    %mul3A_42 = arith.constant 16 : i32
    %mul3A_43 = arith.muli %arg0, %mul3A_42 : i32
    %add3A_44 = arith.addi %mul3A_43, %arg1 : i32
    %mul3A_45 = arith.constant 10368 : i32
    %mul3A_46 = arith.muli %add3A_44, %mul3A_45 : i32
    %scan3A = arith.constant 0 : i32
    %scan3A_47 = arith.constant 0 : i32
    %scan3A_48 = arith.constant 162 : i32
    %scan3A_49 = arith.addi %scan3A_47, %scan3A_48 : i32
    %scan3A_50 = arith.constant 1 : i32
    scf.for %scan3A_61 = %scan3A_47 to %scan3A_49 step %scan3A_50  : i32 {
      %mul3A_62 = arith.constant 64 : i32
      %mul3A_63 = arith.muli %scan3A_61, %mul3A_62 : i32
      %add3A_64 = arith.addi %mul3A_46, %mul3A_63 : i32
      %mul3A_65 = arith.constant 2 : i32
      %mul3A_66 = arith.muli %add3A_64, %mul3A_65 : i32
      "tpu.region"() ({
        %run_scoped3A = tpu.sem_alloc : memref<!tpu.dma_semaphore, #tpu.memory_space<semaphore_mem>>
        %dma_start3A_125 = tpu.memref_slice %arg3[%mul3A_66] : memref<663552xi32, #tpu.memory_space<hbm>> -> memref<128xi32, #tpu.memory_space<hbm>>
        %dma_start3A_126 = tpu.memref_slice %arg3[%mul3A_66] : memref<663552xi32, #tpu.memory_space<hbm>> -> memref<128xi32, #tpu.memory_space<hbm>>
        tpu.enqueue_dma source(%dma_start3A_126 : memref<128xi32, #tpu.memory_space<hbm>>) target(%arg10 : memref<128xi32, #tpu.memory_space<vmem>>) target_semaphore(%run_scoped3A : memref<!tpu.dma_semaphore, #tpu.memory_space<semaphore_mem>>)
        %dma_wait3A_127 = tpu.memref_slice %arg3[%mul3A_66] : memref<663552xi32, #tpu.memory_space<hbm>> -> memref<128xi32, #tpu.memory_space<hbm>>
        %dma_wait3A_128 = tpu.memref_slice %arg3[%mul3A_66] : memref<663552xi32, #tpu.memory_space<hbm>> -> memref<128xi32, #tpu.memory_space<hbm>>
        tpu.wait_dma2 semaphore(%run_scoped3A : memref<!tpu.dma_semaphore, #tpu.memory_space<semaphore_mem>>) src(%dma_wait3A_128 : memref<128xi32, #tpu.memory_space<hbm>>) dst(%arg10 : memref<128xi32, #tpu.memory_space<vmem>>)
        tpu.yield
      }) : () -> ()
      "tpu.region"() ({
        %run_scoped3A = tpu.sem_alloc : memref<!tpu.dma_semaphore, #tpu.memory_space<semaphore_mem>>
        %dma_start3A_125 = tpu.memref_slice %arg4[%add3A_64] : memref<331776xi32, #tpu.memory_space<hbm>> -> memref<64xi32, #tpu.memory_space<hbm>>
        %dma_start3A_126 = tpu.memref_slice %arg4[%add3A_64] : memref<331776xi32, #tpu.memory_space<hbm>> -> memref<64xi32, #tpu.memory_space<hbm>>
        tpu.enqueue_dma source(%dma_start3A_126 : memref<64xi32, #tpu.memory_space<hbm>>) target(%arg11 : memref<64xi32, #tpu.memory_space<vmem>>) target_semaphore(%run_scoped3A : memref<!tpu.dma_semaphore, #tpu.memory_space<semaphore_mem>>)
        %dma_wait3A_127 = tpu.memref_slice %arg4[%add3A_64] : memref<331776xi32, #tpu.memory_space<hbm>> -> memref<64xi32, #tpu.memory_space<hbm>>
        %dma_wait3A_128 = tpu.memref_slice %arg4[%add3A_64] : memref<331776xi32, #tpu.memory_space<hbm>> -> memref<64xi32, #tpu.memory_space<hbm>>
        tpu.wait_dma2 semaphore(%run_scoped3A : memref<!tpu.dma_semaphore, #tpu.memory_space<semaphore_mem>>) src(%dma_wait3A_128 : memref<64xi32, #tpu.memory_space<hbm>>) dst(%arg11 : memref<64xi32, #tpu.memory_space<vmem>>)
        tpu.yield
      }) : () -> ()
      %dma_start3A = arith.constant 0 : i32
      %dma_start3A_67 = arith.constant 0 : i32
      %dma_start3A_68 = tpu.memref_slice %arg2[%dma_start3A, %dma_start3A_67] : memref<20480x128xf32, #tpu.memory_space<hbm>> -> memref<20480x128xf32, #tpu.memory_space<hbm>>
      tpu.enqueue_indirect_dma source(%dma_start3A_68 : memref<20480x128xf32, #tpu.memory_space<hbm>>) target(%arg12 : memref<128x128xf32, #tpu.memory_space<vmem>>) offsets(%arg10 : memref<128xi32, #tpu.memory_space<vmem>>) semaphore(%arg19 : memref<!tpu.dma_semaphore, #tpu.memory_space<semaphore_mem>>)
      %dma_wait3A = arith.constant 0 : i32
      %dma_wait3A_69 = arith.constant 0 : i32
      %dma_wait3A_70 = tpu.memref_slice %arg2[%dma_wait3A, %dma_wait3A_69] : memref<20480x128xf32, #tpu.memory_space<hbm>> -> memref<20480x128xf32, #tpu.memory_space<hbm>>
      tpu.wait_indirect_dma semaphore(%arg19 : memref<!tpu.dma_semaphore, #tpu.memory_space<semaphore_mem>>) src(%dma_wait3A_70 : memref<20480x128xf32, #tpu.memory_space<hbm>>) dst(%arg12 : memref<128x128xf32, #tpu.memory_space<vmem>>)
      %get3A = arith.constant 0 : index
      %get3A_71 = tpu.vector_load %arg14[%get3A] {strides = array<i32>} : memref<16xf32, #tpu.memory_space<vmem>>, vector<16xf32>,
      %scan3A_72 = arith.constant 0 : i32
      %scan3A_73 = arith.constant 0 : i32
      %scan3A_74 = arith.constant 64 : i32
      %scan3A_75 = arith.addi %scan3A_73, %scan3A_74 : i32
      %scan3A_76 = arith.constant 4 : i32
      scf.for %scan3A_125 = %scan3A_73 to %scan3A_75 step %scan3A_76  : i32 {
        %add3A_126 = arith.constant 0 : i32
        %add3A_127 = arith.addi %add3A_126, %scan3A_125 : i32
        %get3A_128 = arith.index_cast %add3A_127 : i32 to index
        %get3A_129 = arith.constant 0 : index
        %get3A_130 = tpu.vector_load %arg12[%get3A_128, %get3A_129] {strides = array<i32>} : memref<128x128xf32, #tpu.memory_space<vmem>>, vector<16xf32>,
        %add3A_131 = arith.constant 64 : i32
        %add3A_132 = arith.addi %add3A_131, %scan3A_125 : i32
        %get3A_133 = arith.index_cast %add3A_132 : i32 to index
        %get3A_134 = arith.constant 0 : index
        %get3A_135 = tpu.vector_load %arg12[%get3A_133, %get3A_134] {strides = array<i32>} : memref<128x128xf32, #tpu.memory_space<vmem>>, vector<16xf32>,
        %add3A_136 = arith.addf %get3A_130, %get3A_135 : vector<16xf32>
        %mul3A_137 = arith.constant 2.000000e-01 : f32
        %mul3A_138 = vector.broadcast %mul3A_137 : f32 to vector<16xf32>
        %mul3A_139 = arith.mulf %mul3A_138, %add3A_136 : vector<16xf32>
        %max3A = arith.maximumf %add3A_136, %mul3A_139 : vector<16xf32>
        %mul3A_140 = arith.mulf %max3A, %get3A_71 : vector<16xf32>
        %broadcast_in_dim3A_141 = arith.constant true
        %broadcast_in_dim3A_142 = vector.broadcast %broadcast_in_dim3A_141 : i1 to vector<16xi1>
        %masked_cumsum3A = tpu.scan <sum>, %mul3A_140 masked %broadcast_in_dim3A_142 : vector<16xf32>, vector<16xi1> -> vector<16xf32>
        %broadcast_in_dim3A_143 = vector.broadcast %scan3A_125 : i32 to vector<16xi32>
        %iota3A_144 = tpu.iota {dimensions = array<i32: 0>} : vector<16xi32>
        %eq3A = arith.constant 15 : i32
        %eq3A_145 = vector.broadcast %eq3A : i32 to vector<16xi32>
        %eq3A_146 = arith.cmpi eq, %iota3A_144, %eq3A_145 : vector<16xi32>
        tpu.vector_store_idx %arg15[%broadcast_in_dim3A_143], %masked_cumsum3A masked %eq3A_146 : memref<64xf32, #tpu.memory_space<vmem>>[vector<16xi32>], vector<16xf32>, vector<16xi1>
        %scan3A_147 = arith.constant 1 : i32
        %scan3A_148 = arith.addi %scan3A_125, %scan3A_147 : i32
        %add3A_149 = arith.constant 0 : i32
        %add3A_150 = arith.addi %add3A_149, %scan3A_148 : i32
        %get3A_151 = arith.index_cast %add3A_150 : i32 to index
        %get3A_152 = arith.constant 0 : index
        %get3A_153 = tpu.vector_load %arg12[%get3A_151, %get3A_152] {strides = array<i32>} : memref<128x128xf32, #tpu.memory_space<vmem>>, vector<16xf32>,
        %add3A_154 = arith.constant 64 : i32
        %add3A_155 = arith.addi %add3A_154, %scan3A_148 : i32
        %get3A_156 = arith.index_cast %add3A_155 : i32 to index
        %get3A_157 = arith.constant 0 : index
        %get3A_158 = tpu.vector_load %arg12[%get3A_156, %get3A_157] {strides = array<i32>} : memref<128x128xf32, #tpu.memory_space<vmem>>, vector<16xf32>,
        %add3A_159 = arith.addf %get3A_153, %get3A_158 : vector<16xf32>
        %mul3A_160 = arith.constant 2.000000e-01 : f32
        %mul3A_161 = vector.broadcast %mul3A_160 : f32 to vector<16xf32>
        %mul3A_162 = arith.mulf %mul3A_161, %add3A_159 : vector<16xf32>
        %max3A_163 = arith.maximumf %add3A_159, %mul3A_162 : vector<16xf32>
        %mul3A_164 = arith.mulf %max3A_163, %get3A_71 : vector<16xf32>
        %broadcast_in_dim3A_165 = arith.constant true
        %broadcast_in_dim3A_166 = vector.broadcast %broadcast_in_dim3A_165 : i1 to vector<16xi1>
        %masked_cumsum3A_167 = tpu.scan <sum>, %mul3A_164 masked %broadcast_in_dim3A_166 : vector<16xf32>, vector<16xi1> -> vector<16xf32>
        %broadcast_in_dim3A_168 = vector.broadcast %scan3A_148 : i32 to vector<16xi32>
        %iota3A_169 = tpu.iota {dimensions = array<i32: 0>} : vector<16xi32>
        %eq3A_170 = arith.constant 15 : i32
        %eq3A_171 = vector.broadcast %eq3A_170 : i32 to vector<16xi32>
        %eq3A_172 = arith.cmpi eq, %iota3A_169, %eq3A_171 : vector<16xi32>
        tpu.vector_store_idx %arg15[%broadcast_in_dim3A_168], %masked_cumsum3A_167 masked %eq3A_172 : memref<64xf32, #tpu.memory_space<vmem>>[vector<16xi32>], vector<16xf32>, vector<16xi1>
        %scan3A_173 = arith.constant 2 : i32
        %scan3A_174 = arith.addi %scan3A_125, %scan3A_173 : i32
        %add3A_175 = arith.constant 0 : i32
        %add3A_176 = arith.addi %add3A_175, %scan3A_174 : i32
        %get3A_177 = arith.index_cast %add3A_176 : i32 to index
        %get3A_178 = arith.constant 0 : index
        %get3A_179 = tpu.vector_load %arg12[%get3A_177, %get3A_178] {strides = array<i32>} : memref<128x128xf32, #tpu.memory_space<vmem>>, vector<16xf32>,
        %add3A_180 = arith.constant 64 : i32
        %add3A_181 = arith.addi %add3A_180, %scan3A_174 : i32
        %get3A_182 = arith.index_cast %add3A_181 : i32 to index
        %get3A_183 = arith.constant 0 : index
        %get3A_184 = tpu.vector_load %arg12[%get3A_182, %get3A_183] {strides = array<i32>} : memref<128x128xf32, #tpu.memory_space<vmem>>, vector<16xf32>,
        %add3A_185 = arith.addf %get3A_179, %get3A_184 : vector<16xf32>
        %mul3A_186 = arith.constant 2.000000e-01 : f32
        %mul3A_187 = vector.broadcast %mul3A_186 : f32 to vector<16xf32>
        %mul3A_188 = arith.mulf %mul3A_187, %add3A_185 : vector<16xf32>
        %max3A_189 = arith.maximumf %add3A_185, %mul3A_188 : vector<16xf32>
        %mul3A_190 = arith.mulf %max3A_189, %get3A_71 : vector<16xf32>
        %broadcast_in_dim3A_191 = arith.constant true
        %broadcast_in_dim3A_192 = vector.broadcast %broadcast_in_dim3A_191 : i1 to vector<16xi1>
        %masked_cumsum3A_193 = tpu.scan <sum>, %mul3A_190 masked %broadcast_in_dim3A_192 : vector<16xf32>, vector<16xi1> -> vector<16xf32>
        %broadcast_in_dim3A_194 = vector.broadcast %scan3A_174 : i32 to vector<16xi32>
        %iota3A_195 = tpu.iota {dimensions = array<i32: 0>} : vector<16xi32>
        %eq3A_196 = arith.constant 15 : i32
        %eq3A_197 = vector.broadcast %eq3A_196 : i32 to vector<16xi32>
        %eq3A_198 = arith.cmpi eq, %iota3A_195, %eq3A_197 : vector<16xi32>
        tpu.vector_store_idx %arg15[%broadcast_in_dim3A_194], %masked_cumsum3A_193 masked %eq3A_198 : memref<64xf32, #tpu.memory_space<vmem>>[vector<16xi32>], vector<16xf32>, vector<16xi1>
        %scan3A_199 = arith.constant 3 : i32
        %scan3A_200 = arith.addi %scan3A_125, %scan3A_199 : i32
        %add3A_201 = arith.constant 0 : i32
        %add3A_202 = arith.addi %add3A_201, %scan3A_200 : i32
        %get3A_203 = arith.index_cast %add3A_202 : i32 to index
        %get3A_204 = arith.constant 0 : index
        %get3A_205 = tpu.vector_load %arg12[%get3A_203, %get3A_204] {strides = array<i32>} : memref<128x128xf32, #tpu.memory_space<vmem>>, vector<16xf32>,
        %add3A_206 = arith.constant 64 : i32
        %add3A_207 = arith.addi %add3A_206, %scan3A_200 : i32
        %get3A_208 = arith.index_cast %add3A_207 : i32 to index
        %get3A_209 = arith.constant 0 : index
        %get3A_210 = tpu.vector_load %arg12[%get3A_208, %get3A_209] {strides = array<i32>} : memref<128x128xf32, #tpu.memory_space<vmem>>, vector<16xf32>,
        %add3A_211 = arith.addf %get3A_205, %get3A_210 : vector<16xf32>
        %mul3A_212 = arith.constant 2.000000e-01 : f32
        %mul3A_213 = vector.broadcast %mul3A_212 : f32 to vector<16xf32>
        %mul3A_214 = arith.mulf %mul3A_213, %add3A_211 : vector<16xf32>
        %max3A_215 = arith.maximumf %add3A_211, %mul3A_214 : vector<16xf32>
        %mul3A_216 = arith.mulf %max3A_215, %get3A_71 : vector<16xf32>
        %broadcast_in_dim3A_217 = arith.constant true
        %broadcast_in_dim3A_218 = vector.broadcast %broadcast_in_dim3A_217 : i1 to vector<16xi1>
        %masked_cumsum3A_219 = tpu.scan <sum>, %mul3A_216 masked %broadcast_in_dim3A_218 : vector<16xf32>, vector<16xi1> -> vector<16xf32>
        %broadcast_in_dim3A_220 = vector.broadcast %scan3A_200 : i32 to vector<16xi32>
        %iota3A_221 = tpu.iota {dimensions = array<i32: 0>} : vector<16xi32>
        %eq3A_222 = arith.constant 15 : i32
        %eq3A_223 = vector.broadcast %eq3A_222 : i32 to vector<16xi32>
        %eq3A_224 = arith.cmpi eq, %iota3A_221, %eq3A_223 : vector<16xi32>
        tpu.vector_store_idx %arg15[%broadcast_in_dim3A_220], %masked_cumsum3A_219 masked %eq3A_224 : memref<64xf32, #tpu.memory_space<vmem>>[vector<16xi32>], vector<16xf32>, vector<16xi1>
      }
      %scan3A_77 = arith.constant 64 : i32
      %broadcast_in_dim3A_78 = arith.constant 0 : i32
      %broadcast_in_dim3A_79 = vector.broadcast %broadcast_in_dim3A_78 : i32 to vector<16xi32>
      %get3A_80 = arith.constant 0 : index
      %get3A_81 = tpu.vector_load %arg15[%get3A_80] {strides = array<i32>} : memref<64xf32, #tpu.memory_space<vmem>>, vector<16xf32>,
      %exp3A = math.exp %get3A_81 : vector<16xf32>
      %iota3A_82 = tpu.iota {dimensions = array<i32: 0>} : vector<16xi32>
      %add3A_83 = arith.constant 0 : i32
      %add3A_84 = vector.broadcast %add3A_83 : i32 to vector<16xi32>
      %add3A_85 = arith.addi %add3A_84, %iota3A_82 : vector<16xi32>
      tpu.vector_store_idx %arg16[%add3A_85, %broadcast_in_dim3A_79], %exp3A : memref<64x4xf32, #tpu.memory_space<vmem>>[vector<16xi32>, vector<16xi32>], vector<16xf32>,
      %get3A_86 = arith.constant 16 : index
      %get3A_87 = tpu.vector_load %arg15[%get3A_86] {strides = array<i32>} : memref<64xf32, #tpu.memory_space<vmem>>, vector<16xf32>,
      %exp3A_88 = math.exp %get3A_87 : vector<16xf32>
      %iota3A_89 = tpu.iota {dimensions = array<i32: 0>} : vector<16xi32>
      %add3A_90 = arith.constant 16 : i32
      %add3A_91 = vector.broadcast %add3A_90 : i32 to vector<16xi32>
      %add3A_92 = arith.addi %add3A_91, %iota3A_89 : vector<16xi32>
      tpu.vector_store_idx %arg16[%add3A_92, %broadcast_in_dim3A_79], %exp3A_88 : memref<64x4xf32, #tpu.memory_space<vmem>>[vector<16xi32>, vector<16xi32>], vector<16xf32>,
      %get3A_93 = arith.constant 32 : index
      %get3A_94 = tpu.vector_load %arg15[%get3A_93] {strides = array<i32>} : memref<64xf32, #tpu.memory_space<vmem>>, vector<16xf32>,
      %exp3A_95 = math.exp %get3A_94 : vector<16xf32>
      %iota3A_96 = tpu.iota {dimensions = array<i32: 0>} : vector<16xi32>
      %add3A_97 = arith.constant 32 : i32
      %add3A_98 = vector.broadcast %add3A_97 : i32 to vector<16xi32>
      %add3A_99 = arith.addi %add3A_98, %iota3A_96 : vector<16xi32>
      tpu.vector_store_idx %arg16[%add3A_99, %broadcast_in_dim3A_79], %exp3A_95 : memref<64x4xf32, #tpu.memory_space<vmem>>[vector<16xi32>, vector<16xi32>], vector<16xf32>,
      %get3A_100 = arith.constant 48 : index
      %get3A_101 = tpu.vector_load %arg15[%get3A_100] {strides = array<i32>} : memref<64xf32, #tpu.memory_space<vmem>>, vector<16xf32>,
      %exp3A_102 = math.exp %get3A_101 : vector<16xf32>
      %iota3A_103 = tpu.iota {dimensions = array<i32: 0>} : vector<16xi32>
      %add3A_104 = arith.constant 48 : i32
      %add3A_105 = vector.broadcast %add3A_104 : i32 to vector<16xi32>
      %add3A_106 = arith.addi %add3A_105, %iota3A_103 : vector<16xi32>
      tpu.vector_store_idx %arg16[%add3A_106, %broadcast_in_dim3A_79], %exp3A_102 : memref<64x4xf32, #tpu.memory_space<vmem>>[vector<16xi32>, vector<16xi32>], vector<16xf32>,
      %scan3A_107 = arith.constant 0 : i32
      %scan3A_108 = arith.constant 0 : i32
      %scan3A_109 = arith.constant 64 : i32
      %scan3A_110 = arith.addi %scan3A_108, %scan3A_109 : i32
      %scan3A_111 = arith.constant 4 : i32
      scf.for %scan3A_125 = %scan3A_108 to %scan3A_110 step %scan3A_111  : i32 {
        %broadcast_in_dim3A_126 = vector.broadcast %scan3A_125 : i32 to vector<16xi32>
        %broadcast_in_dim3A_127 = arith.constant 0 : i32
        %broadcast_in_dim3A_128 = vector.broadcast %broadcast_in_dim3A_127 : i32 to vector<16xi32>
        %gather3A = tpu.vector_load_idx %arg16[%broadcast_in_dim3A_126, %broadcast_in_dim3A_128] : memref<64x4xf32, #tpu.memory_space<vmem>>[vector<16xi32>, vector<16xi32>], vector<16xf32>,
        %add3A_129 = arith.constant 0 : i32
        %add3A_130 = arith.addi %add3A_129, %scan3A_125 : i32
        %get3A_131 = arith.index_cast %add3A_130 : i32 to index
        %get3A_132 = arith.constant 0 : index
        %get3A_133 = tpu.vector_load %arg12[%get3A_131, %get3A_132] {strides = array<i32>} : memref<128x128xf32, #tpu.memory_space<vmem>>, vector<16xf32>,
        %mul3A_134 = arith.mulf %get3A_133, %gather3A : vector<16xf32>
        %swap3A = arith.index_cast %scan3A_125 : i32 to index
        %swap3A_135 = arith.constant 0 : index
        %swap3A_136 = tpu.vector_load %arg13[%swap3A, %swap3A_135] {strides = array<i32>} : memref<64x16xf32, #tpu.memory_space<vmem>>, vector<16xf32>,
        tpu.vector_store %arg13[%swap3A, %swap3A_135], %mul3A_134 {strides = array<i32>} : memref<64x16xf32, #tpu.memory_space<vmem>>, vector<16xf32>,
        %scan3A_137 = arith.constant 1 : i32
        %scan3A_138 = arith.addi %scan3A_125, %scan3A_137 : i32
        %broadcast_in_dim3A_139 = vector.broadcast %scan3A_138 : i32 to vector<16xi32>
        %broadcast_in_dim3A_140 = arith.constant 0 : i32
        %broadcast_in_dim3A_141 = vector.broadcast %broadcast_in_dim3A_140 : i32 to vector<16xi32>
        %gather3A_142 = tpu.vector_load_idx %arg16[%broadcast_in_dim3A_139, %broadcast_in_dim3A_141] : memref<64x4xf32, #tpu.memory_space<vmem>>[vector<16xi32>, vector<16xi32>], vector<16xf32>,
        %add3A_143 = arith.constant 0 : i32
        %add3A_144 = arith.addi %add3A_143, %scan3A_138 : i32
        %get3A_145 = arith.index_cast %add3A_144 : i32 to index
        %get3A_146 = arith.constant 0 : index
        %get3A_147 = tpu.vector_load %arg12[%get3A_145, %get3A_146] {strides = array<i32>} : memref<128x128xf32, #tpu.memory_space<vmem>>, vector<16xf32>,
        %mul3A_148 = arith.mulf %get3A_147, %gather3A_142 : vector<16xf32>
        %swap3A_149 = arith.index_cast %scan3A_138 : i32 to index
        %swap3A_150 = arith.constant 0 : index
        %swap3A_151 = tpu.vector_load %arg13[%swap3A_149, %swap3A_150] {strides = array<i32>} : memref<64x16xf32, #tpu.memory_space<vmem>>, vector<16xf32>,
        tpu.vector_store %arg13[%swap3A_149, %swap3A_150], %mul3A_148 {strides = array<i32>} : memref<64x16xf32, #tpu.memory_space<vmem>>, vector<16xf32>,
        %scan3A_152 = arith.constant 2 : i32
        %scan3A_153 = arith.addi %scan3A_125, %scan3A_152 : i32
        %broadcast_in_dim3A_154 = vector.broadcast %scan3A_153 : i32 to vector<16xi32>
        %broadcast_in_dim3A_155 = arith.constant 0 : i32
        %broadcast_in_dim3A_156 = vector.broadcast %broadcast_in_dim3A_155 : i32 to vector<16xi32>
        %gather3A_157 = tpu.vector_load_idx %arg16[%broadcast_in_dim3A_154, %broadcast_in_dim3A_156] : memref<64x4xf32, #tpu.memory_space<vmem>>[vector<16xi32>, vector<16xi32>], vector<16xf32>,
        %add3A_158 = arith.constant 0 : i32
        %add3A_159 = arith.addi %add3A_158, %scan3A_153 : i32
        %get3A_160 = arith.index_cast %add3A_159 : i32 to index
        %get3A_161 = arith.constant 0 : index
        %get3A_162 = tpu.vector_load %arg12[%get3A_160, %get3A_161] {strides = array<i32>} : memref<128x128xf32, #tpu.memory_space<vmem>>, vector<16xf32>,
        %mul3A_163 = arith.mulf %get3A_162, %gather3A_157 : vector<16xf32>
        %swap3A_164 = arith.index_cast %scan3A_153 : i32 to index
        %swap3A_165 = arith.constant 0 : index
        %swap3A_166 = tpu.vector_load %arg13[%swap3A_164, %swap3A_165] {strides = array<i32>} : memref<64x16xf32, #tpu.memory_space<vmem>>, vector<16xf32>,
        tpu.vector_store %arg13[%swap3A_164, %swap3A_165], %mul3A_163 {strides = array<i32>} : memref<64x16xf32, #tpu.memory_space<vmem>>, vector<16xf32>,
        %scan3A_167 = arith.constant 3 : i32
        %scan3A_168 = arith.addi %scan3A_125, %scan3A_167 : i32
        %broadcast_in_dim3A_169 = vector.broadcast %scan3A_168 : i32 to vector<16xi32>
        %broadcast_in_dim3A_170 = arith.constant 0 : i32
        %broadcast_in_dim3A_171 = vector.broadcast %broadcast_in_dim3A_170 : i32 to vector<16xi32>
        %gather3A_172 = tpu.vector_load_idx %arg16[%broadcast_in_dim3A_169, %broadcast_in_dim3A_171] : memref<64x4xf32, #tpu.memory_space<vmem>>[vector<16xi32>, vector<16xi32>], vector<16xf32>,
        %add3A_173 = arith.constant 0 : i32
        %add3A_174 = arith.addi %add3A_173, %scan3A_168 : i32
        %get3A_175 = arith.index_cast %add3A_174 : i32 to index
        %get3A_176 = arith.constant 0 : index
        %get3A_177 = tpu.vector_load %arg12[%get3A_175, %get3A_176] {strides = array<i32>} : memref<128x128xf32, #tpu.memory_space<vmem>>, vector<16xf32>,
        %mul3A_178 = arith.mulf %get3A_177, %gather3A_172 : vector<16xf32>
        %swap3A_179 = arith.index_cast %scan3A_168 : i32 to index
        %swap3A_180 = arith.constant 0 : index
        %swap3A_181 = tpu.vector_load %arg13[%swap3A_179, %swap3A_180] {strides = array<i32>} : memref<64x16xf32, #tpu.memory_space<vmem>>, vector<16xf32>,
        tpu.vector_store %arg13[%swap3A_179, %swap3A_180], %mul3A_178 {strides = array<i32>} : memref<64x16xf32, #tpu.memory_space<vmem>>, vector<16xf32>,
      }
      %scan3A_112 = arith.constant 64 : i32
      %dma_start3A_113 = arith.constant 0 : i32
      %dma_start3A_114 = arith.constant 0 : i32
      %dma_start3A_115 = tpu.memref_slice %arg17[%dma_start3A_113, %dma_start3A_114] : memref<10240x4xf32, #tpu.memory_space<vmem_shared>> -> memref<10240x4xf32, #tpu.memory_space<vmem_shared>>
      tpu.enqueue_indirect_dma source(%arg16 : memref<64x4xf32, #tpu.memory_space<vmem>>) target(%dma_start3A_115 : memref<10240x4xf32, #tpu.memory_space<vmem_shared>>) offsets(%arg11 : memref<64xi32, #tpu.memory_space<vmem>>) semaphore(%arg19 : memref<!tpu.dma_semaphore, #tpu.memory_space<semaphore_mem>>) {add = true}
      %dma_start3A_116 = arith.constant 0 : i32
      %dma_start3A_117 = arith.constant 0 : i32
      %dma_start3A_118 = tpu.memref_slice %arg18[%dma_start3A_116, %dma_start3A_117] : memref<10240x16xf32, #tpu.memory_space<vmem_shared>> -> memref<10240x16xf32, #tpu.memory_space<vmem_shared>>
      tpu.enqueue_indirect_dma source(%arg13 : memref<64x16xf32, #tpu.memory_space<vmem>>) target(%dma_start3A_118 : memref<10240x16xf32, #tpu.memory_space<vmem_shared>>) offsets(%arg11 : memref<64xi32, #tpu.memory_space<vmem>>) semaphore(%arg19 : memref<!tpu.dma_semaphore, #tpu.memory_space<semaphore_mem>>) {add = true}
      %dma_wait3A_119 = arith.constant 0 : i32
      %dma_wait3A_120 = arith.constant 0 : i32
      %dma_wait3A_121 = tpu.memref_slice %arg17[%dma_wait3A_119, %dma_wait3A_120] : memref<10240x4xf32, #tpu.memory_space<vmem_shared>> -> memref<10240x4xf32, #tpu.memory_space<vmem_shared>>
      tpu.wait_indirect_dma semaphore(%arg19 : memref<!tpu.dma_semaphore, #tpu.memory_space<semaphore_mem>>) src(%arg16 : memref<64x4xf32, #tpu.memory_space<vmem>>) dst(%dma_wait3A_121 : memref<10240x4xf32, #tpu.memory_space<vmem_shared>>)
      %dma_wait3A_122 = arith.constant 0 : i32
      %dma_wait3A_123 = arith.constant 0 : i32
      %dma_wait3A_124 = tpu.memref_slice %arg18[%dma_wait3A_122, %dma_wait3A_123] : memref<10240x16xf32, #tpu.memory_space<vmem_shared>> -> memref<10240x16xf32, #tpu.memory_space<vmem_shared>>
      tpu.wait_indirect_dma semaphore(%arg19 : memref<!tpu.dma_semaphore, #tpu.memory_space<semaphore_mem>>) src(%arg13 : memref<64x16xf32, #tpu.memory_space<vmem>>) dst(%dma_wait3A_124 : memref<10240x16xf32, #tpu.memory_space<vmem_shared>>)
    }
    %scan3A_51 = arith.constant 162 : i32
    %barrier3A_52 = arith.constant 0 : index
    tpu.barrier barrier_id(%barrier3A_52)
    %mul3A_53 = arith.constant 640 : i32
    %mul3A_54 = arith.muli %arg1, %mul3A_53 : i32
    %mul3A_55 = arith.constant 640 : i32
    %mul3A_56 = arith.muli %arg1, %mul3A_55 : i32
    "tpu.region"() ({
      %run_scoped3A = tpu.sem_alloc : memref<!tpu.dma_semaphore, #tpu.memory_space<semaphore_mem>>
      %dma_start3A = arith.constant 0 : i32
      %dma_start3A_61 = tpu.memref_slice %arg8[%arg0, %mul3A_56, %dma_start3A] : memref<2x10240x4xf32, #tpu.memory_space<hbm>> -> memref<1x640x4xf32, #tpu.memory_space<hbm>>
      %dma_start3A_62 = tpu.memref_squeeze %dma_start3A_61 : memref<1x640x4xf32, #tpu.memory_space<hbm>> -> memref<640x4xf32, #tpu.memory_space<hbm>>
      %dma_start3A_63 = arith.constant 0 : i32
      %dma_start3A_64 = tpu.memref_slice %arg17[%mul3A_54, %dma_start3A_63] : memref<10240x4xf32, #tpu.memory_space<vmem_shared>> -> memref<640x4xf32, #tpu.memory_space<vmem_shared>>
      tpu.enqueue_dma source(%dma_start3A_64 : memref<640x4xf32, #tpu.memory_space<vmem_shared>>) target(%dma_start3A_62 : memref<640x4xf32, #tpu.memory_space<hbm>>) target_semaphore(%run_scoped3A : memref<!tpu.dma_semaphore, #tpu.memory_space<semaphore_mem>>)
      %dma_wait3A = arith.constant 0 : i32
      %dma_wait3A_65 = tpu.memref_slice %arg8[%arg0, %mul3A_56, %dma_wait3A] : memref<2x10240x4xf32, #tpu.memory_space<hbm>> -> memref<1x640x4xf32, #tpu.memory_space<hbm>>
      %dma_wait3A_66 = tpu.memref_squeeze %dma_wait3A_65 : memref<1x640x4xf32, #tpu.memory_space<hbm>> -> memref<640x4xf32, #tpu.memory_space<hbm>>
      %dma_wait3A_67 = arith.constant 0 : i32
      %dma_wait3A_68 = tpu.memref_slice %arg17[%mul3A_54, %dma_wait3A_67] : memref<10240x4xf32, #tpu.memory_space<vmem_shared>> -> memref<640x4xf32, #tpu.memory_space<vmem_shared>>
      tpu.wait_dma2 semaphore(%run_scoped3A : memref<!tpu.dma_semaphore, #tpu.memory_space<semaphore_mem>>) src(%dma_wait3A_68 : memref<640x4xf32, #tpu.memory_space<vmem_shared>>) dst(%dma_wait3A_66 : memref<640x4xf32, #tpu.memory_space<hbm>>)
      tpu.yield
    }) : () -> ()
    %mul3A_57 = arith.constant 640 : i32
    %mul3A_58 = arith.muli %arg1, %mul3A_57 : i32
    %mul3A_59 = arith.constant 640 : i32
    %mul3A_60 = arith.muli %arg1, %mul3A_59 : i32
    "tpu.region"() ({
      %run_scoped3A = tpu.sem_alloc : memref<!tpu.dma_semaphore, #tpu.memory_space<semaphore_mem>>
      %dma_start3A = arith.constant 0 : i32
      %dma_start3A_61 = tpu.memref_slice %arg9[%arg0, %mul3A_60, %dma_start3A] : memref<2x10240x16xf32, #tpu.memory_space<hbm>> -> memref<1x640x16xf32, #tpu.memory_space<hbm>>
      %dma_start3A_62 = tpu.memref_squeeze %dma_start3A_61 : memref<1x640x16xf32, #tpu.memory_space<hbm>> -> memref<640x16xf32, #tpu.memory_space<hbm>>
      %dma_start3A_63 = arith.constant 0 : i32
      %dma_start3A_64 = tpu.memref_slice %arg18[%mul3A_58, %dma_start3A_63] : memref<10240x16xf32, #tpu.memory_space<vmem_shared>> -> memref<640x16xf32, #tpu.memory_space<vmem_shared>>
      tpu.enqueue_dma source(%dma_start3A_64 : memref<640x16xf32, #tpu.memory_space<vmem_shared>>) target(%dma_start3A_62 : memref<640x16xf32, #tpu.memory_space<hbm>>) target_semaphore(%run_scoped3A : memref<!tpu.dma_semaphore, #tpu.memory_space<semaphore_mem>>)
      %dma_wait3A = arith.constant 0 : i32
      %dma_wait3A_65 = tpu.memref_slice %arg9[%arg0, %mul3A_60, %dma_wait3A] : memref<2x10240x16xf32, #tpu.memory_space<hbm>> -> memref<1x640x16xf32, #tpu.memory_space<hbm>>
      %dma_wait3A_66 = tpu.memref_squeeze %dma_wait3A_65 : memref<1x640x16xf32, #tpu.memory_space<hbm>> -> memref<640x16xf32, #tpu.memory_space<hbm>>
      %dma_wait3A_67 = arith.constant 0 : i32
      %dma_wait3A_68 = tpu.memref_slice %arg18[%mul3A_58, %dma_wait3A_67] : memref<10240x16xf32, #tpu.memory_space<vmem_shared>> -> memref<640x16xf32, #tpu.memory_space<vmem_shared>>
      tpu.wait_dma2 semaphore(%run_scoped3A : memref<!tpu.dma_semaphore, #tpu.memory_space<semaphore_mem>>) src(%dma_wait3A_68 : memref<640x16xf32, #tpu.memory_space<vmem_shared>>) dst(%dma_wait3A_66 : memref<640x16xf32, #tpu.memory_space<hbm>>)
      tpu.yield
    }) : () -> ()
    return
  }
}

module attributes {stable_mosaic.version = 14 : i64} {
  func.func @_mm1_k(%arg0: i32, %arg1: memref<512x128xf32, #tpu.memory_space<vmem>>, %arg2: memref<128x128xf32, #tpu.memory_space<vmem>>, %arg3: memref<128x128xf32, #tpu.memory_space<vmem>>, %arg4: memref<2x512x128xf32, #tpu.memory_space<vmem>>) attributes {dimension_semantics = [#tpu.dimension_semantics<arbitrary>], iteration_bounds = array<i64: 20>, scalar_prefetch = 0 : i64, scratch_operands = 0 : i64, tpu.core_type = #tpu.core_type<tc>, window_params = [{transform_indices = @transform_0, window_bounds = array<i64: 512, 128>}, {pipeline_mode = #tpu.pipeline_mode<synchronous>, transform_indices = @transform_1, window_bounds = array<i64: 128, 128>}, {pipeline_mode = #tpu.pipeline_mode<synchronous>, transform_indices = @transform_2, window_bounds = array<i64: 128, 128>}, {transform_indices = @transform_3, window_bounds = array<i64: 2, 512, 128>}]} {
    %get3A = arith.constant 0 : index
    %get3A_0 = arith.constant 0 : index
    %get3A_1 = vector.load %arg1[%get3A, %get3A_0] : memref<512x128xf32, #tpu.memory_space<vmem>>, vector<512x128xf32>
    %get3A_2 = arith.constant 0 : index
    %get3A_3 = arith.constant 0 : index
    %get3A_4 = vector.load %arg2[%get3A_2, %get3A_3] : memref<128x128xf32, #tpu.memory_space<vmem>>, vector<128x128xf32>
    %dot_general3A = arith.constant dense<0.000000e+00> : vector<512x128xf32>
    %dot_general3A_5 = tpu.matmul %get3A_1, %get3A_4, %dot_general3A {dimension_numbers = #tpu.dot_dimension_numbers<[1], [0], [0], [1], [0, 0, 1, 1], [], []>, transpose_lhs_hint = false} : vector<512x128xf32>, vector<128x128xf32>, vector<512x128xf32> -> vector<512x128xf32>
    %swap3A = arith.constant 0 : index
    %swap3A_6 = arith.constant 0 : index
    %swap3A_7 = arith.constant 0 : index
    %swap3A_8 = vector.load %arg4[%swap3A, %swap3A_6, %swap3A_7] : memref<2x512x128xf32, #tpu.memory_space<vmem>>, vector<1x512x128xf32>
    %swap3A_9 = vector.shape_cast %swap3A_8 : vector<1x512x128xf32> to vector<512x128xf32>
    %swap3A_10 = vector.shape_cast %dot_general3A_5 : vector<512x128xf32> to vector<1x512x128xf32>
    tpu.vector_store %arg4[%swap3A, %swap3A_6, %swap3A_7], %swap3A_10 {strides = array<i32>} : memref<2x512x128xf32, #tpu.memory_space<vmem>>, vector<1x512x128xf32>,
    %get3A_11 = arith.constant 0 : index
    %get3A_12 = arith.constant 0 : index
    %get3A_13 = vector.load %arg3[%get3A_11, %get3A_12] : memref<128x128xf32, #tpu.memory_space<vmem>>, vector<128x128xf32>
    %dot_general3A_14 = arith.constant dense<0.000000e+00> : vector<512x128xf32>
    %dot_general3A_15 = tpu.matmul %get3A_1, %get3A_13, %dot_general3A_14 {dimension_numbers = #tpu.dot_dimension_numbers<[1], [0], [0], [1], [0, 0, 1, 1], [], []>, transpose_lhs_hint = false} : vector<512x128xf32>, vector<128x128xf32>, vector<512x128xf32> -> vector<512x128xf32>
    %swap3A_16 = arith.constant 1 : index
    %swap3A_17 = arith.constant 0 : index
    %swap3A_18 = arith.constant 0 : index
    %swap3A_19 = vector.load %arg4[%swap3A_16, %swap3A_17, %swap3A_18] : memref<2x512x128xf32, #tpu.memory_space<vmem>>, vector<1x512x128xf32>
    %swap3A_20 = vector.shape_cast %swap3A_19 : vector<1x512x128xf32> to vector<512x128xf32>
    %swap3A_21 = vector.shape_cast %dot_general3A_15 : vector<512x128xf32> to vector<1x512x128xf32>
    tpu.vector_store %arg4[%swap3A_16, %swap3A_17, %swap3A_18], %swap3A_21 {strides = array<i32>} : memref<2x512x128xf32, #tpu.memory_space<vmem>>, vector<1x512x128xf32>,
    return
  }
  func.func @transform_0(%arg0: i32) -> (i32, i32) {
    %c0_i32 = arith.constant 0 : i32
    %c0_i32_0 = arith.constant 0 : i32
    return %arg0, %c0_i32 : i32, i32
  }
  func.func @transform_1(%arg0: i32) -> (i32, i32) {
    %c0_i32 = arith.constant 0 : i32
    %c0_i32_0 = arith.constant 0 : i32
    %c0_i32_1 = arith.constant 0 : i32
    return %c0_i32, %c0_i32_0 : i32, i32
  }
  func.func @transform_2(%arg0: i32) -> (i32, i32) {
    %c0_i32 = arith.constant 0 : i32
    %c0_i32_0 = arith.constant 0 : i32
    %c0_i32_1 = arith.constant 0 : i32
    return %c0_i32, %c0_i32_0 : i32, i32
  }
  func.func @transform_3(%arg0: i32) -> (i32, i32, i32) {
    %c0_i32 = arith.constant 0 : i32
    %c0_i32_0 = arith.constant 0 : i32
    %c0_i32_1 = arith.constant 0 : i32
    return %c0_i32, %arg0, %c0_i32_0 : i32, i32, i32
  }
}

module attributes {stable_mosaic.version = 14 : i64} {
  func.func @_fin_k(%arg0: i32, %arg1: memref<2x512x16xf32, #tpu.memory_space<vmem>>, %arg2: memref<2x512x4xf32, #tpu.memory_space<vmem>>, %arg3: memref<1x16xf32, #tpu.memory_space<vmem>>, %arg4: memref<512x16xf32, #tpu.memory_space<vmem>>, %arg5: memref<512x16xf32, #tpu.memory_space<vmem>>) attributes {dimension_semantics = [#tpu.dimension_semantics<arbitrary>], iteration_bounds = array<i64: 20>, scalar_prefetch = 0 : i64, scratch_operands = 0 : i64, tpu.core_type = #tpu.core_type<tc>, window_params = [{transform_indices = @transform_0, window_bounds = array<i64: 2, 512, 16>}, {transform_indices = @transform_1, window_bounds = array<i64: 2, 512, 4>}, {pipeline_mode = #tpu.pipeline_mode<synchronous>, transform_indices = @transform_2, window_bounds = array<i64: 1, 16>}, {transform_indices = @transform_3, window_bounds = array<i64: 512, 16>}, {transform_indices = @transform_4, window_bounds = array<i64: 512, 16>}]} {
    %get3A = arith.constant 0 : index
    %get3A_0 = arith.constant 0 : index
    %get3A_1 = arith.constant 0 : index
    %get3A_2 = vector.load %arg2[%get3A, %get3A_0, %get3A_1] : memref<2x512x4xf32, #tpu.memory_space<vmem>>, vector<1x512x4xf32>
    %get3A_3 = vector.shape_cast %get3A_2 : vector<1x512x4xf32> to vector<512x4xf32>
    %get3A_4 = arith.constant 1 : index
    %get3A_5 = arith.constant 0 : index
    %get3A_6 = arith.constant 0 : index
    %get3A_7 = vector.load %arg2[%get3A_4, %get3A_5, %get3A_6] : memref<2x512x4xf32, #tpu.memory_space<vmem>>, vector<1x512x4xf32>
    %get3A_8 = vector.shape_cast %get3A_7 : vector<1x512x4xf32> to vector<512x4xf32>
    %add3A = arith.addf %get3A_3, %get3A_8 : vector<512x4xf32>
    %get3A_9 = arith.constant 0 : index
    %get3A_10 = arith.constant 0 : index
    %get3A_11 = arith.constant 0 : index
    %get3A_12 = vector.load %arg1[%get3A_9, %get3A_10, %get3A_11] : memref<2x512x16xf32, #tpu.memory_space<vmem>>, vector<1x512x16xf32>
    %get3A_13 = vector.shape_cast %get3A_12 : vector<1x512x16xf32> to vector<512x16xf32>
    %get3A_14 = arith.constant 1 : index
    %get3A_15 = arith.constant 0 : index
    %get3A_16 = arith.constant 0 : index
    %get3A_17 = vector.load %arg1[%get3A_14, %get3A_15, %get3A_16] : memref<2x512x16xf32, #tpu.memory_space<vmem>>, vector<1x512x16xf32>
    %get3A_18 = vector.shape_cast %get3A_17 : vector<1x512x16xf32> to vector<512x16xf32>
    %add3A_19 = arith.addf %get3A_13, %get3A_18 : vector<512x16xf32>
    %slice3A = vector.extract_strided_slice %add3A {offsets = [0, 0], sizes = [512, 1], strides = [1, 1]} : vector<512x4xf32> to vector<512x1xf32>
    %div3A = vector.broadcast %slice3A : vector<512x1xf32> to vector<512x16xf32>
    %div3A_20 = arith.divf %add3A_19, %div3A : vector<512x16xf32>
    %get3A_21 = arith.constant 0 : index
    %get3A_22 = arith.constant 0 : index
    %get3A_23 = vector.load %arg3[%get3A_21, %get3A_22] : memref<1x16xf32, #tpu.memory_space<vmem>>, vector<1x16xf32>
    %add3A_24 = vector.broadcast %get3A_23 : vector<1x16xf32> to vector<512x16xf32>
    %add3A_25 = arith.addf %div3A_20, %add3A_24 : vector<512x16xf32>
    %swap3A = arith.constant 0 : index
    %swap3A_26 = arith.constant 0 : index
    %swap3A_27 = vector.load %arg4[%swap3A, %swap3A_26] : memref<512x16xf32, #tpu.memory_space<vmem>>, vector<512x16xf32>
    tpu.vector_store %arg4[%swap3A, %swap3A_26], %add3A_25 {strides = array<i32>} : memref<512x16xf32, #tpu.memory_space<vmem>>, vector<512x16xf32>,
    %reduce_max3A = arith.constant dense<0xFF800000> : vector<512xf32>
    %reduce_max3A_28 = vector.multi_reduction <maximumf>, %add3A_25, %reduce_max3A [1] : vector<512x16xf32> to vector<512xf32>
    %broadcast_in_dim3A = vector.shape_cast %reduce_max3A_28 : vector<512xf32> to vector<512x1xf32>
    %sub3A = vector.broadcast %broadcast_in_dim3A : vector<512x1xf32> to vector<512x16xf32>
    %sub3A_29 = arith.subf %add3A_25, %sub3A : vector<512x16xf32>
    %exp3A = math.exp %sub3A_29 : vector<512x16xf32>
    %reduce_sum3A = arith.constant dense<0.000000e+00> : vector<512xf32>
    %reduce_sum3A_30 = vector.multi_reduction <add>, %exp3A, %reduce_sum3A [1] : vector<512x16xf32> to vector<512xf32>
    %broadcast_in_dim3A_31 = vector.shape_cast %reduce_sum3A_30 : vector<512xf32> to vector<512x1xf32>
    %log3A = math.log %broadcast_in_dim3A_31 : vector<512x1xf32>
    %sub3A_32 = vector.broadcast %broadcast_in_dim3A : vector<512x1xf32> to vector<512x16xf32>
    %sub3A_33 = arith.subf %add3A_25, %sub3A_32 : vector<512x16xf32>
    %sub3A_34 = vector.broadcast %log3A : vector<512x1xf32> to vector<512x16xf32>
    %sub3A_35 = arith.subf %sub3A_33, %sub3A_34 : vector<512x16xf32>
    %swap3A_36 = arith.constant 0 : index
    %swap3A_37 = arith.constant 0 : index
    %swap3A_38 = vector.load %arg5[%swap3A_36, %swap3A_37] : memref<512x16xf32, #tpu.memory_space<vmem>>, vector<512x16xf32>
    tpu.vector_store %arg5[%swap3A_36, %swap3A_37], %sub3A_35 {strides = array<i32>} : memref<512x16xf32, #tpu.memory_space<vmem>>, vector<512x16xf32>,
    return
  }
  func.func @transform_0(%arg0: i32) -> (i32, i32, i32) {
    %c0_i32 = arith.constant 0 : i32
    %c0_i32_0 = arith.constant 0 : i32
    %c0_i32_1 = arith.constant 0 : i32
    return %c0_i32, %arg0, %c0_i32_0 : i32, i32, i32
  }
  func.func @transform_1(%arg0: i32) -> (i32, i32, i32) {
    %c0_i32 = arith.constant 0 : i32
    %c0_i32_0 = arith.constant 0 : i32
    %c0_i32_1 = arith.constant 0 : i32
    return %c0_i32, %arg0, %c0_i32_0 : i32, i32, i32
  }
  func.func @transform_2(%arg0: i32) -> (i32, i32) {
    %c0_i32 = arith.constant 0 : i32
    %c0_i32_0 = arith.constant 0 : i32
    %c0_i32_1 = arith.constant 0 : i32
    return %c0_i32, %c0_i32_0 : i32, i32
  }
  func.func @transform_3(%arg0: i32) -> (i32, i32) {
    %c0_i32 = arith.constant 0 : i32
    %c0_i32_0 = arith.constant 0 : i32
    return %arg0, %c0_i32 : i32, i32
  }
  func.func @transform_4(%arg0: i32) -> (i32, i32) {
    %c0_i32 = arith.constant 0 : i32
    %c0_i32_0 = arith.constant 0 : i32
    return %arg0, %c0_i32 : i32, i32
  }
}

module attributes {stable_mosaic.version = 14 : i64} {
  func.func @_mm2_k(%arg0: i32, %arg1: memref<2x512x128xf32, #tpu.memory_space<vmem>>, %arg2: memref<2x512x4xf32, #tpu.memory_space<vmem>>, %arg3: memref<1x128xf32, #tpu.memory_space<vmem>>, %arg4: memref<128x128xf32, #tpu.memory_space<vmem>>, %arg5: memref<128x128xf32, #tpu.memory_space<vmem>>, %arg6: memref<2x512x128xf32, #tpu.memory_space<vmem>>) attributes {dimension_semantics = [#tpu.dimension_semantics<arbitrary>], iteration_bounds = array<i64: 20>, scalar_prefetch = 0 : i64, scratch_operands = 0 : i64, tpu.core_type = #tpu.core_type<tc>, window_params = [{transform_indices = @transform_0, window_bounds = array<i64: 2, 512, 128>}, {transform_indices = @transform_1, window_bounds = array<i64: 2, 512, 4>}, {pipeline_mode = #tpu.pipeline_mode<synchronous>, transform_indices = @transform_2, window_bounds = array<i64: 1, 128>}, {pipeline_mode = #tpu.pipeline_mode<synchronous>, transform_indices = @transform_3, window_bounds = array<i64: 128, 128>}, {pipeline_mode = #tpu.pipeline_mode<synchronous>, transform_indices = @transform_4, window_bounds = array<i64: 128, 128>}, {transform_indices = @transform_5, window_bounds = array<i64: 2, 512, 128>}]} {
    %get3A = arith.constant 0 : index
    %get3A_0 = arith.constant 0 : index
    %get3A_1 = arith.constant 0 : index
    %get3A_2 = vector.load %arg1[%get3A, %get3A_0, %get3A_1] : memref<2x512x128xf32, #tpu.memory_space<vmem>>, vector<1x512x128xf32>
    %get3A_3 = vector.shape_cast %get3A_2 : vector<1x512x128xf32> to vector<512x128xf32>
    %get3A_4 = arith.constant 1 : index
    %get3A_5 = arith.constant 0 : index
    %get3A_6 = arith.constant 0 : index
    %get3A_7 = vector.load %arg1[%get3A_4, %get3A_5, %get3A_6] : memref<2x512x128xf32, #tpu.memory_space<vmem>>, vector<1x512x128xf32>
    %get3A_8 = vector.shape_cast %get3A_7 : vector<1x512x128xf32> to vector<512x128xf32>
    %add3A = arith.addf %get3A_3, %get3A_8 : vector<512x128xf32>
    %get3A_9 = arith.constant 0 : index
    %get3A_10 = arith.constant 0 : index
    %get3A_11 = arith.constant 0 : index
    %get3A_12 = vector.load %arg2[%get3A_9, %get3A_10, %get3A_11] : memref<2x512x4xf32, #tpu.memory_space<vmem>>, vector<1x512x4xf32>
    %get3A_13 = vector.shape_cast %get3A_12 : vector<1x512x4xf32> to vector<512x4xf32>
    %get3A_14 = arith.constant 1 : index
    %get3A_15 = arith.constant 0 : index
    %get3A_16 = arith.constant 0 : index
    %get3A_17 = vector.load %arg2[%get3A_14, %get3A_15, %get3A_16] : memref<2x512x4xf32, #tpu.memory_space<vmem>>, vector<1x512x4xf32>
    %get3A_18 = vector.shape_cast %get3A_17 : vector<1x512x4xf32> to vector<512x4xf32>
    %add3A_19 = arith.addf %get3A_13, %get3A_18 : vector<512x4xf32>
    %slice3A = vector.extract_strided_slice %add3A {offsets = [0, 0], sizes = [512, 32], strides = [1, 1]} : vector<512x128xf32> to vector<512x32xf32>
    %slice3A_20 = vector.extract_strided_slice %add3A_19 {offsets = [0, 0], sizes = [512, 1], strides = [1, 1]} : vector<512x4xf32> to vector<512x1xf32>
    %div3A = vector.broadcast %slice3A_20 : vector<512x1xf32> to vector<512x32xf32>
    %div3A_21 = arith.divf %slice3A, %div3A : vector<512x32xf32>
    %slice3A_22 = vector.extract_strided_slice %add3A {offsets = [0, 32], sizes = [512, 32], strides = [1, 1]} : vector<512x128xf32> to vector<512x32xf32>
    %slice3A_23 = vector.extract_strided_slice %add3A_19 {offsets = [0, 1], sizes = [512, 1], strides = [1, 1]} : vector<512x4xf32> to vector<512x1xf32>
    %div3A_24 = vector.broadcast %slice3A_23 : vector<512x1xf32> to vector<512x32xf32>
    %div3A_25 = arith.divf %slice3A_22, %div3A_24 : vector<512x32xf32>
    %slice3A_26 = vector.extract_strided_slice %add3A {offsets = [0, 64], sizes = [512, 32], strides = [1, 1]} : vector<512x128xf32> to vector<512x32xf32>
    %slice3A_27 = vector.extract_strided_slice %add3A_19 {offsets = [0, 2], sizes = [512, 1], strides = [1, 1]} : vector<512x4xf32> to vector<512x1xf32>
    %div3A_28 = vector.broadcast %slice3A_27 : vector<512x1xf32> to vector<512x32xf32>
    %div3A_29 = arith.divf %slice3A_26, %div3A_28 : vector<512x32xf32>
    %slice3A_30 = vector.extract_strided_slice %add3A {offsets = [0, 96], sizes = [512, 32], strides = [1, 1]} : vector<512x128xf32> to vector<512x32xf32>
    %slice3A_31 = vector.extract_strided_slice %add3A_19 {offsets = [0, 3], sizes = [512, 1], strides = [1, 1]} : vector<512x4xf32> to vector<512x1xf32>
    %div3A_32 = vector.broadcast %slice3A_31 : vector<512x1xf32> to vector<512x32xf32>
    %div3A_33 = arith.divf %slice3A_30, %div3A_32 : vector<512x32xf32>
    %concatenate3A = tpu.concatenate %div3A_21, %div3A_25, %div3A_29, %div3A_33 in 1 : vector<512x32xf32>, vector<512x32xf32>, vector<512x32xf32>, vector<512x32xf32> -> vector<512x128xf32>
    %get3A_34 = arith.constant 0 : index
    %get3A_35 = arith.constant 0 : index
    %get3A_36 = vector.load %arg3[%get3A_34, %get3A_35] : memref<1x128xf32, #tpu.memory_space<vmem>>, vector<1x128xf32>
    %add3A_37 = vector.broadcast %get3A_36 : vector<1x128xf32> to vector<512x128xf32>
    %add3A_38 = arith.addf %concatenate3A, %add3A_37 : vector<512x128xf32>
    %mul3A = arith.constant 512 : i32
    %mul3A_39 = arith.muli %arg0, %mul3A : i32
    %iota3A = tpu.iota {dimensions = array<i32: 0>} : vector<512x128xi32>
    %add3A_40 = vector.broadcast %mul3A_39 : i32 to vector<512x128xi32>
    %add3A_41 = arith.addi %add3A_40, %iota3A : vector<512x128xi32>
    %lt3A = arith.constant 10000 : i32
    %lt3A_42 = vector.broadcast %lt3A : i32 to vector<512x128xi32>
    %lt3A_43 = arith.cmpi slt, %add3A_41, %lt3A_42 : vector<512x128xi32>
    %tanh3A = math.tanh %add3A_38 : vector<512x128xf32>
    %jit3A = arith.constant 0.000000e+00 : f32
    %broadcast_in_dim3A = vector.broadcast %jit3A : f32 to vector<512x128xf32>
    %select_n3A = arith.select %lt3A_43, %tanh3A, %broadcast_in_dim3A : vector<512x128xi1>, vector<512x128xf32>
    %get3A_44 = arith.constant 0 : index
    %get3A_45 = arith.constant 0 : index
    %get3A_46 = vector.load %arg4[%get3A_44, %get3A_45] : memref<128x128xf32, #tpu.memory_space<vmem>>, vector<128x128xf32>
    %dot_general3A = arith.constant dense<0.000000e+00> : vector<512x128xf32>
    %dot_general3A_47 = tpu.matmul %select_n3A, %get3A_46, %dot_general3A {dimension_numbers = #tpu.dot_dimension_numbers<[1], [0], [0], [1], [0, 0, 1, 1], [], []>, transpose_lhs_hint = false} : vector<512x128xf32>, vector<128x128xf32>, vector<512x128xf32> -> vector<512x128xf32>
    %swap3A = arith.constant 0 : index
    %swap3A_48 = arith.constant 0 : index
    %swap3A_49 = arith.constant 0 : index
    %swap3A_50 = vector.load %arg6[%swap3A, %swap3A_48, %swap3A_49] : memref<2x512x128xf32, #tpu.memory_space<vmem>>, vector<1x512x128xf32>
    %swap3A_51 = vector.shape_cast %swap3A_50 : vector<1x512x128xf32> to vector<512x128xf32>
    %swap3A_52 = vector.shape_cast %dot_general3A_47 : vector<512x128xf32> to vector<1x512x128xf32>
    tpu.vector_store %arg6[%swap3A, %swap3A_48, %swap3A_49], %swap3A_52 {strides = array<i32>} : memref<2x512x128xf32, #tpu.memory_space<vmem>>, vector<1x512x128xf32>,
    %get3A_53 = arith.constant 0 : index
    %get3A_54 = arith.constant 0 : index
    %get3A_55 = vector.load %arg5[%get3A_53, %get3A_54] : memref<128x128xf32, #tpu.memory_space<vmem>>, vector<128x128xf32>
    %dot_general3A_56 = arith.constant dense<0.000000e+00> : vector<512x128xf32>
    %dot_general3A_57 = tpu.matmul %select_n3A, %get3A_55, %dot_general3A_56 {dimension_numbers = #tpu.dot_dimension_numbers<[1], [0], [0], [1], [0, 0, 1, 1], [], []>, transpose_lhs_hint = false} : vector<512x128xf32>, vector<128x128xf32>, vector<512x128xf32> -> vector<512x128xf32>
    %swap3A_58 = arith.constant 1 : index
    %swap3A_59 = arith.constant 0 : index
    %swap3A_60 = arith.constant 0 : index
    %swap3A_61 = vector.load %arg6[%swap3A_58, %swap3A_59, %swap3A_60] : memref<2x512x128xf32, #tpu.memory_space<vmem>>, vector<1x512x128xf32>
    %swap3A_62 = vector.shape_cast %swap3A_61 : vector<1x512x128xf32> to vector<512x128xf32>
    %swap3A_63 = vector.shape_cast %dot_general3A_57 : vector<512x128xf32> to vector<1x512x128xf32>
    tpu.vector_store %arg6[%swap3A_58, %swap3A_59, %swap3A_60], %swap3A_63 {strides = array<i32>} : memref<2x512x128xf32, #tpu.memory_space<vmem>>, vector<1x512x128xf32>,
    return
  }
  func.func @transform_0(%arg0: i32) -> (i32, i32, i32) {
    %c0_i32 = arith.constant 0 : i32
    %c0_i32_0 = arith.constant 0 : i32
    %c0_i32_1 = arith.constant 0 : i32
    return %c0_i32, %arg0, %c0_i32_0 : i32, i32, i32
  }
  func.func @transform_1(%arg0: i32) -> (i32, i32, i32) {
    %c0_i32 = arith.constant 0 : i32
    %c0_i32_0 = arith.constant 0 : i32
    %c0_i32_1 = arith.constant 0 : i32
    return %c0_i32, %arg0, %c0_i32_0 : i32, i32, i32
  }
  func.func @transform_2(%arg0: i32) -> (i32, i32) {
    %c0_i32 = arith.constant 0 : i32
    %c0_i32_0 = arith.constant 0 : i32
    %c0_i32_1 = arith.constant 0 : i32
    return %c0_i32, %c0_i32_0 : i32, i32
  }
  func.func @transform_3(%arg0: i32) -> (i32, i32) {
    %c0_i32 = arith.constant 0 : i32
    %c0_i32_0 = arith.constant 0 : i32
    %c0_i32_1 = arith.constant 0 : i32
    return %c0_i32, %c0_i32_0 : i32, i32
  }
  func.func @transform_4(%arg0: i32) -> (i32, i32) {
    %c0_i32 = arith.constant 0 : i32
    %c0_i32_0 = arith.constant 0 : i32
    %c0_i32_1 = arith.constant 0 : i32
    return %c0_i32, %c0_i32_0 : i32, i32
  }
  func.func @transform_5(%arg0: i32) -> (i32, i32, i32) {
    %c0_i32 = arith.constant 0 : i32
    %c0_i32_0 = arith.constant 0 : i32
    %c0_i32_1 = arith.constant 0 : i32
    return %c0_i32, %arg0, %c0_i32_0 : i32, i32, i32
  }
}

</mosaic_0001>

<sc_bundles>
// kernel: kernel.10.cloned.1.call-start
scs
__scs_entry_jumppad:
0x0: {  	(pc) =	sbr.rel $0x88, $3  }
0x1: {  	(tag) =	ssettag $0x0;
	lr =	simm.s32 $0x1  }
0x2: {  	[smem:$0x3F97] =	sst lr;
	_ =	strace $0xD0000000  }
0x3: {  	_ = 	snop  }
0x4: {  	_ = 	snop  }
0x5: {  	_ = 	snop  }
0x6: {  	_ = 	snop  }
0x7: {  	_ = 	snop  }
__scs_overlays_trampoline_lowered:
0x8: {  	[smem:$0x3FA6] =	sst s0  }
0x9: {  	[smem:$0x3FA7] =	sst s1  }
0xa: {  	[smem:$0x3FA8] =	sst s2  }
0xb: {  	[smem:$0x3FA9] =	sst s3  }
0xc: {  	[smem:$0x3FAA] =	sst s4  }
0xd: {  	[smem:$0x3FAB] =	sst s5  }
0xe: {  	[smem:$0x3FAC] =	sst s6  }
0xf: {  	[smem:$0x3FAD] =	sst s7  }
0x10: {  	[smem:$0x3FAE] =	sst s8  }
0x11: {  	[smem:$0x3FAF] =	sst s9;
	s0 =	simm.s32 @!p0 $0x0  }
0x12: {  	s1 =	sld [smem:$0x3F95];
	s0 =	simm.s32 @p0 $0x1  }
0x13: {  	[smem:$0x3FB0] =	sst s0;
	s0 =	simm.s32 @!p1 $0x0  }
0x14: {  	s2 =	sld [smem:$0x3F94];
	s0 =	simm.s32 @p1 $0x1  }
0x15: {  	[smem:$0x3FB1] =	sst s0;
	s0 =	simm.s32 @!p2 $0x0  }
0x16: {  	s3 =	sld [smem:$0x3FDB];
	s0 =	simm.s32 @p2 $0x1  }
0x17: {  	s4 =	simm.s32 $0x1BF5;
	[smem:$0x3FB3] =	sst s0  }
0x18: {  	s0 =	sld [smem:$0x3F96];
	_ =	swait.ge [sflag:s4], $0x0  }
0x19: {  	s7 =	sld [smem:$0x3F97]  }
0x1a: {  	s8 =	sadd.s32 $0xFFFFE003, lr  }
0x1b: {  	s9 =	sadd.s32 $0xFFFFFEF7, lr;
	s5 =	simm.s32 $0xFFFFFFFF;
	p2 =	slt.u32 s8, $0xFFFFF086  }
0x1c: {  	p1 =	slt.u32 s9, $0xF7A;
	s5 =	simm.s32 @!p2 $0x0  }
0x1d: {  	s5 =	simm.s32 @p1 $0x1;
	p0 =	seq.s32 s7, s2  }
0x1e: {  	s7 =	smul.u32 @!p0 $0xF7A, s2;
	p2 =	seq.s32 @!p0 s5, $0x0  }
0x1f: {  	s9 =	smul.u32 $0xF7A, s1;
	s8 =	simm.s32 @!p0 $0x1BF5;
	p2 =	por !p2, p0  }
0x20: {  	[sflag:s8] =	ssyncset.s32 @!p0 $0xFFFFF086;
	s6 =	sadd.s32 @!p0 s3, s7;
	s7 =	simm.s32 @!p0 $0x108  }
0x21: {  	s3 =	sadd.s32 s3, s9;
	s6 =	sadd.s32 @!p0 $0x88, s6;
	s7 =	simm.s32 @p2 $0x1082  }
0x22: {  	[simem:s7], [sflag:s8] =	dma.local @!p0 [hbm:s6], $0xF7A  }
0x23: {  	s9 =	sor.u32 $0xD0000000, s2;
	s6 =	simm.s32 $0x108;
	_ =	swait.ge @!p0 [sflag:s8], $0x0  }
0x24: {  	s3 =	sadd.s32 $0x88, s3;
	s6 =	simm.s32 @!p1 $0x1082;
	[sflag:s4] =	ssyncset.s32 $0xFFFFF086  }
0x25: {  	[simem:s6], [sflag:s4] =	dma.local [hbm:s3], $0xF7A  }
0x26: {  	[smem:$0x3F97] =	sst s1;
	(tag) =	ssettag s2;
	_ =	strace s9  }
0x27: {  	s1 =	sld [smem:$0x3FA7]  }
0x28: {  	s2 =	sld [smem:$0x3FA8]  }
0x29: {  	s4 =	sld [smem:$0x3FAA]  }
0x2a: {  	p0 =	seq.s32 s5, $0x0;
	s5 =	sld [smem:$0x3FAB]  }
0x2b: {  	s6 =	sld [smem:$0x3FAC]  }
0x2c: {  	s7 =	sld [smem:$0x3FAD]  }
0x2d: {  	s3 =	simm.s32 $0x108;
	s8 =	sld [smem:$0x3FAE]  }
0x2e: {  	s3 =	simm.s32 @!p0 $0x1082;
	s9 =	sld [smem:$0x3FAF]  }
0x2f: {  	lr =	sadd.s32 s0, s3;
	s0 =	sld [smem:$0x3FA6]  }
0x30: {  	s3 =	sld [smem:$0x3FA9]  }
0x31: {  	[smem:$0x3FB2] =	sst s10  }
0x32: {  	s10 =	sld [smem:$0x3FB0];
	_ =	sdelay $0x3  }
0x33: {  	p0 =	seq.s32 s10, $0x1;
	s10 =	sld [smem:$0x3FB2];
	_ =	sdelay $0x3  }
0x34: {  	[smem:$0x3FB2] =	sst s10  }
0x35: {  	s10 =	sld [smem:$0x3FB1];
	_ =	sdelay $0x3  }
0x36: {  	p1 =	seq.s32 s10, $0x1;
	s10 =	sld [smem:$0x3FB2];
	_ =	sdelay $0x3  }
0x37: {  	[smem:$0x3FB2] =	sst s10  }
0x38: {  	s10 =	sld [smem:$0x3FB3]  }
0x39: {  	_ = 	snop;
	(pc) =	sbr.ind lr, $3  }
0x3a: {  	_ = 	snop  }
0x3b: {  	_ = 	snop  }
0x3c: {  	p2 =	seq.s32 s10, $0x1;
	s10 =	sld [smem:$0x3FB2]  }
0x3d: {  	_ =	shalt  }
0x3e: {  	_ =	shalt  }
0x3f: {  	_ =	shalt  }
0x40: {  	_ =	shalt  }
0x41: {  	_ =	shalt  }
0x42: {  	_ =	shalt  }
0x43: {  	_ =	shalt  }
0x44: {  	_ =	shalt  }
0x45: {  	_ =	shalt  }
0x46: {  	_ =	shalt  }
0x47: {  	_ =	shalt  }
0x48: {  	_ =	shalt  }
0x49: {  	_ =	shalt  }
0x4a: {  	_ =	shalt  }
0x4b: {  	_ =	shalt  }
0x4c: {  	_ =	shalt  }
0x4d: {  	_ =	shalt  }
0x4e: {  	_ =	shalt  }
0x4f: {  	_ =	shalt  }
0x50: {  	_ =	shalt  }
0x51: {  	_ =	shalt  }
0x52: {  	_ =	shalt  }
0x53: {  	_ =	shalt  }
0x54: {  	_ =	shalt  }
0x55: {  	_ =	shalt  }
0x56: {  	_ =	shalt  }
0x57: {  	_ =	shalt  }
0x58: {  	_ =	shalt  }
0x59: {  	_ =	shalt  }
0x5a: {  	_ =	shalt  }
0x5b: {  	_ =	shalt  }
0x5c: {  	_ =	shalt  }
0x5d: {  	_ =	shalt  }
0x5e: {  	_ =	shalt  }
0x5f: {  	_ =	shalt  }
0x60: {  	_ =	shalt  }
0x61: {  	_ =	shalt  }
0x62: {  	_ =	shalt  }
0x63: {  	_ =	shalt  }
0x64: {  	_ =	shalt  }
0x65: {  	_ =	shalt  }
0x66: {  	_ =	shalt  }
0x67: {  	_ =	shalt  }
0x68: {  	_ =	shalt  }
0x69: {  	_ =	shalt  }
0x6a: {  	_ =	shalt  }
0x6b: {  	_ =	shalt  }
0x6c: {  	_ =	shalt  }
0x6d: {  	_ =	shalt  }
0x6e: {  	_ =	shalt  }
0x6f: {  	_ =	shalt  }
0x70: {  	_ =	shalt  }
0x71: {  	_ =	shalt  }
0x72: {  	_ =	shalt  }
0x73: {  	_ =	shalt  }
0x74: {  	_ =	shalt  }
0x75: {  	_ =	shalt  }
0x76: {  	_ =	shalt  }
0x77: {  	_ =	shalt  }
0x78: {  	_ =	shalt  }
0x79: {  	_ =	shalt  }
0x7a: {  	_ =	shalt  }
0x7b: {  	_ =	shalt  }
0x7c: {  	_ =	shalt  }
0x7d: {  	_ =	shalt  }
0x7e: {  	_ =	shalt  }
0x7f: {  	_ =	shalt  }
0x80: {  	_ =	shalt  }
0x81: {  	_ =	shalt  }
0x82: {  	_ =	shalt  }
0x83: {  	_ =	shalt  }
0x84: {  	_ =	shalt  }
0x85: {  	_ =	shalt  }
0x86: {  	_ =	shalt  }
0x87: {  	_ =	shalt  }
.Lfunc_end0:
.L_simem_size_0:
called_computation.1_lowered:
.L_overlay_start_0:
0x88: {  	s2 =	sld [smem:$0x3FD9]  }
0x89: {  	s3 =	sld [smem:$0x3FFE];
	_ =	sdelay $0x1  }
0x8a: {  	s1 =	srdreg.scid  }
0x8b: {  	s0 =	sand.u32 $0x1, s1  }
0x8c: {  	s14 =	sshll.u32 s0, $0xA;
	s2 =	sadd.s32 s3, s2  }
0x8d: {  	s2 =	sadd.s32 s2, s14  }
0x8e: {  	[smem:$0x3FBE] =	sst s2  }
0x8f: {  	_ = 	snop  }
0x90: {  	s2 =	sld [smem:$0x3FD0];
	_ =	sdelay $0x2  }
0x91: {  	s4 =	simm.s32 $0xA;
	s5 =	simm.s32 $0x10;
	s15 =	sld [smem:$0x3FC1]  }
0x92: {  	[smem:s5], [sflag:s4] =	dma.local [hbm:s2], $0x1  }
0x93: {  	_ =	swait.eq [sflag:s4], $0x1  }
0x94: {  	[sflag:s4] =	ssyncset.done $0x0  }
0x95: {  	s16 =	sld [smem:$0x10];
	[sflag:s4] =	ssyncadd.s32 $0xFFFFFFFF  }
0x96: {  	s17 =	sld [smem:$0x11];
	(tm) =	ssettm $0x1  }
0x97: {  	s18 =	sld [smem:$0x3FFB];
	_ =	sdelay $0x3  }
0x98: {  	_ =	strace s18  }
0x99: {  	s5 =	sld [smem:$0x3FFC];
	_ =	sdelay $0x3  }
0x9a: {  	_ =	strace s5  }
0x9b: {  	s5 =	sld [smem:$0x3FFD];
	_ =	sdelay $0x3  }
0x9c: {  	_ =	strace s5  }
0x9d: {  	_ =	strace $0x8FFFFFFF  }
0x9e: {  	s19 =	sld [smem:$0x3FDB];
	_ =	sdelay $0x1  }
0x9f: {  	s6 =	simm.s32 $_scs_section_size  }
0xa0: {  	s7 =	simm.s32 $_size__tile_overlayer_lowered;
	s8 =	simm.s32 $_tile_overlayer_lowered  }
0xa1: {  	s22 =	simm.s32 $0x1BFF;
	s21 =	sshll.u32 s8, $0x1;
	s5 =	sadd.s32 s6, s19  }
0xa2: {  	s9 =	simm.s32 $0x0;
	s20 =	sshll.u32 s7, $0x1;
	s7 =	sadd.s32 s21, s5  }
0xa3: {  	[timem:s9], [sflag:s22] =	dma.local [hbm:s7], s20  }
0xa4: {  	_ =	swait.ge [sflag:s22], s20  }
0xa5: {  	s6 =	ssub.s32 $0x0, s20;
	[sflag:s22] =	ssyncset.done $0x0  }
0xa6: {  	[sflag:s22] =	ssyncadd.s32 s6;
	_ =	sdelay $0x1  }
0xa7: {  	s23 =	simm.s32 $0x1B8B  }
0xa8: {  	_ =	swait.ge [sflag:s23], $0x1  }
0xa9: {  	[sflag:s23] =	ssyncset.done $0x0  }
0xaa: {  	s25 =	simm.s32 $0x1B8E;
	s24 =	sld [smem:$0x3FFE];
	[sflag:s23] =	ssyncadd.s32 $0xFFFFFFFF  }
0xab: {  	s26 =	simm.s32 $execute0_lowered;
	[smem:$0x3FD2] =	sst s25  }
0xac: {  	s7 =	sshll.u32 s26, $0x1;
	_ =	strace $0x80000049;
	[dreg:$0x1] =	wrdreg $0xFFFFFFFF  }
0xad: {  	s28 =	simm.s32 $_size_execute0_lowered;
	s5 =	sadd.s32 s5, s7;
	[dreg:$0x0] =	wrdreg $0x0  }
0xae: {  	s7 =	sshll.u32 s28, $0x1;
	[dreg:$0x2] =	wrdreg s5  }
0xaf: {  	[dreg:$0x3] =	wrdreg s7  }
0xb0: {  	[dreg:$0x4] =	wrdreg $0xC0  }
0xb1: {  	_ =	task [dreg:s9], $0x5FFFF  }
0xb2: {  	[dreg:$0x1] =	wrdreg $0xFFFFFFFF  }
0xb3: {  	[dreg:$0x0] =	wrdreg $0x60  }
0xb4: {  	[dreg:$0x2] =	wrdreg s24  }
0xb5: {  	[dreg:$0x3] =	wrdreg s15  }
0xb6: {  	[dreg:$0x4] =	wrdreg s17  }
0xb7: {  	[dreg:$0x5] =	wrdreg s16  }
0xb8: {  	[dreg:$0x6] =	wrdreg $0x82000  }
0xb9: {  	[dreg:$0x7] =	wrdreg $0x8C000  }
0xba: {  	[dreg:$0x8] =	wrdreg $0x9  }
0xbb: {  	_ =	task.clear_ibuf [dreg:s9], $0x9FFFF;
	_ =	strace $0x90000049  }
0xbc: {  	s29 =	simm.s32 $0x9;
	_ =	strace $0x8000004B  }
0xbd: {  	_ =	swait.ge [sflag:s29], $0x1  }
0xbe: {  	[sflag:s29] =	ssyncadd.s32 $0xFFFFFFFF  }
0xbf: {  	_ =	strace $0x9000004B  }
0xc0: {  	_ =	sfence  }
0xc1: {  	s30 =	sld [smem:$0x0];
	_ =	sdelay $0x2  }
0xc2: {  	s31 =	sshll.u32 s1, $0xD;
	s1 =	sshrl.u32 s1, $0x2  }
0xc3: {  	s3 =	sand.u32 $0x4000, s31;
	s1 =	sadd.s32 s1, s30  }
0xc4: {  	s0 =	sor.u32 s3, s0;
	s1 =	sshll.u32 s1, $0x11  }
0xc5: {  	s0 =	sor.u32 s1, s0  }
0xc6: {  	s0 =	sadd.s32 $0x8F2B, s0  }
0xc7: {  	[sflag:s0] =	ssyncadd.remote.s32 $0x1  }
0xc8: {  	_ =	sfence.sel $0xFFFF  }
0xc9: {  	[dreg:$0x0] =	wrdreg $0xFFFFFFFF;
	(pc) =	sbr.abs _section_cstart, $3  }
0xca: {  	[dreg:$0x1] =	wrdreg $0xFFFFFFFF  }
0xcb: {  	_ =	task.clear_ibuf [dreg:s9], $0x2FFFF;
	_ =	strace $0x9FFFFFFF  }
0xcc: {  	(tm) =	ssettm $0x7FFFFFFF  }
0xcd: {  	_ =	shalt  }
tec
execute0_lowered:
.L_overlay_start_1:
0x0: {  	(tag) =	ssettag $0x1  }
0x1: {  	s0 =	rddreg [dreg:$0x0]  }
0x2: {  	s2 =	rddreg [dreg:$0x2]  }
0x3: {  	s3 =	rddreg [dreg:$0x3]  }
0x4: {  	s5 =	rddreg [dreg:$0x4]  }
0x5: {  	s6 =	rddreg [dreg:$0x5]  }
0x6: {  	s4 =	srdreg.scid;
	s1 =	stileid.u32;
	s7 =	simm.s32 $0x0  }
0x7: {  	s17 =	simm.s32 $0x2;
	s19 =	simm.s32 $0x6100;
	s20 =	simm.s32 $0x6200  }
0x8: {  	s21 =	simm.s32 $0x80;
	s22 =	simm.s32 $0x100;
	s23 =	simm.s32 $0x1  }
0x9: {  	s24 =	simm.s32 $0x6180;
	s25 =	simm.s32 $0x40;
	s26 =	simm.s32 $0x4100  }
0xa: {  	s28 =	simm.s32 $0x0;
	s4 =	sand.u32 $0x1, s4;
	s12 =	smul.u32 $0x14000, s1  }
0xb: {  	v0 =	vlaneseq.u32;
	[smem:$0x7FF] =	sst s7;
	s8 =	sadd.s32 $0x20E00, s0;
	s9 =	sadd.s32 $0xCA00, s0  }
0xc: {  	v0 =	vmul.u32 $0x80, v0;
	s31 =	sshll.u32 s1, $0x6;
	s10 =	smul.u32 $0x140000, s4;
	s13 =	ssub.s32 $0x2, s4  }
0xd: {  	v2 =	vimm.f32 $0.0e+00;
	vm0 =	vcmask $0x3F3C;
	_ =	strace $0x8000004A;
	s4 =	sshll.u32 s4, $0x4;
	s14 =	sshrl.u32 s13, $0x1  }
0xe: {  	s16 =	sadd.s32 s12, s5;
	s4 =	sor.u32 s1, s4;
	s18 =	sadd.s32 s12, s6;
	v1 =	vor.u32 $0x1, v0;
	v3 =	vor.u32 $0x2, v0;
	v4 =	vor.u32 $0x3, v0  }
0xf: {  	v5 =	vor.u32 $0x801, v0;
	v6 =	vor.u32 $0x802, v0;
	v7 =	vor.u32 $0x803, v0;
	s11 =	sadd.s32 s12, s10;
	s10 =	sadd.s32 $0x2600, s0;
	s15 =	ssub.s32 s13, s14  }
0x10: {  	v8 =	vor.u32 $0x1001, v0;
	v9 =	vor.u32 $0x1002, v0;
	v10 =	vor.u32 $0x1003, v0;
	s12 =	smul.u32 $0x2880, s4;
	s16 =	sshrl.u32 s16, $0x3;
	s11 =	sshrl.u32 s11, $0x3  }
0x11: {  	v11 =	vor.u32 $0x1801, v0;
	v12 =	vor.u32 $0x1802, v0;
	v13 =	vor.u32 $0x1803, v0;
	s18 =	sshrl.u32 s18, $0x3;
	s15 =	smax.u32 s15, $0x1;
	s0 =	sadd.s32 s11, s0  }
0x12: {  	v14 =	vor.u32 $0x800, v0;
	v15 =	vor.u32 $0x1000, v0;
	v16 =	vor.u32 $0x1800, v0;
	s11 =	sor.u32 $0x1C02, s31;
	s13 =	sadd.s32 $0xC0E00, s0;
	s14 =	sadd.s32 $0x70E00, s0  }
.LBB2_1:
0x13: {  	[spmem:s16], [sflag:s11] =	dma.local [hbm:s2], $0x2800  }
0x14: {  	_ =	swait.ge [sflag:s17], $0x2800  }
0x15: {  	[sflag:s17] =	ssyncset.done $0x0  }
0x16: {  	[sflag:s17] =	ssyncadd.s32 $0xFFFFD800  }
0x17: {  	[spmem:s18], [sflag:s11] =	dma.local [hbm:s3], $0x2800  }
0x18: {  	_ =	swait.ge [sflag:s17], $0x2800  }
0x19: {  	[sflag:s17] =	ssyncset.done $0x0  }
0x1a: {  	[sflag:s17] =	ssyncadd.s32 $0xFFFFD800  }
0x1b: {  	s0 =	rddreg [dreg:$0x1]  }
0x1c: {  	[tilespmem:s19], [sflag:$0x2] =	stream.linear.gather [hbm4b:s0+s7], $0x80, $0x38;
	[tilespmem:$0xB400] =	vst v63  }
0x1d: {  	_ =	swait.ge [sflag:s17], $0x80  }
0x1e: {  	[sflag:s17] =	ssyncset.done $0x0  }
0x1f: {  	[sflag:s17] =	ssyncadd.s32 $0xFFFFFF80  }
0x20: {  	[tilespmem:v1+s20+$0x0] =	vst.idx.msk $0xffff, v2  }
0x21: {  	[tilespmem:v3+s20+$0x0] =	vst.idx.msk $0xffff, v2  }
0x22: {  	[tilespmem:v4+s20+$0x0] =	vst.idx.msk $0xffff, v2  }
0x23: {  	[tilespmem:v5+s20+$0x0] =	vst.idx.msk $0xffff, v2  }
0x24: {  	[tilespmem:v6+s20+$0x0] =	vst.idx.msk $0xffff, v2  }
0x25: {  	[tilespmem:v7+s20+$0x0] =	vst.idx.msk $0xffff, v2  }
0x26: {  	[tilespmem:v8+s20+$0x0] =	vst.idx.msk $0xffff, v2  }
0x27: {  	[tilespmem:v9+s20+$0x0] =	vst.idx.msk $0xffff, v2  }
0x28: {  	[tilespmem:v10+s20+$0x0] =	vst.idx.msk $0xffff, v2  }
0x29: {  	[tilespmem:v11+s20+$0x0] =	vst.idx.msk $0xffff, v2  }
0x2a: {  	[tilespmem:v12+s20+$0x0] =	vst.idx.msk $0xffff, v2  }
0x2b: {  	[tilespmem:v13+s20+$0x0] =	vst.idx.msk $0xffff, v2  }
0x2c: {  	s29 =	simm.s32 $0x0;
	[bflag:$0x0] =	sbarrier.arrive $0xFFFF  }
.LBB2_2:
0x2d: {  	s0 =	sshll.u32 s29, $0x6  }
0x2e: {  	s0 =	sadd.s32 s12, s0  }
0x2f: {  	s4 =	sshrl.u32 s0, $0x2  }
0x30: {  	s31 =	simm.s32 $0x0;
	s4 =	sadd.s32 s9, s4  }
0x31: {  	[tilespmem:s31], [sflag:$0x2] =	stream.linear.gather [hbm4b:s4+s31], $0x80, $0x38;
	[tilespmem:$0xB400] =	vst v63  }
0x32: {  	_ =	swait.ge [sflag:s17], $0x80  }
0x33: {  	s0 =	sshrl.u32 s0, $0x3;
	[sflag:s17] =	ssyncset.done $0x0  }
0x34: {  	s0 =	sadd.s32 s10, s0;
	[sflag:s17] =	ssyncadd.s32 $0xFFFFFF80  }
0x35: {  	[tilespmem:s21], [sflag:$0x2] =	stream.linear.gather [hbm4b:s0+s31], $0x40, $0x38;
	[tilespmem:$0xB400] =	vst v63  }
0x36: {  	_ =	swait.ge [sflag:s17], $0x40  }
0x37: {  	[sflag:s17] =	ssyncset.done $0x0  }
0x38: {  	[sflag:s17] =	ssyncadd.s32 $0xFFFFFFC0  }
0x39: {  	[tilespmem:s22], [sflag:$0x1] =	stream.indirect.gather [hbm4b:s8+s21], $0x80, s31, s21, $0xb8;
	[tilespmem:$0xB400] =	vst v63  }
0x3a: {  	_ =	swait.ge [sflag:s23], $0x4000  }
0x3b: {  	[sflag:s23] =	ssyncset.done $0x0  }
0x3c: {  	s30 =	simm.s32 $0x2100;
	[sflag:s23] =	ssyncadd.s32 $0xFFFFC000  }
0x3d: {  	v18 =	vld [tilespmem:s30+$0xFFFFE000]  }
0x3e: {  	v19 =	vld [tilespmem:s30+$0x0];
	_ =	sdelay $0x4  }
0x3f: {  	v17 =	vld [tilespmem:$0x6100];
	v18 =	vadd.f32 v19, v18;
	_ =	sdelay $0x1  }
0x40: {  	v19 =	vmul.f32 $2.000000030e-01, v18;
	_ =	sdelay $0x1  }
0x41: {  	v18 =	vmax.f32 v18, v19  }
0x42: {  	v18 =	vmul.f32 v18, v17;
	_ =	sdelay $0x1  }
0x43: {  	(xrf2) =	vadd.scan.msk.f32 $0xffff, v18;
	_ =	sdelay $0x2  }
0x44: {  	v18 =	vmov s31  }
0x45: {  	v18 =	vand.u32 $0xFFFFFFFC, v18  }
0x46: {  	v18 =	vbroadcast v18, $0x0;
	_ =	sdelay $0x4  }
0x47: {  	v19, _, _ =	vpop (xrf2)  }
0x48: {  	[tilespmem:v18+s24+$0x0] =	vst.idx.msk vm0, v19  }
0x49: {  	v18 =	vld [tilespmem:s30+$0xFFFFE080]  }
0x4a: {  	v19 =	vld [tilespmem:s30+$0x80];
	_ =	sdelay $0x4  }
0x4b: {  	v18 =	vadd.f32 v19, v18;
	_ =	sdelay $0x1  }
0x4c: {  	v19 =	vmul.f32 $2.000000030e-01, v18;
	_ =	sdelay $0x1  }
0x4d: {  	v18 =	vmax.f32 v18, v19  }
0x4e: {  	v18 =	vmul.f32 v18, v17;
	_ =	sdelay $0x1  }
0x4f: {  	(xrf2) =	vadd.scan.msk.f32 $0xffff, v18;
	_ =	sdelay $0x1  }
0x50: {  	s4 =	simm.s32 $0x1  }
0x51: {  	v18 =	vmov s4  }
0x52: {  	v18 =	vand.u32 $0xFFFFFFFD, v18  }
0x53: {  	v18 =	vbroadcast v18, $0x0;
	_ =	sdelay $0x4  }
0x54: {  	v19, _, _ =	vpop (xrf2)  }
0x55: {  	[tilespmem:v18+s24+$0x0] =	vst.idx.msk vm0, v19  }
0x56: {  	v18 =	vld [tilespmem:s30+$0xFFFFE100]  }
0x57: {  	v19 =	vld [tilespmem:s30+$0x100];
	_ =	sdelay $0x4  }
0x58: {  	v18 =	vadd.f32 v19, v18;
	_ =	sdelay $0x1  }
0x59: {  	v19 =	vmul.f32 $2.000000030e-01, v18;
	_ =	sdelay $0x1  }
0x5a: {  	v18 =	vmax.f32 v18, v19  }
0x5b: {  	v18 =	vmul.f32 v18, v17;
	_ =	sdelay $0x1  }
0x5c: {  	(xrf2) =	vadd.scan.msk.f32 $0xffff, v18;
	_ =	sdelay $0x1  }
0x5d: {  	s1 =	simm.s32 $0x2  }
0x5e: {  	v18 =	vmov s1  }
0x5f: {  	v18 =	vand.u32 $0xFFFFFFFE, v18  }
0x60: {  	v18 =	vbroadcast v18, $0x0;
	_ =	sdelay $0x4  }
0x61: {  	v19, _, _ =	vpop (xrf2)  }
0x62: {  	[tilespmem:v18+s24+$0x0] =	vst.idx.msk vm0, v19  }
0x63: {  	v18 =	vld [tilespmem:s30+$0xFFFFE180]  }
0x64: {  	v19 =	vld [tilespmem:s30+$0x180];
	_ =	sdelay $0x4  }
0x65: {  	v18 =	vadd.f32 v19, v18;
	_ =	sdelay $0x1  }
0x66: {  	v19 =	vmul.f32 $2.000000030e-01, v18;
	_ =	sdelay $0x1  }
0x67: {  	v18 =	vmax.f32 v18, v19  }
0x68: {  	v18 =	vmul.f32 v18, v17;
	_ =	sdelay $0x1  }
0x69: {  	(xrf2) =	vadd.scan.msk.f32 $0xffff, v18;
	_ =	sdelay $0x1  }
0x6a: {  	s4 =	simm.s32 $0x3  }
0x6b: {  	s31 =	simm.s32 $0x4;
	v18 =	vmov s4  }
.LBB2_3:
0x6c: {  	_ =	sdelay $0x2  }
0x6d: {  	p0 =	slt.u32 s31, $0x3C  }
0x6e: {  	s30 =	sadd.s32 $0x200, s30;
	s0 =	smov.u32 s31;
	s31 =	sadd.s32 $0x4, s31  }
0x6f: {  	_ = 	snop  }
0x70: {  	v19, _, _ =	vpop (xrf2)  }
0x71: {  	[tilespmem:v18+s24+$0x0] =	vst.idx.msk vm0, v19  }
0x72: {  	v18 =	vld [tilespmem:s30+$0xFFFFE000]  }
0x73: {  	v19 =	vld [tilespmem:s30+$0x0];
	_ =	sdelay $0x4  }
0x74: {  	v18 =	vadd.f32 v19, v18;
	_ =	sdelay $0x1  }
0x75: {  	v19 =	vmul.f32 $2.000000030e-01, v18;
	_ =	sdelay $0x1  }
0x76: {  	v18 =	vmax.f32 v18, v19  }
0x77: {  	v18 =	vmul.f32 v18, v17;
	_ =	sdelay $0x1  }
0x78: {  	(xrf2) =	vadd.scan.msk.f32 $0xffff, v18;
	_ =	sdelay $0x2  }
0x79: {  	v18 =	vmov s0  }
0x7a: {  	v18 =	vand.u32 $0xFFFFFFFC, v18  }
0x7b: {  	v18 =	vbroadcast v18, $0x0;
	_ =	sdelay $0x4  }
0x7c: {  	v19, _, _ =	vpop (xrf2)  }
0x7d: {  	[tilespmem:v18+s24+$0x0] =	vst.idx.msk vm0, v19  }
0x7e: {  	v18 =	vld [tilespmem:s30+$0xFFFFE080]  }
0x7f: {  	v19 =	vld [tilespmem:s30+$0x80];
	_ =	sdelay $0x4  }
0x80: {  	v18 =	vadd.f32 v19, v18;
	_ =	sdelay $0x1  }
0x81: {  	v19 =	vmul.f32 $2.000000030e-01, v18;
	_ =	sdelay $0x1  }
0x82: {  	v18 =	vmax.f32 v18, v19  }
0x83: {  	v18 =	vmul.f32 v18, v17;
	_ =	sdelay $0x1  }
0x84: {  	(xrf2) =	vadd.scan.msk.f32 $0xffff, v18  }
0x85: {  	s4 =	sadd.s32 $0x1, s0  }
0x86: {  	v18 =	vmov s4  }
0x87: {  	v18 =	vand.u32 $0xFFFFFFFD, v18  }
0x88: {  	v18 =	vbroadcast v18, $0x0;
	_ =	sdelay $0x5  }
0x89: {  	v19, _, _ =	vpop (xrf2)  }
0x8a: {  	[tilespmem:v18+s24+$0x0] =	vst.idx.msk vm0, v19  }
0x8b: {  	v18 =	vld [tilespmem:s30+$0xFFFFE100]  }
0x8c: {  	v19 =	vld [tilespmem:s30+$0x100];
	_ =	sdelay $0x4  }
0x8d: {  	v18 =	vadd.f32 v19, v18;
	_ =	sdelay $0x1  }
0x8e: {  	v19 =	vmul.f32 $2.000000030e-01, v18;
	_ =	sdelay $0x1  }
0x8f: {  	v18 =	vmax.f32 v18, v19  }
0x90: {  	v18 =	vmul.f32 v18, v17;
	_ =	sdelay $0x1  }
0x91: {  	s4 =	sadd.s32 $0x2, s0;
	(xrf2) =	vadd.scan.msk.f32 $0xffff, v18  }
0x92: {  	v18 =	vmov s4  }
0x93: {  	v18 =	vand.u32 $0xFFFFFFFE, v18  }
0x94: {  	v18 =	vbroadcast v18, $0x0;
	_ =	sdelay $0x6  }
0x95: {  	v19, _, _ =	vpop (xrf2)  }
0x96: {  	[tilespmem:v18+s24+$0x0] =	vst.idx.msk vm0, v19  }
0x97: {  	v18 =	vld [tilespmem:s30+$0xFFFFE180]  }
0x98: {  	v19 =	vld [tilespmem:s30+$0x180];
	_ =	sdelay $0x4  }
0x99: {  	v18 =	vadd.f32 v19, v18;
	_ =	sdelay $0x1  }
0x9a: {  	v19 =	vmul.f32 $2.000000030e-01, v18;
	_ =	sdelay $0x1  }
0x9b: {  	v18 =	vmax.f32 v18, v19  }
0x9c: {  	v18 =	vmul.f32 v18, v17  }
.Ltmp0:
0x9d: {  	(pc) =	sbr.rel @p0 .LBB2_3-.Ltmp0, $3  }
0x9e: {  	(xrf2) =	vadd.scan.msk.f32 $0xffff, v18;
	_ =	sdelay $0x1  }
0x9f: {  	s0 =	sadd.s32 $0x3, s0  }
0xa0: {  	v18 =	vmov s0  }
0xa1: {  	_ =	sdelay $0x5  }
0xa2: {  	v17, _, _ =	vpop (xrf2)  }
0xa3: {  	[tilespmem:v18+s24+$0x0] =	vst.idx.msk vm0, v17  }
0xa4: {  	v17 =	vld [tilespmem:$0x6180];
	_ =	sdelay $0x4  }
0xa5: {  	v17 =	vmul.f32 $1.442695020e+00, v17;
	_ =	sdelay $0x1  }
0xa6: {  	(erf) = vpow2.f32 v17;
	_ =	sdelay $0x8  }
0xa7: {  	v17 =	vpop (erf)  }
0xa8: {  	[tilespmem:v0+s20+$0x0] =	vst.idx.msk $0xffff, v17  }
0xa9: {  	v17 =	vld [tilespmem:$0x6190];
	_ =	sdelay $0x4  }
0xaa: {  	v17 =	vmul.f32 $1.442695020e+00, v17;
	_ =	sdelay $0x1  }
0xab: {  	(erf) = vpow2.f32 v17;
	_ =	sdelay $0x8  }
0xac: {  	v17 =	vpop (erf)  }
0xad: {  	[tilespmem:v14+s20+$0x0] =	vst.idx.msk $0xffff, v17  }
0xae: {  	v17 =	vld [tilespmem:$0x61A0];
	_ =	sdelay $0x4  }
0xaf: {  	v17 =	vmul.f32 $1.442695020e+00, v17;
	_ =	sdelay $0x1  }
0xb0: {  	(erf) = vpow2.f32 v17;
	_ =	sdelay $0x8  }
0xb1: {  	v17 =	vpop (erf)  }
0xb2: {  	[tilespmem:v15+s20+$0x0] =	vst.idx.msk $0xffff, v17  }
0xb3: {  	v17 =	vld [tilespmem:$0x61B0];
	_ =	sdelay $0x4  }
0xb4: {  	v17 =	vmul.f32 $1.442695020e+00, v17;
	_ =	sdelay $0x1  }
0xb5: {  	(erf) = vpow2.f32 v17;
	_ =	sdelay $0x4  }
0xb6: {  	s0 =	simm.s32 $0x0  }
0xb7: {  	v17 =	vmov s0;
	_ =	sdelay $0x2  }
0xb8: {  	v18 =	vpop (erf)  }
0xb9: {  	[tilespmem:v16+s20+$0x0] =	vst.idx.msk $0xffff, v18  }
0xba: {  	s0 =	simm.s32 $0x200;
	v17 =	vld.idx.msk [tilespmem:v17+s20+$0x0], $0xffff  }
0xbb: {  	v18 =	vld [tilespmem:s0+$0xFFFFFF00];
	_ =	sdelay $0x1  }
0xbc: {  	s4 =	simm.s32 $0x80  }
0xbd: {  	v19 =	vmov s4;
	_ =	sdelay $0x1  }
0xbe: {  	v17 =	vmul.f32 v18, v17  }
0xbf: {  	s30 =	simm.s32 $0x4200  }
0xc0: {  	[tilespmem:s30+$0xFFFFFF00] =	vst v17  }
0xc1: {  	v17 =	vld.idx.msk [tilespmem:v19+s20+$0x0], $0xffff  }
0xc2: {  	v18 =	vld [tilespmem:s0+$0xFFFFFF80];
	_ =	sdelay $0x1  }
0xc3: {  	s1 =	simm.s32 $0x100  }
0xc4: {  	v19 =	vmov s1;
	_ =	sdelay $0x1  }
0xc5: {  	v17 =	vmul.f32 v18, v17;
	_ =	sdelay $0x1  }
0xc6: {  	[tilespmem:s30+$0xFFFFFF80] =	vst v17  }
0xc7: {  	v17 =	vld.idx.msk [tilespmem:v19+s20+$0x0], $0xffff  }
0xc8: {  	v18 =	vld [tilespmem:s0+$0x0];
	_ =	sdelay $0x1  }
0xc9: {  	s1 =	simm.s32 $0x180  }
0xca: {  	v19 =	vmov s1;
	_ =	sdelay $0x1  }
0xcb: {  	v17 =	vmul.f32 v18, v17;
	_ =	sdelay $0x1  }
0xcc: {  	[tilespmem:s30+$0x0] =	vst v17  }
0xcd: {  	v17 =	vld.idx.msk [tilespmem:v19+s20+$0x0], $0xffff  }
0xce: {  	v18 =	vld [tilespmem:s0+$0x80];
	_ =	sdelay $0x1  }
0xcf: {  	s31 =	simm.s32 $0x200;
	s4 =	simm.s32 $0x8  }
.LBB2_5:
0xd0: {  	p0 =	slt.u32 s4, $0x3C;
	v19 =	vmov s31;
	_ =	sdelay $0x1  }
0xd1: {  	v17 =	vmul.f32 v18, v17;
	_ =	sdelay $0x1  }
0xd2: {  	[tilespmem:s30+$0x80] =	vst v17  }
0xd3: {  	s0 =	sadd.s32 $0x200, s0;
	v17 =	vld.idx.msk [tilespmem:v19+s20+$0x0], $0xffff  }
0xd4: {  	v18 =	vld [tilespmem:s0+$0xFFFFFF00];
	_ =	sdelay $0x1  }
0xd5: {  	s1 =	sadd.s32 $0x80, s31  }
0xd6: {  	v19 =	vmov s1;
	_ =	sdelay $0x1  }
0xd7: {  	v17 =	vmul.f32 v18, v17  }
0xd8: {  	s30 =	sadd.s32 $0x200, s30  }
0xd9: {  	[tilespmem:s30+$0xFFFFFF00] =	vst v17  }
0xda: {  	v17 =	vld.idx.msk [tilespmem:v19+s20+$0x0], $0xffff  }
0xdb: {  	v18 =	vld [tilespmem:s0+$0xFFFFFF80];
	_ =	sdelay $0x1  }
0xdc: {  	s1 =	sadd.s32 $0x100, s31  }
0xdd: {  	v19 =	vmov s1;
	_ =	sdelay $0x1  }
0xde: {  	v17 =	vmul.f32 v18, v17;
	_ =	sdelay $0x1  }
0xdf: {  	[tilespmem:s30+$0xFFFFFF80] =	vst v17  }
0xe0: {  	v17 =	vld.idx.msk [tilespmem:v19+s20+$0x0], $0xffff  }
0xe1: {  	v18 =	vld [tilespmem:s0+$0x0];
	_ =	sdelay $0x1  }
0xe2: {  	s1 =	sadd.s32 $0x180, s31  }
0xe3: {  	v19 =	vmov s1;
	_ =	sdelay $0x1  }
0xe4: {  	v17 =	vmul.f32 v18, v17;
	_ =	sdelay $0x1  }
.Ltmp1:
0xe5: {  	[tilespmem:s30+$0x0] =	vst v17;
	(pc) =	sbr.rel @p0 .LBB2_5-.Ltmp1, $3  }
0xe6: {  	v17 =	vld.idx.msk [tilespmem:v19+s20+$0x0], $0xffff  }
0xe7: {  	v18 =	vld [tilespmem:s0+$0x80];
	_ =	sdelay $0x1  }
0xe8: {  	s31 =	sshll.u32 s4, $0x7;
	s4 =	sadd.s32 $0x4, s4  }
0xe9: {  	v19 =	vmov s31;
	_ =	sdelay $0x1  }
0xea: {  	v17 =	vmul.f32 v18, v17;
	_ =	sdelay $0x1  }
0xeb: {  	[tilespmem:s30+$0x80] =	vst v17  }
0xec: {  	s0 =	sadd.s32 $0x200, s0;
	v17 =	vld.idx.msk [tilespmem:v19+s20+$0x0], $0xffff  }
0xed: {  	v18 =	vld [tilespmem:s0+$0xFFFFFF00];
	_ =	sdelay $0x1  }
0xee: {  	s1 =	sadd.s32 $0x80, s31  }
0xef: {  	v19 =	vmov s1;
	_ =	sdelay $0x1  }
0xf0: {  	v17 =	vmul.f32 v18, v17  }
0xf1: {  	s30 =	sadd.s32 $0x200, s30  }
0xf2: {  	[tilespmem:s30+$0xFFFFFF00] =	vst v17  }
0xf3: {  	v17 =	vld.idx.msk [tilespmem:v19+s20+$0x0], $0xffff  }
0xf4: {  	v18 =	vld [tilespmem:s0+$0xFFFFFF80];
	_ =	sdelay $0x1  }
0xf5: {  	s4 =	sadd.s32 $0x100, s31  }
0xf6: {  	v19 =	vmov s4;
	_ =	sdelay $0x1  }
0xf7: {  	v17 =	vmul.f32 v18, v17;
	_ =	sdelay $0x1  }
0xf8: {  	[tilespmem:s30+$0xFFFFFF80] =	vst v17  }
0xf9: {  	v17 =	vld.idx.msk [tilespmem:v19+s20+$0x0], $0xffff  }
0xfa: {  	v18 =	vld [tilespmem:s0+$0x0];
	_ =	sdelay $0x1  }
0xfb: {  	s31 =	sadd.s32 $0x180, s31  }
0xfc: {  	v19 =	vmov s31;
	_ =	sdelay $0x1  }
0xfd: {  	v17 =	vmul.f32 v18, v17;
	_ =	sdelay $0x1  }
0xfe: {  	[tilespmem:s30+$0x0] =	vst v17  }
0xff: {  	v17 =	vld.idx.msk [tilespmem:v19+s20+$0x0], $0xffff  }
0x100: {  	v18 =	vld [tilespmem:s0+$0x80];
	_ =	sdelay $0x4  }
0x101: {  	v17 =	vmul.f32 v18, v17;
	_ =	sdelay $0x1  }
0x102: {  	[tilespmem:s30+$0x80] =	vst v17  }
0x103: {  	[spmem:s5] =	stream.indirect.scatter.add.f32 [tilespmem:s20], [sflag:$0x1], $0x4, s21, s25, $0xb8;
	[tilespmem:$0xB400] =	vst v63  }
0x104: {  	s29 =	sadd.s32 $0x1, s29  }
0x105: {  	[spmem:s6] =	stream.indirect.scatter.add.f32 [tilespmem:s26], [sflag:$0x1], $0x10, s21, s25, $0xb8;
	[tilespmem:$0xB400] =	vst v63  }
0x106: {  	p0 =	sne.s32 s29, $0xA2;
	_ =	swait.ge [sflag:s23], $0x100  }
.Ltmp2:
0x107: {  	[sflag:s23] =	ssyncset.done $0x0;
	(pc) =	sbr.rel @p0 .LBB2_2-.Ltmp2, $4  }
0x108: {  	[sflag:s23] =	ssyncadd.s32 $0xFFFFFF00  }
0x109: {  	_ =	swait.ge [sflag:s23], $0x400  }
0x10a: {  	[sflag:s23] =	ssyncset.done $0x0  }
0x10b: {  	[sflag:s23] =	ssyncadd.s32 $0xFFFFFC00  }
0x10c: {  	[bflag:$0x0] =	sbarrier.arrive $0xFFFF  }
0x10d: {  	[hbm:s13], [sflag:s11] =	dma.local [spmem:s16], $0x2800  }
0x10e: {  	s28 =	sadd.s32 $0x1, s28;
	_ =	swait.ge [sflag:s17], $0x2800  }
0x10f: {  	p0 =	sne.s32 s28, s15;
	[sflag:s17] =	ssyncset.done $0x0  }
.Ltmp3:
0x110: {  	[sflag:s17] =	ssyncadd.s32 $0xFFFFD800;
	(pc) =	sbr.rel @p0 .LBB2_1-.Ltmp3, $4  }
0x111: {  	[hbm:s14], [sflag:s11] =	dma.local [spmem:s18], $0x2800  }
0x112: {  	_ =	swait.ge [sflag:s17], $0x2800  }
0x113: {  	[sflag:s17] =	ssyncset.done $0x0  }
0x114: {  	[sflag:s17] =	ssyncadd.s32 $0xFFFFD800  }
0x115: {  	_ =	sfence.sel $0x180000  }
0x116: {  	[bflag:$0x0] =	sbarrier.arrive $0xFFFF  }
0x117: {  	_ =	strace $0x9000004A  }
0x118: {  	s0 =	stileid.u32;
	[bflag:$0x2] =	sbarrier.arrive $0xFFFF  }
0x119: {  	p0 =	sne.s32 s0, $0x0;
	s0 =	rddreg [dreg:$0x6]  }
0x11a: {  	s0 =	sadd.s32 @!p0 $0x100000, s0  }
0x11b: {  	[sflag:s0] =	ssyncadd.tile.s32 @!p0 $0x1;
	_ =	shalt  }
.Lfunc_end2:
_tile_overlayer_lowered:
.L_overlay_start_2:
0x11c: {  	(tag) =	ssettag $0x2  }
0x11d: {  	s0 =	rddreg [dreg:$0x0];
	s2 =	stileid.u32  }
0x11e: {  	s1 =	rddreg [dreg:$0x1];
	p0 =	sne.s32 s2, $0x0  }
0x11f: {  	s3 =	rddreg [dreg:$0x2];
	[bflag:$0x3] =	sbarrier.arrive $0xFFFF;
	s2 =	simm.s32 @!p0 $0x1C02  }
0x120: {  	[timem:s3], [sflag:s2] =	dma.local @!p0 [hbm:s0], s1  }
0x121: {  	s0 =	simm.s32 @!p0 $0x2  }
0x122: {  	_ =	swait.ge @!p0 [sflag:s0], s1  }
0x123: {  	s1 =	ssub.s32 @!p0 $0x0, s1;
	[sflag:s0] =	ssyncset.done @!p0 $0x0  }
0x124: {  	[sflag:s0] =	ssyncadd.s32 @!p0 s1  }
0x125: {  	[bflag:$0x3] =	sbarrier.arrive $0xFFFF  }
0x126: {  	_ =	shalt  }

// kernel: kernel.7.cloned.1.call-start
scs
__scs_entry_jumppad:
0x0: {  	(pc) =	sbr.rel $0x88, $3  }
0x1: {  	(tag) =	ssettag $0x0;
	lr =	simm.s32 $0x1  }
0x2: {  	[smem:$0x3F97] =	sst lr;
	_ =	strace $0xD0000000  }
0x3: {  	_ = 	snop  }
0x4: {  	_ = 	snop  }
0x5: {  	_ = 	snop  }
0x6: {  	_ = 	snop  }
0x7: {  	_ = 	snop  }
__scs_overlays_trampoline_lowered:
0x8: {  	[smem:$0x3FA6] =	sst s0  }
0x9: {  	[smem:$0x3FA7] =	sst s1  }
0xa: {  	[smem:$0x3FA8] =	sst s2  }
0xb: {  	[smem:$0x3FA9] =	sst s3  }
0xc: {  	[smem:$0x3FAA] =	sst s4  }
0xd: {  	[smem:$0x3FAB] =	sst s5  }
0xe: {  	[smem:$0x3FAC] =	sst s6  }
0xf: {  	[smem:$0x3FAD] =	sst s7  }
0x10: {  	[smem:$0x3FAE] =	sst s8  }
0x11: {  	[smem:$0x3FAF] =	sst s9;
	s0 =	simm.s32 @!p0 $0x0  }
0x12: {  	s1 =	sld [smem:$0x3F95];
	s0 =	simm.s32 @p0 $0x1  }
0x13: {  	[smem:$0x3FB0] =	sst s0;
	s0 =	simm.s32 @!p1 $0x0  }
0x14: {  	s2 =	sld [smem:$0x3F94];
	s0 =	simm.s32 @p1 $0x1  }
0x15: {  	[smem:$0x3FB1] =	sst s0;
	s0 =	simm.s32 @!p2 $0x0  }
0x16: {  	s3 =	sld [smem:$0x3FDB];
	s0 =	simm.s32 @p2 $0x1  }
0x17: {  	s4 =	simm.s32 $0x1BF5;
	[smem:$0x3FB3] =	sst s0  }
0x18: {  	s0 =	sld [smem:$0x3F96];
	_ =	swait.ge [sflag:s4], $0x0  }
0x19: {  	s7 =	sld [smem:$0x3F97]  }
0x1a: {  	s8 =	sadd.s32 $0xFFFFE003, lr  }
0x1b: {  	s9 =	sadd.s32 $0xFFFFFEF7, lr;
	s5 =	simm.s32 $0xFFFFFFFF;
	p2 =	slt.u32 s8, $0xFFFFF086  }
0x1c: {  	p1 =	slt.u32 s9, $0xF7A;
	s5 =	simm.s32 @!p2 $0x0  }
0x1d: {  	s5 =	simm.s32 @p1 $0x1;
	p0 =	seq.s32 s7, s2  }
0x1e: {  	s7 =	smul.u32 @!p0 $0xF7A, s2;
	p2 =	seq.s32 @!p0 s5, $0x0  }
0x1f: {  	s9 =	smul.u32 $0xF7A, s1;
	s8 =	simm.s32 @!p0 $0x1BF5;
	p2 =	por !p2, p0  }
0x20: {  	[sflag:s8] =	ssyncset.s32 @!p0 $0xFFFFF086;
	s6 =	sadd.s32 @!p0 s3, s7;
	s7 =	simm.s32 @!p0 $0x108  }
0x21: {  	s3 =	sadd.s32 s3, s9;
	s6 =	sadd.s32 @!p0 $0x88, s6;
	s7 =	simm.s32 @p2 $0x1082  }
0x22: {  	[simem:s7], [sflag:s8] =	dma.local @!p0 [hbm:s6], $0xF7A  }
0x23: {  	s9 =	sor.u32 $0xD0000000, s2;
	s6 =	simm.s32 $0x108;
	_ =	swait.ge @!p0 [sflag:s8], $0x0  }
0x24: {  	s3 =	sadd.s32 $0x88, s3;
	s6 =	simm.s32 @!p1 $0x1082;
	[sflag:s4] =	ssyncset.s32 $0xFFFFF086  }
0x25: {  	[simem:s6], [sflag:s4] =	dma.local [hbm:s3], $0xF7A  }
0x26: {  	[smem:$0x3F97] =	sst s1;
	(tag) =	ssettag s2;
	_ =	strace s9  }
0x27: {  	s1 =	sld [smem:$0x3FA7]  }
0x28: {  	s2 =	sld [smem:$0x3FA8]  }
0x29: {  	s4 =	sld [smem:$0x3FAA]  }
0x2a: {  	p0 =	seq.s32 s5, $0x0;
	s5 =	sld [smem:$0x3FAB]  }
0x2b: {  	s6 =	sld [smem:$0x3FAC]  }
0x2c: {  	s7 =	sld [smem:$0x3FAD]  }
0x2d: {  	s3 =	simm.s32 $0x108;
	s8 =	sld [smem:$0x3FAE]  }
0x2e: {  	s3 =	simm.s32 @!p0 $0x1082;
	s9 =	sld [smem:$0x3FAF]  }
0x2f: {  	lr =	sadd.s32 s0, s3;
	s0 =	sld [smem:$0x3FA6]  }
0x30: {  	s3 =	sld [smem:$0x3FA9]  }
0x31: {  	[smem:$0x3FB2] =	sst s10  }
0x32: {  	s10 =	sld [smem:$0x3FB0];
	_ =	sdelay $0x3  }
0x33: {  	p0 =	seq.s32 s10, $0x1;
	s10 =	sld [smem:$0x3FB2];
	_ =	sdelay $0x3  }
0x34: {  	[smem:$0x3FB2] =	sst s10  }
0x35: {  	s10 =	sld [smem:$0x3FB1];
	_ =	sdelay $0x3  }
0x36: {  	p1 =	seq.s32 s10, $0x1;
	s10 =	sld [smem:$0x3FB2];
	_ =	sdelay $0x3  }
0x37: {  	[smem:$0x3FB2] =	sst s10  }
0x38: {  	s10 =	sld [smem:$0x3FB3]  }
0x39: {  	_ = 	snop;
	(pc) =	sbr.ind lr, $3  }
0x3a: {  	_ = 	snop  }
0x3b: {  	_ = 	snop  }
0x3c: {  	p2 =	seq.s32 s10, $0x1;
	s10 =	sld [smem:$0x3FB2]  }
0x3d: {  	_ =	shalt  }
0x3e: {  	_ =	shalt  }
0x3f: {  	_ =	shalt  }
0x40: {  	_ =	shalt  }
0x41: {  	_ =	shalt  }
0x42: {  	_ =	shalt  }
0x43: {  	_ =	shalt  }
0x44: {  	_ =	shalt  }
0x45: {  	_ =	shalt  }
0x46: {  	_ =	shalt  }
0x47: {  	_ =	shalt  }
0x48: {  	_ =	shalt  }
0x49: {  	_ =	shalt  }
0x4a: {  	_ =	shalt  }
0x4b: {  	_ =	shalt  }
0x4c: {  	_ =	shalt  }
0x4d: {  	_ =	shalt  }
0x4e: {  	_ =	shalt  }
0x4f: {  	_ =	shalt  }
0x50: {  	_ =	shalt  }
0x51: {  	_ =	shalt  }
0x52: {  	_ =	shalt  }
0x53: {  	_ =	shalt  }
0x54: {  	_ =	shalt  }
0x55: {  	_ =	shalt  }
0x56: {  	_ =	shalt  }
0x57: {  	_ =	shalt  }
0x58: {  	_ =	shalt  }
0x59: {  	_ =	shalt  }
0x5a: {  	_ =	shalt  }
0x5b: {  	_ =	shalt  }
0x5c: {  	_ =	shalt  }
0x5d: {  	_ =	shalt  }
0x5e: {  	_ =	shalt  }
0x5f: {  	_ =	shalt  }
0x60: {  	_ =	shalt  }
0x61: {  	_ =	shalt  }
0x62: {  	_ =	shalt  }
0x63: {  	_ =	shalt  }
0x64: {  	_ =	shalt  }
0x65: {  	_ =	shalt  }
0x66: {  	_ =	shalt  }
0x67: {  	_ =	shalt  }
0x68: {  	_ =	shalt  }
0x69: {  	_ =	shalt  }
0x6a: {  	_ =	shalt  }
0x6b: {  	_ =	shalt  }
0x6c: {  	_ =	shalt  }
0x6d: {  	_ =	shalt  }
0x6e: {  	_ =	shalt  }
0x6f: {  	_ =	shalt  }
0x70: {  	_ =	shalt  }
0x71: {  	_ =	shalt  }
0x72: {  	_ =	shalt  }
0x73: {  	_ =	shalt  }
0x74: {  	_ =	shalt  }
0x75: {  	_ =	shalt  }
0x76: {  	_ =	shalt  }
0x77: {  	_ =	shalt  }
0x78: {  	_ =	shalt  }
0x79: {  	_ =	shalt  }
0x7a: {  	_ =	shalt  }
0x7b: {  	_ =	shalt  }
0x7c: {  	_ =	shalt  }
0x7d: {  	_ =	shalt  }
0x7e: {  	_ =	shalt  }
0x7f: {  	_ =	shalt  }
0x80: {  	_ =	shalt  }
0x81: {  	_ =	shalt  }
0x82: {  	_ =	shalt  }
0x83: {  	_ =	shalt  }
0x84: {  	_ =	shalt  }
0x85: {  	_ =	shalt  }
0x86: {  	_ =	shalt  }
0x87: {  	_ =	shalt  }
.Lfunc_end0:
.L_simem_size_0:
called_computation_lowered:
.L_overlay_start_0:
0x88: {  	s2 =	sld [smem:$0x3FD9]  }
0x89: {  	s3 =	sld [smem:$0x3FFE];
	_ =	sdelay $0x1  }
0x8a: {  	s1 =	srdreg.scid  }
0x8b: {  	s0 =	sand.u32 $0x1, s1  }
0x8c: {  	s14 =	sshll.u32 s0, $0xA;
	s2 =	sadd.s32 s3, s2  }
0x8d: {  	s2 =	sadd.s32 s2, s14  }
0x8e: {  	[smem:$0x3FBE] =	sst s2  }
0x8f: {  	_ = 	snop  }
0x90: {  	s2 =	sld [smem:$0x3FD0];
	_ =	sdelay $0x2  }
0x91: {  	s15 =	simm.s32 $0xA;
	s4 =	simm.s32 $0x10  }
0x92: {  	[smem:s4], [sflag:s15] =	dma.local [hbm:s2], $0x1  }
0x93: {  	_ =	swait.eq [sflag:s15], $0x1  }
0x94: {  	[sflag:s15] =	ssyncset.done $0x0  }
0x95: {  	s16 =	sld [smem:$0x10];
	[sflag:s15] =	ssyncadd.s32 $0xFFFFFFFF  }
0x96: {  	s17 =	sld [smem:$0x11];
	(tm) =	ssettm $0x1  }
0x97: {  	s18 =	sld [smem:$0x3FFB];
	_ =	sdelay $0x3  }
0x98: {  	_ =	strace s18  }
0x99: {  	s4 =	sld [smem:$0x3FFC];
	_ =	sdelay $0x3  }
0x9a: {  	_ =	strace s4  }
0x9b: {  	s4 =	sld [smem:$0x3FFD];
	_ =	sdelay $0x3  }
0x9c: {  	_ =	strace s4  }
0x9d: {  	_ =	strace $0x8FFFFFFF  }
0x9e: {  	s19 =	sld [smem:$0x3FDB];
	_ =	sdelay $0x1  }
0x9f: {  	s5 =	simm.s32 $_scs_section_size  }
0xa0: {  	s6 =	simm.s32 $_size__tile_overlayer_lowered;
	s7 =	simm.s32 $_tile_overlayer_lowered  }
0xa1: {  	s22 =	simm.s32 $0x1BFF;
	s21 =	sshll.u32 s7, $0x1;
	s4 =	sadd.s32 s5, s19  }
0xa2: {  	s8 =	simm.s32 $0x0;
	s20 =	sshll.u32 s6, $0x1;
	s6 =	sadd.s32 s21, s4  }
0xa3: {  	[timem:s8], [sflag:s22] =	dma.local [hbm:s6], s20  }
0xa4: {  	_ =	swait.ge [sflag:s22], s20  }
0xa5: {  	s5 =	ssub.s32 $0x0, s20;
	[sflag:s22] =	ssyncset.done $0x0  }
0xa6: {  	[sflag:s22] =	ssyncadd.s32 s5;
	_ =	sdelay $0x1  }
0xa7: {  	s23 =	simm.s32 $0x1B8B  }
0xa8: {  	_ =	swait.ge [sflag:s23], $0x1  }
0xa9: {  	[sflag:s23] =	ssyncset.done $0x0  }
0xaa: {  	s25 =	simm.s32 $0x1B8E;
	s24 =	sld [smem:$0x3FFE];
	[sflag:s23] =	ssyncadd.s32 $0xFFFFFFFF  }
0xab: {  	s26 =	simm.s32 $execute0_lowered;
	[smem:$0x3FD2] =	sst s25  }
0xac: {  	s6 =	sshll.u32 s26, $0x1;
	_ =	strace $0x80000046;
	[dreg:$0x1] =	wrdreg $0xFFFFFFFF  }
0xad: {  	s28 =	simm.s32 $_size_execute0_lowered;
	s4 =	sadd.s32 s4, s6;
	[dreg:$0x0] =	wrdreg $0x0  }
0xae: {  	s6 =	sshll.u32 s28, $0x1;
	[dreg:$0x2] =	wrdreg s4  }
0xaf: {  	[dreg:$0x3] =	wrdreg s6  }
0xb0: {  	[dreg:$0x4] =	wrdreg $0xC0  }
0xb1: {  	_ =	task [dreg:s8], $0x5FFFF  }
0xb2: {  	[dreg:$0x1] =	wrdreg $0xFFFFFFFF  }
0xb3: {  	[dreg:$0x0] =	wrdreg $0x60  }
0xb4: {  	[dreg:$0x2] =	wrdreg s24  }
0xb5: {  	[dreg:$0x3] =	wrdreg s17  }
0xb6: {  	[dreg:$0x4] =	wrdreg s16  }
0xb7: {  	[dreg:$0x5] =	wrdreg $0x67000  }
0xb8: {  	[dreg:$0x6] =	wrdreg $0x71000  }
0xb9: {  	[dreg:$0x7] =	wrdreg $0x9  }
0xba: {  	_ =	task.clear_ibuf [dreg:s8], $0x8FFFF;
	_ =	strace $0x90000046  }
0xbb: {  	s29 =	simm.s32 $0x9;
	_ =	strace $0x80000048  }
0xbc: {  	_ =	swait.ge [sflag:s29], $0x1  }
0xbd: {  	[sflag:s29] =	ssyncadd.s32 $0xFFFFFFFF  }
0xbe: {  	_ =	strace $0x90000048  }
0xbf: {  	_ =	sfence  }
0xc0: {  	s30 =	sld [smem:$0x0];
	_ =	sdelay $0x2  }
0xc1: {  	s31 =	sshll.u32 s1, $0xD;
	s1 =	sshrl.u32 s1, $0x2  }
0xc2: {  	s3 =	sand.u32 $0x4000, s31;
	s1 =	sadd.s32 s1, s30  }
0xc3: {  	s0 =	sor.u32 s3, s0;
	s1 =	sshll.u32 s1, $0x11  }
0xc4: {  	s0 =	sor.u32 s1, s0  }
0xc5: {  	s0 =	sadd.s32 $0x8F2B, s0  }
0xc6: {  	[sflag:s0] =	ssyncadd.remote.s32 $0x1  }
0xc7: {  	_ =	sfence.sel $0xFFFF  }
0xc8: {  	[dreg:$0x0] =	wrdreg $0xFFFFFFFF;
	(pc) =	sbr.abs _section_cstart, $3  }
0xc9: {  	[dreg:$0x1] =	wrdreg $0xFFFFFFFF  }
0xca: {  	_ =	task.clear_ibuf [dreg:s8], $0x2FFFF;
	_ =	strace $0x9FFFFFFF  }
0xcb: {  	(tm) =	ssettm $0x7FFFFFFF  }
tec
execute0_lowered:
.L_overlay_start_1:
0x0: {  	(tag) =	ssettag $0x1  }
0x1: {  	s0 =	rddreg [dreg:$0x0]  }
0x2: {  	s2 =	rddreg [dreg:$0x2]  }
0x3: {  	s4 =	rddreg [dreg:$0x3]  }
0x4: {  	s5 =	rddreg [dreg:$0x4]  }
0x5: {  	s1 =	srdreg.scid;
	s14 =	stileid.u32;
	s6 =	simm.s32 $0x0  }
0x6: {  	s17 =	simm.s32 $0x2;
	s19 =	simm.s32 $0x4100;
	s20 =	simm.s32 $0x80  }
0x7: {  	s21 =	simm.s32 $0x100;
	s22 =	simm.s32 $0x1;
	s23 =	simm.s32 $0x4500  }
0x8: {  	s24 =	simm.s32 $0x4700;
	s25 =	simm.s32 $0x40;
	s26 =	simm.s32 $0x0  }
0x9: {  	s1 =	sand.u32 $0x1, s1;
	s3 =	smul.u32 $0x14000, s14;
	[smem:$0x7FF] =	sst s6  }
0xa: {  	s7 =	sadd.s32 $0x20E00, s0;
	s8 =	sadd.s32 $0xCA00, s0;
	s31 =	sshll.u32 s14, $0x6  }
0xb: {  	v0 =	vlaneseq.u32;
	s9 =	smul.u32 $0x140000, s1;
	_ =	strace $0x80000047;
	s11 =	ssub.s32 $0x2, s1  }
0xc: {  	v0 =	vmul.u32 $0x80, v0;
	s1 =	sshll.u32 s1, $0x4;
	s13 =	sshrl.u32 s11, $0x1;
	s16 =	sadd.s32 s3, s4  }
0xd: {  	s1 =	sor.u32 s14, s1;
	s10 =	sadd.s32 s3, s9;
	s9 =	sadd.s32 $0x2600, s0  }
0xe: {  	vm0 =	vcmask $0x3F3C;
	v1 =	vor.u32 $0x1, v0;
	v2 =	vor.u32 $0x2, v0;
	s15 =	ssub.s32 s11, s13;
	s11 =	sor.u32 $0x1C02, s31;
	s3 =	sadd.s32 s3, s5  }
0xf: {  	v3 =	vor.u32 $0x3, v0;
	v4 =	vor.u32 $0x800, v0;
	v5 =	vor.u32 $0x801, v0;
	s16 =	sshrl.u32 s16, $0x3;
	s12 =	sshrl.u32 s10, $0x3;
	s10 =	sadd.s32 $0xC800, s0  }
0x10: {  	v6 =	vor.u32 $0x802, v0;
	v7 =	vor.u32 $0x803, v0;
	v8 =	vor.u32 $0x1000, v0;
	s15 =	smax.u32 s15, $0x1;
	s18 =	sshrl.u32 s3, $0x3;
	s0 =	sadd.s32 s12, s0  }
0x11: {  	v9 =	vor.u32 $0x1001, v0;
	v10 =	vor.u32 $0x1002, v0;
	v11 =	vor.u32 $0x1003, v0;
	s12 =	smul.u32 $0x2880, s1;
	s13 =	sadd.s32 $0xC0E00, s0;
	s14 =	sadd.s32 $0x70E00, s0  }
.LBB2_1:
0x12: {  	s0 =	rddreg [dreg:$0x1]  }
0x13: {  	[spmem:s16], [sflag:s11] =	dma.local [hbm:s0], $0x2800  }
0x14: {  	_ =	swait.ge [sflag:s17], $0x2800  }
0x15: {  	[sflag:s17] =	ssyncset.done $0x0  }
0x16: {  	[sflag:s17] =	ssyncadd.s32 $0xFFFFD800  }
0x17: {  	[spmem:s18], [sflag:s11] =	dma.local [hbm:s2], $0x2800  }
0x18: {  	_ =	swait.ge [sflag:s17], $0x2800  }
0x19: {  	[sflag:s17] =	ssyncset.done $0x0  }
0x1a: {  	[sflag:s17] =	ssyncadd.s32 $0xFFFFD800  }
0x1b: {  	[tilespmem:s19], [sflag:$0x2] =	stream.linear.gather [hbm4b:s10+s6], $0x400, $0x38;
	[tilespmem:$0x1B100] =	vst v63  }
0x1c: {  	_ =	swait.ge [sflag:s17], $0x400  }
0x1d: {  	[sflag:s17] =	ssyncset.done $0x0  }
0x1e: {  	[sflag:s17] =	ssyncadd.s32 $0xFFFFFC00  }
0x1f: {  	s28 =	simm.s32 $0x0;
	[bflag:$0x0] =	sbarrier.arrive $0xFFFF  }
.LBB2_2:
0x20: {  	s0 =	sshll.u32 s28, $0x6  }
0x21: {  	s0 =	sadd.s32 s12, s0  }
0x22: {  	s1 =	sshrl.u32 s0, $0x2  }
0x23: {  	s29 =	simm.s32 $0x0;
	s1 =	sadd.s32 s8, s1  }
0x24: {  	[tilespmem:s29], [sflag:$0x2] =	stream.linear.gather [hbm4b:s1+s29], $0x80, $0x38;
	[tilespmem:$0x1B100] =	vst v63  }
0x25: {  	_ =	swait.ge [sflag:s17], $0x80  }
0x26: {  	s0 =	sshrl.u32 s0, $0x3;
	[sflag:s17] =	ssyncset.done $0x0  }
0x27: {  	s0 =	sadd.s32 s9, s0;
	[sflag:s17] =	ssyncadd.s32 $0xFFFFFF80  }
0x28: {  	[tilespmem:s20], [sflag:$0x2] =	stream.linear.gather [hbm4b:s0+s29], $0x40, $0x38;
	[tilespmem:$0x1B100] =	vst v63  }
0x29: {  	_ =	swait.ge [sflag:s17], $0x40  }
0x2a: {  	[sflag:s17] =	ssyncset.done $0x0  }
0x2b: {  	[sflag:s17] =	ssyncadd.s32 $0xFFFFFFC0  }
0x2c: {  	[tilespmem:s21], [sflag:$0x1] =	stream.indirect.gather [hbm4b:s7+s20], $0x80, s29, s20, $0xb8;
	[tilespmem:$0x1B100] =	vst v63  }
0x2d: {  	_ =	swait.ge [sflag:s22], $0x4000  }
0x2e: {  	[sflag:s22] =	ssyncset.done $0x0  }
0x2f: {  	s30 =	simm.s32 $0x2100;
	[sflag:s22] =	ssyncadd.s32 $0xFFFFC000  }
.LBB2_3:
0x30: {  	v12 =	vld [tilespmem:s30+$0xFFFFE000]  }
0x31: {  	v13 =	vld [tilespmem:s30+$0x0]  }
0x32: {  	v14 =	vld [tilespmem:s30+$0xFFFFE010]  }
0x33: {  	v15 =	vld [tilespmem:s30+$0x10];
	_ =	sdelay $0x3  }
0x34: {  	v16 =	vld [tilespmem:$0x4100]  }
0x35: {  	v61 =	vld [tilespmem:$0x4180];
	v12 =	vadd.f32 v13, v12;
	v60 =	vadd.f32 v15, v14;
	_ =	sdelay $0x1  }
0x36: {  	v62 =	vmul.f32 $2.000000030e-01, v12;
	v17 =	vmul.f32 $2.000000030e-01, v60;
	_ =	sdelay $0x1  }
0x37: {  	v12 =	vmax.f32 v12, v62;
	v13 =	vmax.f32 v60, v17  }
0x38: {  	v12 =	vmul.f32 v16, v12;
	v13 =	vmul.f32 v13, v61;
	_ =	sdelay $0x1  }
0x39: {  	v12 =	vadd.f32 v13, v12;
	_ =	sdelay $0x1  }
0x3a: {  	(xrf2) =	vadd.scan.msk.f32 $0xffff, v12;
	_ =	sdelay $0x5  }
0x3b: {  	v63 =	vmov s29;
	_ =	sdelay $0x3  }
0x3c: {  	v21, _, _ =	vpop (xrf2)  }
0x3d: {  	[tilespmem:v63+s23+$0x0] =	vst.idx.msk vm0, v21  }
0x3e: {  	v13 =	vld [tilespmem:s30+$0xFFFFE020]  }
0x3f: {  	v22 =	vld [tilespmem:s30+$0x20]  }
0x40: {  	v23 =	vld [tilespmem:s30+$0xFFFFE030]  }
0x41: {  	v24 =	vld [tilespmem:s30+$0x30];
	_ =	sdelay $0x3  }
0x42: {  	v25 =	vld [tilespmem:$0x4200]  }
0x43: {  	v27 =	vld [tilespmem:$0x4280];
	v13 =	vadd.f32 v22, v13;
	v26 =	vadd.f32 v24, v23;
	_ =	sdelay $0x1  }
0x44: {  	v28 =	vmul.f32 $2.000000030e-01, v13;
	v18 =	vmul.f32 $2.000000030e-01, v26;
	_ =	sdelay $0x1  }
0x45: {  	v13 =	vmax.f32 v13, v28;
	v14 =	vmax.f32 v26, v18  }
0x46: {  	v13 =	vmul.f32 v25, v13;
	v14 =	vmul.f32 v14, v27;
	_ =	sdelay $0x1  }
0x47: {  	v13 =	vadd.f32 v14, v13;
	_ =	sdelay $0x1  }
0x48: {  	(xrf2) =	vadd.scan.msk.f32 $0xffff, v13;
	_ =	sdelay $0x5  }
0x49: {  	v29 =	vor.u32 $0x80, v63;
	_ =	sdelay $0x3  }
0x4a: {  	v30, _, _ =	vpop (xrf2)  }
0x4b: {  	[tilespmem:v29+s23+$0x0] =	vst.idx.msk vm0, v30  }
0x4c: {  	v13 =	vld [tilespmem:s30+$0xFFFFE040]  }
0x4d: {  	v14 =	vld [tilespmem:s30+$0x40]  }
0x4e: {  	v31 =	vld [tilespmem:s30+$0xFFFFE050]  }
0x4f: {  	v32 =	vld [tilespmem:s30+$0x50];
	_ =	sdelay $0x3  }
0x50: {  	v33 =	vld [tilespmem:$0x4300]  }
0x51: {  	v35 =	vld [tilespmem:$0x4380];
	v13 =	vadd.f32 v14, v13;
	v34 =	vadd.f32 v32, v31;
	_ =	sdelay $0x1  }
0x52: {  	v36 =	vmul.f32 $2.000000030e-01, v13;
	v37 =	vmul.f32 $2.000000030e-01, v34;
	_ =	sdelay $0x1  }
0x53: {  	v13 =	vmax.f32 v13, v36;
	v14 =	vmax.f32 v34, v37  }
0x54: {  	v13 =	vmul.f32 v33, v13;
	v14 =	vmul.f32 v14, v35;
	_ =	sdelay $0x1  }
0x55: {  	v13 =	vadd.f32 v14, v13;
	_ =	sdelay $0x1  }
0x56: {  	(xrf2) =	vadd.scan.msk.f32 $0xffff, v13;
	_ =	sdelay $0x5  }
0x57: {  	v38 =	vor.u32 $0x100, v63;
	_ =	sdelay $0x3  }
0x58: {  	v39, _, _ =	vpop (xrf2)  }
0x59: {  	[tilespmem:v38+s23+$0x0] =	vst.idx.msk vm0, v39  }
0x5a: {  	v13 =	vld [tilespmem:s30+$0xFFFFE060]  }
0x5b: {  	v14 =	vld [tilespmem:s30+$0x60]  }
0x5c: {  	v40 =	vld [tilespmem:s30+$0xFFFFE070]  }
0x5d: {  	v41 =	vld [tilespmem:s30+$0x70];
	_ =	sdelay $0x3  }
0x5e: {  	v42 =	vld [tilespmem:$0x4400]  }
0x5f: {  	v44 =	vld [tilespmem:$0x4480];
	v13 =	vadd.f32 v14, v13;
	v43 =	vadd.f32 v41, v40;
	_ =	sdelay $0x1  }
0x60: {  	v45 =	vmul.f32 $2.000000030e-01, v13;
	v46 =	vmul.f32 $2.000000030e-01, v43;
	_ =	sdelay $0x1  }
0x61: {  	v13 =	vmax.f32 v13, v45;
	v14 =	vmax.f32 v43, v46  }
0x62: {  	v13 =	vmul.f32 v42, v13;
	v14 =	vmul.f32 v14, v44;
	_ =	sdelay $0x1  }
0x63: {  	v13 =	vadd.f32 v14, v13;
	_ =	sdelay $0x1  }
0x64: {  	(xrf2) =	vadd.scan.msk.f32 $0xffff, v13;
	_ =	sdelay $0x5  }
0x65: {  	v12 =	vor.u32 $0x180, v63;
	_ =	sdelay $0x3  }
0x66: {  	v13, _, _ =	vpop (xrf2)  }
0x67: {  	[tilespmem:v12+s23+$0x0] =	vst.idx.msk vm0, v13  }
0x68: {  	v12 =	vld [tilespmem:s30+$0xFFFFE080]  }
0x69: {  	v13 =	vld [tilespmem:s30+$0x80]  }
0x6a: {  	v47 =	vld [tilespmem:s30+$0xFFFFE090]  }
0x6b: {  	v48 =	vld [tilespmem:s30+$0x90];
	_ =	sdelay $0x3  }
0x6c: {  	v49 =	vld [tilespmem:$0x4100]  }
0x6d: {  	v51 =	vld [tilespmem:$0x4180];
	v12 =	vadd.f32 v13, v12;
	v50 =	vadd.f32 v48, v47;
	_ =	sdelay $0x1  }
0x6e: {  	v52 =	vmul.f32 $2.000000030e-01, v12;
	v53 =	vmul.f32 $2.000000030e-01, v50;
	_ =	sdelay $0x1  }
0x6f: {  	v12 =	vmax.f32 v12, v52;
	v13 =	vmax.f32 v50, v53  }
0x70: {  	v12 =	vmul.f32 v49, v12;
	v13 =	vmul.f32 v13, v51;
	_ =	sdelay $0x1  }
0x71: {  	v12 =	vadd.f32 v13, v12;
	_ =	sdelay $0x1  }
0x72: {  	(xrf2) =	vadd.scan.msk.f32 $0xffff, v12;
	_ =	sdelay $0x4  }
0x73: {  	s0 =	sadd.s32 $0x1, s29  }
0x74: {  	v54 =	vmov s0;
	_ =	sdelay $0x3  }
0x75: {  	v55, _, _ =	vpop (xrf2)  }
0x76: {  	[tilespmem:v54+s23+$0x0] =	vst.idx.msk vm0, v55  }
0x77: {  	v13 =	vld [tilespmem:s30+$0xFFFFE0A0]  }
0x78: {  	v56 =	vld [tilespmem:s30+$0xA0]  }
0x79: {  	v57 =	vld [tilespmem:s30+$0xFFFFE0B0]  }
0x7a: {  	v58 =	vld [tilespmem:s30+$0xB0];
	_ =	sdelay $0x3  }
0x7b: {  	v59 =	vld [tilespmem:$0x4200]  }
0x7c: {  	v61 =	vld [tilespmem:$0x4280];
	v13 =	vadd.f32 v56, v13;
	v60 =	vadd.f32 v58, v57;
	_ =	sdelay $0x1  }
0x7d: {  	v62 =	vmul.f32 $2.000000030e-01, v13;
	v63 =	vmul.f32 $2.000000030e-01, v60;
	_ =	sdelay $0x1  }
0x7e: {  	v13 =	vmax.f32 v13, v62;
	v14 =	vmax.f32 v60, v63  }
0x7f: {  	v13 =	vmul.f32 v59, v13;
	v14 =	vmul.f32 v14, v61;
	_ =	sdelay $0x1  }
0x80: {  	v13 =	vadd.f32 v14, v13;
	_ =	sdelay $0x1  }
0x81: {  	(xrf2) =	vadd.scan.msk.f32 $0xffff, v13;
	_ =	sdelay $0x5  }
0x82: {  	v20 =	vor.u32 $0x80, v54;
	_ =	sdelay $0x3  }
0x83: {  	v21, _, _ =	vpop (xrf2)  }
0x84: {  	[tilespmem:v20+s23+$0x0] =	vst.idx.msk vm0, v21  }
0x85: {  	v13 =	vld [tilespmem:s30+$0xFFFFE0C0]  }
0x86: {  	v14 =	vld [tilespmem:s30+$0xC0]  }
0x87: {  	v22 =	vld [tilespmem:s30+$0xFFFFE0D0]  }
0x88: {  	v23 =	vld [tilespmem:s30+$0xD0];
	_ =	sdelay $0x3  }
0x89: {  	v24 =	vld [tilespmem:$0x4300]  }
0x8a: {  	v26 =	vld [tilespmem:$0x4380];
	v13 =	vadd.f32 v14, v13;
	v25 =	vadd.f32 v23, v22;
	_ =	sdelay $0x1  }
0x8b: {  	v27 =	vmul.f32 $2.000000030e-01, v13;
	v28 =	vmul.f32 $2.000000030e-01, v25;
	_ =	sdelay $0x1  }
0x8c: {  	v13 =	vmax.f32 v13, v27;
	v14 =	vmax.f32 v25, v28  }
0x8d: {  	v13 =	vmul.f32 v24, v13;
	v14 =	vmul.f32 v14, v26;
	_ =	sdelay $0x1  }
0x8e: {  	v13 =	vadd.f32 v14, v13;
	_ =	sdelay $0x1  }
0x8f: {  	(xrf2) =	vadd.scan.msk.f32 $0xffff, v13;
	_ =	sdelay $0x5  }
0x90: {  	v29 =	vor.u32 $0x100, v54;
	_ =	sdelay $0x3  }
0x91: {  	v30, _, _ =	vpop (xrf2)  }
0x92: {  	[tilespmem:v29+s23+$0x0] =	vst.idx.msk vm0, v30  }
0x93: {  	v13 =	vld [tilespmem:s30+$0xFFFFE0E0]  }
0x94: {  	v14 =	vld [tilespmem:s30+$0xE0]  }
0x95: {  	v31 =	vld [tilespmem:s30+$0xFFFFE0F0]  }
0x96: {  	v32 =	vld [tilespmem:s30+$0xF0];
	_ =	sdelay $0x3  }
0x97: {  	v33 =	vld [tilespmem:$0x4400]  }
0x98: {  	v35 =	vld [tilespmem:$0x4480];
	v13 =	vadd.f32 v14, v13;
	v34 =	vadd.f32 v32, v31;
	_ =	sdelay $0x1  }
0x99: {  	v36 =	vmul.f32 $2.000000030e-01, v13;
	v37 =	vmul.f32 $2.000000030e-01, v34;
	_ =	sdelay $0x1  }
0x9a: {  	v13 =	vmax.f32 v13, v36;
	v14 =	vmax.f32 v34, v37  }
0x9b: {  	v13 =	vmul.f32 v33, v13;
	v14 =	vmul.f32 v14, v35;
	_ =	sdelay $0x1  }
0x9c: {  	v13 =	vadd.f32 v14, v13;
	_ =	sdelay $0x1  }
0x9d: {  	(xrf2) =	vadd.scan.msk.f32 $0xffff, v13;
	_ =	sdelay $0x5  }
0x9e: {  	v12 =	vor.u32 $0x180, v54;
	_ =	sdelay $0x3  }
0x9f: {  	v13, _, _ =	vpop (xrf2)  }
0xa0: {  	[tilespmem:v12+s23+$0x0] =	vst.idx.msk vm0, v13  }
0xa1: {  	v12 =	vld [tilespmem:s30+$0xFFFFE100]  }
0xa2: {  	v13 =	vld [tilespmem:s30+$0x100]  }
0xa3: {  	v38 =	vld [tilespmem:s30+$0xFFFFE110]  }
0xa4: {  	v39 =	vld [tilespmem:s30+$0x110];
	_ =	sdelay $0x3  }
0xa5: {  	v40 =	vld [tilespmem:$0x4100]  }
0xa6: {  	v42 =	vld [tilespmem:$0x4180];
	v12 =	vadd.f32 v13, v12;
	v41 =	vadd.f32 v39, v38;
	_ =	sdelay $0x1  }
0xa7: {  	v43 =	vmul.f32 $2.000000030e-01, v12;
	v44 =	vmul.f32 $2.000000030e-01, v41;
	_ =	sdelay $0x1  }
0xa8: {  	v12 =	vmax.f32 v12, v43;
	v13 =	vmax.f32 v41, v44  }
0xa9: {  	v12 =	vmul.f32 v40, v12;
	v13 =	vmul.f32 v13, v42;
	_ =	sdelay $0x1  }
0xaa: {  	v12 =	vadd.f32 v13, v12;
	_ =	sdelay $0x1  }
0xab: {  	(xrf2) =	vadd.scan.msk.f32 $0xffff, v12;
	_ =	sdelay $0x4  }
0xac: {  	s3 =	sadd.s32 $0x2, s29  }
0xad: {  	v45 =	vmov s3;
	_ =	sdelay $0x3  }
0xae: {  	v46, _, _ =	vpop (xrf2)  }
0xaf: {  	[tilespmem:v45+s23+$0x0] =	vst.idx.msk vm0, v46  }
0xb0: {  	v13 =	vld [tilespmem:s30+$0xFFFFE120]  }
0xb1: {  	v47 =	vld [tilespmem:s30+$0x120]  }
0xb2: {  	v48 =	vld [tilespmem:s30+$0xFFFFE130]  }
0xb3: {  	v49 =	vld [tilespmem:s30+$0x130];
	_ =	sdelay $0x3  }
0xb4: {  	v50 =	vld [tilespmem:$0x4200]  }
0xb5: {  	v52 =	vld [tilespmem:$0x4280];
	v13 =	vadd.f32 v47, v13;
	v51 =	vadd.f32 v49, v48;
	_ =	sdelay $0x1  }
0xb6: {  	v53 =	vmul.f32 $2.000000030e-01, v13;
	v54 =	vmul.f32 $2.000000030e-01, v51;
	_ =	sdelay $0x1  }
0xb7: {  	v13 =	vmax.f32 v13, v53;
	v14 =	vmax.f32 v51, v54  }
0xb8: {  	v13 =	vmul.f32 v50, v13;
	v14 =	vmul.f32 v14, v52;
	_ =	sdelay $0x1  }
0xb9: {  	v13 =	vadd.f32 v14, v13;
	_ =	sdelay $0x1  }
0xba: {  	(xrf2) =	vadd.scan.msk.f32 $0xffff, v13;
	_ =	sdelay $0x5  }
0xbb: {  	v55 =	vor.u32 $0x80, v45;
	_ =	sdelay $0x3  }
0xbc: {  	v56, _, _ =	vpop (xrf2)  }
0xbd: {  	[tilespmem:v55+s23+$0x0] =	vst.idx.msk vm0, v56  }
0xbe: {  	v13 =	vld [tilespmem:s30+$0xFFFFE140]  }
0xbf: {  	v14 =	vld [tilespmem:s30+$0x140]  }
0xc0: {  	v57 =	vld [tilespmem:s30+$0xFFFFE150]  }
0xc1: {  	v58 =	vld [tilespmem:s30+$0x150];
	_ =	sdelay $0x3  }
0xc2: {  	v59 =	vld [tilespmem:$0x4300]  }
0xc3: {  	v61 =	vld [tilespmem:$0x4380];
	v13 =	vadd.f32 v14, v13;
	v60 =	vadd.f32 v58, v57;
	_ =	sdelay $0x1  }
0xc4: {  	v62 =	vmul.f32 $2.000000030e-01, v13;
	v63 =	vmul.f32 $2.000000030e-01, v60;
	_ =	sdelay $0x1  }
0xc5: {  	v13 =	vmax.f32 v13, v62;
	v14 =	vmax.f32 v60, v63  }
0xc6: {  	v13 =	vmul.f32 v59, v13;
	v14 =	vmul.f32 v14, v61;
	_ =	sdelay $0x1  }
0xc7: {  	v13 =	vadd.f32 v14, v13;
	_ =	sdelay $0x1  }
0xc8: {  	(xrf2) =	vadd.scan.msk.f32 $0xffff, v13;
	_ =	sdelay $0x5  }
0xc9: {  	v20 =	vor.u32 $0x100, v45;
	_ =	sdelay $0x3  }
0xca: {  	v21, _, _ =	vpop (xrf2)  }
0xcb: {  	[tilespmem:v20+s23+$0x0] =	vst.idx.msk vm0, v21  }
0xcc: {  	v13 =	vld [tilespmem:s30+$0xFFFFE160]  }
0xcd: {  	v14 =	vld [tilespmem:s30+$0x160]  }
0xce: {  	v22 =	vld [tilespmem:s30+$0xFFFFE170]  }
0xcf: {  	v23 =	vld [tilespmem:s30+$0x170];
	_ =	sdelay $0x3  }
0xd0: {  	v24 =	vld [tilespmem:$0x4400]  }
0xd1: {  	v26 =	vld [tilespmem:$0x4480];
	v13 =	vadd.f32 v14, v13;
	v25 =	vadd.f32 v23, v22;
	_ =	sdelay $0x1  }
0xd2: {  	v27 =	vmul.f32 $2.000000030e-01, v13;
	v28 =	vmul.f32 $2.000000030e-01, v25;
	_ =	sdelay $0x1  }
0xd3: {  	v13 =	vmax.f32 v13, v27;
	v14 =	vmax.f32 v25, v28  }
0xd4: {  	v13 =	vmul.f32 v24, v13;
	v14 =	vmul.f32 v14, v26;
	_ =	sdelay $0x1  }
0xd5: {  	v13 =	vadd.f32 v14, v13;
	_ =	sdelay $0x1  }
0xd6: {  	(xrf2) =	vadd.scan.msk.f32 $0xffff, v13;
	_ =	sdelay $0x5  }
0xd7: {  	v12 =	vor.u32 $0x180, v45;
	_ =	sdelay $0x3  }
0xd8: {  	v13, _, _ =	vpop (xrf2)  }
0xd9: {  	[tilespmem:v12+s23+$0x0] =	vst.idx.msk vm0, v13  }
0xda: {  	v12 =	vld [tilespmem:s30+$0xFFFFE180]  }
0xdb: {  	v13 =	vld [tilespmem:s30+$0x180]  }
0xdc: {  	v29 =	vld [tilespmem:s30+$0xFFFFE190]  }
0xdd: {  	v30 =	vld [tilespmem:s30+$0x190];
	_ =	sdelay $0x3  }
0xde: {  	v31 =	vld [tilespmem:$0x4100]  }
0xdf: {  	v33 =	vld [tilespmem:$0x4180];
	v12 =	vadd.f32 v13, v12;
	v32 =	vadd.f32 v30, v29;
	_ =	sdelay $0x1  }
0xe0: {  	v34 =	vmul.f32 $2.000000030e-01, v12;
	v35 =	vmul.f32 $2.000000030e-01, v32;
	_ =	sdelay $0x1  }
0xe1: {  	v12 =	vmax.f32 v12, v34;
	v13 =	vmax.f32 v32, v35  }
0xe2: {  	v12 =	vmul.f32 v31, v12;
	v13 =	vmul.f32 v13, v33;
	_ =	sdelay $0x1  }
0xe3: {  	v12 =	vadd.f32 v13, v12;
	_ =	sdelay $0x1  }
0xe4: {  	(xrf2) =	vadd.scan.msk.f32 $0xffff, v12;
	_ =	sdelay $0x4  }
0xe5: {  	s31 =	sadd.s32 $0x3, s29  }
0xe6: {  	v36 =	vmov s31;
	_ =	sdelay $0x3  }
0xe7: {  	v37, _, _ =	vpop (xrf2)  }
0xe8: {  	[tilespmem:v36+s23+$0x0] =	vst.idx.msk vm0, v37  }
0xe9: {  	v13 =	vld [tilespmem:s30+$0xFFFFE1A0]  }
0xea: {  	v38 =	vld [tilespmem:s30+$0x1A0]  }
0xeb: {  	v39 =	vld [tilespmem:s30+$0xFFFFE1B0]  }
0xec: {  	v40 =	vld [tilespmem:s30+$0x1B0];
	_ =	sdelay $0x3  }
0xed: {  	v41 =	vld [tilespmem:$0x4200]  }
0xee: {  	v43 =	vld [tilespmem:$0x4280];
	v13 =	vadd.f32 v38, v13;
	v42 =	vadd.f32 v40, v39;
	_ =	sdelay $0x1  }
0xef: {  	v44 =	vmul.f32 $2.000000030e-01, v13;
	v45 =	vmul.f32 $2.000000030e-01, v42;
	_ =	sdelay $0x1  }
0xf0: {  	v13 =	vmax.f32 v13, v44;
	v14 =	vmax.f32 v42, v45  }
0xf1: {  	v13 =	vmul.f32 v41, v13;
	v14 =	vmul.f32 v14, v43;
	_ =	sdelay $0x1  }
0xf2: {  	v13 =	vadd.f32 v14, v13;
	_ =	sdelay $0x1  }
0xf3: {  	(xrf2) =	vadd.scan.msk.f32 $0xffff, v13;
	_ =	sdelay $0x5  }
0xf4: {  	v46 =	vor.u32 $0x80, v36;
	_ =	sdelay $0x3  }
0xf5: {  	v47, _, _ =	vpop (xrf2)  }
0xf6: {  	[tilespmem:v46+s23+$0x0] =	vst.idx.msk vm0, v47  }
0xf7: {  	v13 =	vld [tilespmem:s30+$0xFFFFE1C0]  }
0xf8: {  	v14 =	vld [tilespmem:s30+$0x1C0]  }
0xf9: {  	v48 =	vld [tilespmem:s30+$0xFFFFE1D0]  }
0xfa: {  	v49 =	vld [tilespmem:s30+$0x1D0];
	_ =	sdelay $0x3  }
0xfb: {  	v50 =	vld [tilespmem:$0x4300]  }
0xfc: {  	v52 =	vld [tilespmem:$0x4380];
	v13 =	vadd.f32 v14, v13;
	v51 =	vadd.f32 v49, v48;
	_ =	sdelay $0x1  }
0xfd: {  	v53 =	vmul.f32 $2.000000030e-01, v13;
	v54 =	vmul.f32 $2.000000030e-01, v51;
	_ =	sdelay $0x1  }
0xfe: {  	v13 =	vmax.f32 v13, v53;
	v14 =	vmax.f32 v51, v54  }
0xff: {  	v13 =	vmul.f32 v50, v13;
	v14 =	vmul.f32 v14, v52;
	_ =	sdelay $0x1  }
0x100: {  	v13 =	vadd.f32 v14, v13;
	_ =	sdelay $0x1  }
0x101: {  	(xrf2) =	vadd.scan.msk.f32 $0xffff, v13;
	_ =	sdelay $0x5  }
0x102: {  	v55 =	vor.u32 $0x100, v36;
	_ =	sdelay $0x3  }
0x103: {  	v56, _, _ =	vpop (xrf2)  }
0x104: {  	[tilespmem:v55+s23+$0x0] =	vst.idx.msk vm0, v56  }
0x105: {  	v13 =	vld [tilespmem:s30+$0xFFFFE1E0]  }
0x106: {  	v14 =	vld [tilespmem:s30+$0x1E0]  }
0x107: {  	v57 =	vld [tilespmem:s30+$0xFFFFE1F0]  }
0x108: {  	v58 =	vld [tilespmem:s30+$0x1F0];
	_ =	sdelay $0x3  }
0x109: {  	v59 =	vld [tilespmem:$0x4400]  }
0x10a: {  	v61 =	vld [tilespmem:$0x4480];
	v13 =	vadd.f32 v14, v13;
	v60 =	vadd.f32 v58, v57;
	_ =	sdelay $0x1  }
0x10b: {  	v62 =	vmul.f32 $2.000000030e-01, v13;
	v63 =	vmul.f32 $2.000000030e-01, v60;
	_ =	sdelay $0x1  }
0x10c: {  	v13 =	vmax.f32 v13, v62;
	v14 =	vmax.f32 v60, v63  }
0x10d: {  	v13 =	vmul.f32 v59, v13;
	v14 =	vmul.f32 v14, v61;
	_ =	sdelay $0x1  }
0x10e: {  	v13 =	vadd.f32 v14, v13;
	_ =	sdelay $0x1  }
0x10f: {  	(xrf2) =	vadd.scan.msk.f32 $0xffff, v13;
	_ =	sdelay $0x5  }
0x110: {  	p0 =	slt.u32 s29, $0x3C;
	v12 =	vor.u32 $0x180, v36  }
.Ltmp0:
0x111: {  	_ = 	snop;
	(pc) =	sbr.rel @p0 .LBB2_3-.Ltmp0, $3  }
0x112: {  	_ =	sdelay $0x1  }
0x113: {  	v13, _, _ =	vpop (xrf2)  }
0x114: {  	s29 =	sadd.s32 $0x4, s29;
	s30 =	sadd.s32 $0x200, s30;
	[tilespmem:v12+s23+$0x0] =	vst.idx.msk vm0, v13  }
0x115: {  	v12 =	vld [tilespmem:$0x4500];
	_ =	sdelay $0x4  }
0x116: {  	v12 =	vmul.f32 $1.442695020e+00, v12;
	_ =	sdelay $0x1  }
0x117: {  	(erf) = vpow2.f32 v12;
	_ =	sdelay $0x8  }
0x118: {  	v12 =	vpop (erf)  }
0x119: {  	[tilespmem:v0+s24+$0x0] =	vst.idx.msk $0xffff, v12  }
0x11a: {  	v12 =	vld [tilespmem:$0x4580];
	_ =	sdelay $0x4  }
0x11b: {  	v12 =	vmul.f32 $1.442695020e+00, v12;
	_ =	sdelay $0x1  }
0x11c: {  	(erf) = vpow2.f32 v12;
	_ =	sdelay $0x8  }
0x11d: {  	v12 =	vpop (erf)  }
0x11e: {  	[tilespmem:v1+s24+$0x0] =	vst.idx.msk $0xffff, v12  }
0x11f: {  	v12 =	vld [tilespmem:$0x4600];
	_ =	sdelay $0x4  }
0x120: {  	v12 =	vmul.f32 $1.442695020e+00, v12;
	_ =	sdelay $0x1  }
0x121: {  	(erf) = vpow2.f32 v12;
	_ =	sdelay $0x8  }
0x122: {  	v12 =	vpop (erf)  }
0x123: {  	[tilespmem:v2+s24+$0x0] =	vst.idx.msk $0xffff, v12  }
0x124: {  	v12 =	vld [tilespmem:$0x4680];
	_ =	sdelay $0x4  }
0x125: {  	v12 =	vmul.f32 $1.442695020e+00, v12;
	_ =	sdelay $0x1  }
0x126: {  	(erf) = vpow2.f32 v12;
	_ =	sdelay $0x8  }
0x127: {  	v12 =	vpop (erf)  }
0x128: {  	[tilespmem:v3+s24+$0x0] =	vst.idx.msk $0xffff, v12  }
0x129: {  	v12 =	vld [tilespmem:$0x4510];
	_ =	sdelay $0x4  }
0x12a: {  	v12 =	vmul.f32 $1.442695020e+00, v12;
	_ =	sdelay $0x1  }
0x12b: {  	(erf) = vpow2.f32 v12;
	_ =	sdelay $0x8  }
0x12c: {  	v12 =	vpop (erf)  }
0x12d: {  	[tilespmem:v4+s24+$0x0] =	vst.idx.msk $0xffff, v12  }
0x12e: {  	v12 =	vld [tilespmem:$0x4590];
	_ =	sdelay $0x4  }
0x12f: {  	v12 =	vmul.f32 $1.442695020e+00, v12;
	_ =	sdelay $0x1  }
0x130: {  	(erf) = vpow2.f32 v12;
	_ =	sdelay $0x8  }
0x131: {  	v12 =	vpop (erf)  }
0x132: {  	[tilespmem:v5+s24+$0x0] =	vst.idx.msk $0xffff, v12  }
0x133: {  	v12 =	vld [tilespmem:$0x4610];
	_ =	sdelay $0x4  }
0x134: {  	v12 =	vmul.f32 $1.442695020e+00, v12;
	_ =	sdelay $0x1  }
0x135: {  	(erf) = vpow2.f32 v12;
	_ =	sdelay $0x8  }
0x136: {  	v12 =	vpop (erf)  }
0x137: {  	[tilespmem:v6+s24+$0x0] =	vst.idx.msk $0xffff, v12  }
0x138: {  	v12 =	vld [tilespmem:$0x4690];
	_ =	sdelay $0x4  }
0x139: {  	v12 =	vmul.f32 $1.442695020e+00, v12;
	_ =	sdelay $0x1  }
0x13a: {  	(erf) = vpow2.f32 v12;
	_ =	sdelay $0x8  }
0x13b: {  	v12 =	vpop (erf)  }
0x13c: {  	[tilespmem:v7+s24+$0x0] =	vst.idx.msk $0xffff, v12  }
0x13d: {  	v12 =	vld [tilespmem:$0x4520];
	_ =	sdelay $0x4  }
0x13e: {  	v12 =	vmul.f32 $1.442695020e+00, v12;
	_ =	sdelay $0x1  }
0x13f: {  	(erf) = vpow2.f32 v12;
	_ =	sdelay $0x8  }
0x140: {  	v12 =	vpop (erf)  }
0x141: {  	[tilespmem:v8+s24+$0x0] =	vst.idx.msk $0xffff, v12  }
0x142: {  	v12 =	vld [tilespmem:$0x45A0];
	_ =	sdelay $0x4  }
0x143: {  	v12 =	vmul.f32 $1.442695020e+00, v12;
	_ =	sdelay $0x1  }
0x144: {  	(erf) = vpow2.f32 v12;
	_ =	sdelay $0x8  }
0x145: {  	v12 =	vpop (erf)  }
0x146: {  	[tilespmem:v9+s24+$0x0] =	vst.idx.msk $0xffff, v12  }
0x147: {  	v12 =	vld [tilespmem:$0x4620];
	_ =	sdelay $0x4  }
0x148: {  	v12 =	vmul.f32 $1.442695020e+00, v12;
	_ =	sdelay $0x1  }
0x149: {  	(erf) = vpow2.f32 v12;
	_ =	sdelay $0x8  }
0x14a: {  	v12 =	vpop (erf)  }
0x14b: {  	[tilespmem:v10+s24+$0x0] =	vst.idx.msk $0xffff, v12  }
0x14c: {  	v12 =	vld [tilespmem:$0x46A0];
	_ =	sdelay $0x4  }
0x14d: {  	v12 =	vmul.f32 $1.442695020e+00, v12;
	_ =	sdelay $0x1  }
0x14e: {  	(erf) = vpow2.f32 v12;
	_ =	sdelay $0x8  }
0x14f: {  	v12 =	vpop (erf)  }
0x150: {  	[tilespmem:v11+s24+$0x0] =	vst.idx.msk $0xffff, v12  }
0x151: {  	v12 =	vld [tilespmem:$0x4530];
	_ =	sdelay $0x4  }
0x152: {  	v12 =	vmul.f32 $1.442695020e+00, v12;
	_ =	sdelay $0x1  }
0x153: {  	(erf) = vpow2.f32 v12;
	_ =	sdelay $0x4  }
0x154: {  	v12 =	vor.u32 $0x1800, v0;
	_ =	sdelay $0x3  }
0x155: {  	v13 =	vpop (erf)  }
0x156: {  	[tilespmem:v12+s24+$0x0] =	vst.idx.msk $0xffff, v13  }
0x157: {  	v12 =	vld [tilespmem:$0x45B0];
	_ =	sdelay $0x4  }
0x158: {  	v12 =	vmul.f32 $1.442695020e+00, v12;
	_ =	sdelay $0x1  }
0x159: {  	(erf) = vpow2.f32 v12;
	_ =	sdelay $0x4  }
0x15a: {  	v12 =	vor.u32 $0x1801, v0;
	_ =	sdelay $0x3  }
0x15b: {  	v13 =	vpop (erf)  }
0x15c: {  	[tilespmem:v12+s24+$0x0] =	vst.idx.msk $0xffff, v13  }
0x15d: {  	v12 =	vld [tilespmem:$0x4630];
	_ =	sdelay $0x4  }
0x15e: {  	v12 =	vmul.f32 $1.442695020e+00, v12;
	_ =	sdelay $0x1  }
0x15f: {  	(erf) = vpow2.f32 v12;
	_ =	sdelay $0x4  }
0x160: {  	v12 =	vor.u32 $0x1802, v0;
	_ =	sdelay $0x3  }
0x161: {  	v13 =	vpop (erf)  }
0x162: {  	[tilespmem:v12+s24+$0x0] =	vst.idx.msk $0xffff, v13  }
0x163: {  	v12 =	vld [tilespmem:$0x46B0];
	_ =	sdelay $0x4  }
0x164: {  	v12 =	vmul.f32 $1.442695020e+00, v12;
	_ =	sdelay $0x1  }
0x165: {  	(erf) = vpow2.f32 v12;
	_ =	sdelay $0x4  }
0x166: {  	s0 =	simm.s32 $0x0;
	v12 =	vor.u32 $0x1803, v0  }
0x167: {  	v13 =	vmov s0;
	_ =	sdelay $0x2  }
0x168: {  	v14 =	vpop (erf)  }
0x169: {  	[tilespmem:v12+s24+$0x0] =	vst.idx.msk $0xffff, v14  }
0x16a: {  	s29 =	simm.s32 $0x200;
	v12 =	vld.idx.msk [tilespmem:v13+s24+$0x0], $0xffff  }
0x16b: {  	v14 =	vld [tilespmem:s29+$0xFFFFFF00]  }
0x16c: {  	v15 =	vld [tilespmem:s29+$0xFFFFFF10];
	_ =	sdelay $0x2  }
0x16d: {  	v16 =	vor.u32 $0x1, v13  }
0x16e: {  	v14 =	vmul.f32 v14, v12  }
0x16f: {  	v12 =	vmul.f32 v15, v12  }
0x170: {  	[tilespmem:s29+$0xFFFFFF00] =	vst v14  }
0x171: {  	[tilespmem:s29+$0xFFFFFF10] =	vst v12;
	v14 =	vld [tilespmem:s29+$0xFFFFFF20]  }
0x172: {  	v12 =	vld.idx.msk [tilespmem:v16+s24+$0x0], $0xffff  }
0x173: {  	v15 =	vld [tilespmem:s29+$0xFFFFFF30];
	_ =	sdelay $0x2  }
0x174: {  	v16 =	vor.u32 $0x2, v13  }
0x175: {  	v14 =	vmul.f32 v14, v12  }
0x176: {  	v12 =	vmul.f32 v15, v12  }
0x177: {  	[tilespmem:s29+$0xFFFFFF20] =	vst v14  }
0x178: {  	[tilespmem:s29+$0xFFFFFF30] =	vst v12;
	v14 =	vld [tilespmem:s29+$0xFFFFFF40]  }
0x179: {  	v12 =	vld.idx.msk [tilespmem:v16+s24+$0x0], $0xffff  }
0x17a: {  	v15 =	vld [tilespmem:s29+$0xFFFFFF50];
	_ =	sdelay $0x2  }
0x17b: {  	v13 =	vor.u32 $0x3, v13  }
0x17c: {  	v14 =	vmul.f32 v14, v12  }
0x17d: {  	v12 =	vmul.f32 v15, v12  }
0x17e: {  	[tilespmem:s29+$0xFFFFFF40] =	vst v14  }
0x17f: {  	[tilespmem:s29+$0xFFFFFF50] =	vst v12  }
0x180: {  	v12 =	vld.idx.msk [tilespmem:v13+s24+$0x0], $0xffff  }
0x181: {  	v13 =	vld [tilespmem:s29+$0xFFFFFF60]  }
0x182: {  	v14 =	vld [tilespmem:s29+$0xFFFFFF70];
	_ =	sdelay $0x1  }
0x183: {  	s3 =	simm.s32 $0x80  }
0x184: {  	v15 =	vmov s3  }
0x185: {  	v13 =	vmul.f32 v13, v12  }
0x186: {  	v12 =	vmul.f32 v14, v12  }
0x187: {  	[tilespmem:s29+$0xFFFFFF60] =	vst v13  }
0x188: {  	[tilespmem:s29+$0xFFFFFF70] =	vst v12;
	v13 =	vld [tilespmem:s29+$0xFFFFFF80]  }
0x189: {  	v12 =	vld.idx.msk [tilespmem:v15+s24+$0x0], $0xffff  }
0x18a: {  	v14 =	vld [tilespmem:s29+$0xFFFFFF90];
	_ =	sdelay $0x2  }
0x18b: {  	v16 =	vor.u32 $0x1, v15  }
0x18c: {  	v13 =	vmul.f32 v13, v12  }
0x18d: {  	v12 =	vmul.f32 v14, v12  }
0x18e: {  	[tilespmem:s29+$0xFFFFFF80] =	vst v13  }
0x18f: {  	[tilespmem:s29+$0xFFFFFF90] =	vst v12;
	v13 =	vld [tilespmem:s29+$0xFFFFFFA0]  }
0x190: {  	v12 =	vld.idx.msk [tilespmem:v16+s24+$0x0], $0xffff  }
0x191: {  	v14 =	vld [tilespmem:s29+$0xFFFFFFB0];
	_ =	sdelay $0x2  }
0x192: {  	v16 =	vor.u32 $0x2, v15  }
0x193: {  	v13 =	vmul.f32 v13, v12  }
0x194: {  	v12 =	vmul.f32 v14, v12  }
0x195: {  	[tilespmem:s29+$0xFFFFFFA0] =	vst v13  }
0x196: {  	[tilespmem:s29+$0xFFFFFFB0] =	vst v12;
	v13 =	vld [tilespmem:s29+$0xFFFFFFC0]  }
0x197: {  	v12 =	vld.idx.msk [tilespmem:v16+s24+$0x0], $0xffff  }
0x198: {  	v14 =	vld [tilespmem:s29+$0xFFFFFFD0];
	_ =	sdelay $0x2  }
0x199: {  	v15 =	vor.u32 $0x3, v15  }
0x19a: {  	v13 =	vmul.f32 v13, v12  }
0x19b: {  	v12 =	vmul.f32 v14, v12  }
0x19c: {  	[tilespmem:s29+$0xFFFFFFC0] =	vst v13  }
0x19d: {  	[tilespmem:s29+$0xFFFFFFD0] =	vst v12;
	v13 =	vld [tilespmem:s29+$0xFFFFFFE0]  }
0x19e: {  	v12 =	vld.idx.msk [tilespmem:v15+s24+$0x0], $0xffff  }
0x19f: {  	v16 =	vld [tilespmem:s29+$0xFFFFFFF0];
	_ =	sdelay $0x1  }
0x1a0: {  	s1 =	simm.s32 $0x100  }
0x1a1: {  	v14 =	vmov s1  }
0x1a2: {  	v13 =	vmul.f32 v13, v12  }
0x1a3: {  	v12 =	vmul.f32 v16, v12  }
0x1a4: {  	[tilespmem:s29+$0xFFFFFFE0] =	vst v13  }
0x1a5: {  	[tilespmem:s29+$0xFFFFFFF0] =	vst v12;
	v13 =	vld [tilespmem:s29+$0x0]  }
0x1a6: {  	v12 =	vld.idx.msk [tilespmem:v14+s24+$0x0], $0xffff  }
0x1a7: {  	v15 =	vld [tilespmem:s29+$0x10];
	_ =	sdelay $0x2  }
0x1a8: {  	v16 =	vor.u32 $0x1, v14  }
0x1a9: {  	v13 =	vmul.f32 v13, v12  }
0x1aa: {  	v12 =	vmul.f32 v15, v12  }
0x1ab: {  	[tilespmem:s29+$0x0] =	vst v13  }
0x1ac: {  	[tilespmem:s29+$0x10] =	vst v12;
	v13 =	vld [tilespmem:s29+$0x20]  }
0x1ad: {  	v12 =	vld.idx.msk [tilespmem:v16+s24+$0x0], $0xffff  }
0x1ae: {  	v15 =	vld [tilespmem:s29+$0x30];
	_ =	sdelay $0x2  }
0x1af: {  	v16 =	vor.u32 $0x2, v14  }
0x1b0: {  	v13 =	vmul.f32 v13, v12  }
0x1b1: {  	v12 =	vmul.f32 v15, v12  }
0x1b2: {  	[tilespmem:s29+$0x20] =	vst v13  }
0x1b3: {  	[tilespmem:s29+$0x30] =	vst v12;
	v13 =	vld [tilespmem:s29+$0x40]  }
0x1b4: {  	v12 =	vld.idx.msk [tilespmem:v16+s24+$0x0], $0xffff  }
0x1b5: {  	v15 =	vld [tilespmem:s29+$0x50];
	_ =	sdelay $0x2  }
0x1b6: {  	v14 =	vor.u32 $0x3, v14  }
0x1b7: {  	v13 =	vmul.f32 v13, v12  }
0x1b8: {  	v12 =	vmul.f32 v15, v12  }
0x1b9: {  	[tilespmem:s29+$0x40] =	vst v13  }
0x1ba: {  	[tilespmem:s29+$0x50] =	vst v12;
	v13 =	vld [tilespmem:s29+$0x60]  }
0x1bb: {  	v12 =	vld.idx.msk [tilespmem:v14+s24+$0x0], $0xffff  }
0x1bc: {  	v14 =	vld [tilespmem:s29+$0x70];
	_ =	sdelay $0x1  }
0x1bd: {  	s3 =	simm.s32 $0x180  }
0x1be: {  	v15 =	vmov s3  }
0x1bf: {  	v13 =	vmul.f32 v13, v12  }
0x1c0: {  	v12 =	vmul.f32 v14, v12  }
0x1c1: {  	[tilespmem:s29+$0x60] =	vst v13  }
0x1c2: {  	[tilespmem:s29+$0x70] =	vst v12;
	v13 =	vld [tilespmem:s29+$0x80]  }
0x1c3: {  	v12 =	vld.idx.msk [tilespmem:v15+s24+$0x0], $0xffff  }
0x1c4: {  	v14 =	vld [tilespmem:s29+$0x90];
	_ =	sdelay $0x2  }
0x1c5: {  	v16 =	vor.u32 $0x1, v15  }
0x1c6: {  	v13 =	vmul.f32 v13, v12  }
0x1c7: {  	v12 =	vmul.f32 v14, v12  }
0x1c8: {  	[tilespmem:s29+$0x80] =	vst v13  }
0x1c9: {  	[tilespmem:s29+$0x90] =	vst v12;
	v13 =	vld [tilespmem:s29+$0xA0]  }
0x1ca: {  	v12 =	vld.idx.msk [tilespmem:v16+s24+$0x0], $0xffff  }
0x1cb: {  	v14 =	vld [tilespmem:s29+$0xB0];
	_ =	sdelay $0x2  }
0x1cc: {  	v16 =	vor.u32 $0x2, v15  }
0x1cd: {  	v13 =	vmul.f32 v13, v12  }
0x1ce: {  	v12 =	vmul.f32 v14, v12  }
0x1cf: {  	[tilespmem:s29+$0xA0] =	vst v13;
	v13 =	vld [tilespmem:s29+$0xC0]  }
0x1d0: {  	[tilespmem:s29+$0xB0] =	vst v12;
	v12 =	vor.u32 $0x3, v15;
	v15 =	vld [tilespmem:s29+$0xD0]  }
0x1d1: {  	s31 =	simm.s32 $0x4;
	s30 =	simm.s32 $0x200;
	v14 =	vld.idx.msk [tilespmem:v16+s24+$0x0], $0xffff  }
.LBB2_5:
0x1d2: {  	p0 =	slt.u32 s31, $0x3C  }
0x1d3: {  	s29 =	sadd.s32 $0x200, s29;
	s0 =	smov.u32 s31;
	s31 =	sadd.s32 $0x4, s31  }
0x1d4: {  	_ =	sdelay $0x1  }
0x1d5: {  	v13 =	vmul.f32 v13, v14;
	v14 =	vmul.f32 v15, v14;
	_ =	sdelay $0x1  }
0x1d6: {  	[tilespmem:s30+$0xC0] =	vst v13  }
0x1d7: {  	[tilespmem:s30+$0xD0] =	vst v14;
	v13 =	vld [tilespmem:s30+$0xE0]  }
0x1d8: {  	v12 =	vld.idx.msk [tilespmem:v12+s24+$0x0], $0xffff  }
0x1d9: {  	v14 =	vld [tilespmem:s30+$0xF0];
	_ =	sdelay $0x2  }
0x1da: {  	s0 =	sshll.u32 s0, $0x7  }
0x1db: {  	s1 =	sadd.s32 $0x80, s0;
	s3 =	sadd.s32 $0x100, s0;
	v15 =	vmov s0;
	s0 =	sadd.s32 $0x180, s0  }
0x1dc: {  	v13 =	vmul.f32 v13, v12;
	v12 =	vmul.f32 v14, v12;
	_ =	sdelay $0x1  }
0x1dd: {  	[tilespmem:s30+$0xE0] =	vst v13  }
0x1de: {  	v13 =	vld [tilespmem:s29+$0xFFFFFF10];
	[tilespmem:s30+$0xF0] =	vst v12;
	s30 =	smov.u32 s29  }
0x1df: {  	v12 =	vld.idx.msk [tilespmem:v15+s24+$0x0], $0xffff  }
0x1e0: {  	v14 =	vld [tilespmem:s29+$0xFFFFFF00];
	_ =	sdelay $0x2  }
0x1e1: {  	v16 =	vor.u32 $0x1, v15;
	_ =	sdelay $0x1  }
0x1e2: {  	v14 =	vmul.f32 v14, v12;
	v12 =	vmul.f32 v13, v12;
	_ =	sdelay $0x1  }
0x1e3: {  	[tilespmem:s29+$0xFFFFFF00] =	vst v14  }
0x1e4: {  	[tilespmem:s29+$0xFFFFFF10] =	vst v12;
	v12 =	vld [tilespmem:s29+$0xFFFFFF30]  }
0x1e5: {  	v13 =	vld.idx.msk [tilespmem:v16+s24+$0x0], $0xffff  }
0x1e6: {  	v14 =	vld [tilespmem:s29+$0xFFFFFF20];
	_ =	sdelay $0x1  }
0x1e7: {  	v16 =	vor.u32 $0x2, v15;
	_ =	sdelay $0x2  }
0x1e8: {  	v12 =	vmul.f32 v12, v13;
	v14 =	vmul.f32 v14, v13;
	_ =	sdelay $0x1  }
0x1e9: {  	[tilespmem:s29+$0xFFFFFF20] =	vst v14  }
0x1ea: {  	[tilespmem:s29+$0xFFFFFF30] =	vst v12;
	v12 =	vld [tilespmem:s29+$0xFFFFFF50]  }
0x1eb: {  	v13 =	vld.idx.msk [tilespmem:v16+s24+$0x0], $0xffff  }
0x1ec: {  	v14 =	vld [tilespmem:s29+$0xFFFFFF40]  }
0x1ed: {  	v15 =	vor.u32 $0x3, v15;
	_ =	sdelay $0x3  }
0x1ee: {  	v12 =	vmul.f32 v12, v13;
	v14 =	vmul.f32 v14, v13;
	_ =	sdelay $0x1  }
0x1ef: {  	[tilespmem:s29+$0xFFFFFF40] =	vst v14  }
0x1f0: {  	[tilespmem:s29+$0xFFFFFF50] =	vst v12;
	v12 =	vld [tilespmem:s29+$0xFFFFFF70]  }
0x1f1: {  	v13 =	vld.idx.msk [tilespmem:v15+s24+$0x0], $0xffff  }
0x1f2: {  	v15 =	vmov s1;
	v14 =	vld [tilespmem:s29+$0xFFFFFF60];
	_ =	sdelay $0x4  }
0x1f3: {  	v12 =	vmul.f32 v12, v13;
	v14 =	vmul.f32 v14, v13;
	_ =	sdelay $0x1  }
0x1f4: {  	[tilespmem:s29+$0xFFFFFF60] =	vst v14  }
0x1f5: {  	[tilespmem:s29+$0xFFFFFF70] =	vst v12;
	v12 =	vld [tilespmem:s29+$0xFFFFFF90]  }
0x1f6: {  	v14 =	vor.u32 $0x1, v15;
	v13 =	vld.idx.msk [tilespmem:v15+s24+$0x0], $0xffff  }
0x1f7: {  	v16 =	vld [tilespmem:s29+$0xFFFFFF80];
	_ =	sdelay $0x4  }
0x1f8: {  	v12 =	vmul.f32 v12, v13;
	v16 =	vmul.f32 v16, v13;
	_ =	sdelay $0x1  }
0x1f9: {  	[tilespmem:s29+$0xFFFFFF80] =	vst v16  }
0x1fa: {  	v13 =	vor.u32 $0x2, v15;
	[tilespmem:s29+$0xFFFFFF90] =	vst v12;
	v12 =	vld [tilespmem:s29+$0xFFFFFFB0]  }
0x1fb: {  	v14 =	vld.idx.msk [tilespmem:v14+s24+$0x0], $0xffff  }
0x1fc: {  	v16 =	vld [tilespmem:s29+$0xFFFFFFA0];
	_ =	sdelay $0x4  }
0x1fd: {  	v12 =	vmul.f32 v12, v14;
	v16 =	vmul.f32 v16, v14;
	_ =	sdelay $0x1  }
0x1fe: {  	v14 =	vor.u32 $0x3, v15;
	[tilespmem:s29+$0xFFFFFFA0] =	vst v16  }
0x1ff: {  	[tilespmem:s29+$0xFFFFFFB0] =	vst v12;
	v12 =	vld [tilespmem:s29+$0xFFFFFFD0]  }
0x200: {  	v13 =	vld.idx.msk [tilespmem:v13+s24+$0x0], $0xffff  }
0x201: {  	v15 =	vld [tilespmem:s29+$0xFFFFFFC0];
	_ =	sdelay $0x2  }
0x202: {  	v16 =	vld [tilespmem:s29+$0xFFFFFFF0];
	_ =	sdelay $0x1  }
0x203: {  	v12 =	vmul.f32 v12, v13;
	v15 =	vmul.f32 v15, v13  }
0x204: {  	v13 =	vmov s3  }
0x205: {  	[tilespmem:s29+$0xFFFFFFC0] =	vst v15  }
0x206: {  	[tilespmem:s29+$0xFFFFFFD0] =	vst v12  }
0x207: {  	v12 =	vld.idx.msk [tilespmem:v14+s24+$0x0], $0xffff  }
0x208: {  	v14 =	vld [tilespmem:s29+$0xFFFFFFE0];
	_ =	sdelay $0x4  }
0x209: {  	v15 =	vor.u32 $0x1, v13;
	v14 =	vmul.f32 v14, v12;
	v12 =	vmul.f32 v16, v12;
	_ =	sdelay $0x1  }
0x20a: {  	[tilespmem:s29+$0xFFFFFFE0] =	vst v14  }
0x20b: {  	[tilespmem:s29+$0xFFFFFFF0] =	vst v12;
	v12 =	vld [tilespmem:s29+$0x10]  }
0x20c: {  	v14 =	vld.idx.msk [tilespmem:v13+s24+$0x0], $0xffff  }
0x20d: {  	v16 =	vld [tilespmem:s29+$0x0];
	_ =	sdelay $0x3  }
0x20e: {  	v17 =	vor.u32 $0x2, v13  }
0x20f: {  	v12 =	vmul.f32 v12, v14;
	v16 =	vmul.f32 v16, v14;
	_ =	sdelay $0x1  }
0x210: {  	[tilespmem:s29+$0x0] =	vst v16  }
0x211: {  	[tilespmem:s29+$0x10] =	vst v12;
	v12 =	vld [tilespmem:s29+$0x30]  }
0x212: {  	v14 =	vld.idx.msk [tilespmem:v15+s24+$0x0], $0xffff  }
0x213: {  	v15 =	vld [tilespmem:s29+$0x20];
	_ =	sdelay $0x2  }
0x214: {  	v13 =	vor.u32 $0x3, v13;
	_ =	sdelay $0x1  }
0x215: {  	v12 =	vmul.f32 v12, v14;
	v15 =	vmul.f32 v15, v14;
	_ =	sdelay $0x1  }
0x216: {  	[tilespmem:s29+$0x20] =	vst v15  }
0x217: {  	[tilespmem:s29+$0x30] =	vst v12;
	v12 =	vld [tilespmem:s29+$0x50]  }
0x218: {  	v14 =	vld.idx.msk [tilespmem:v17+s24+$0x0], $0xffff  }
0x219: {  	v15 =	vld [tilespmem:s29+$0x40];
	_ =	sdelay $0x1  }
0x21a: {  	v16 =	vmov s0;
	_ =	sdelay $0x2  }
0x21b: {  	v12 =	vmul.f32 v12, v14;
	v15 =	vmul.f32 v15, v14;
	_ =	sdelay $0x1  }
0x21c: {  	[tilespmem:s29+$0x40] =	vst v15  }
0x21d: {  	[tilespmem:s29+$0x50] =	vst v12;
	v12 =	vld [tilespmem:s29+$0x70]  }
0x21e: {  	v13 =	vld.idx.msk [tilespmem:v13+s24+$0x0], $0xffff  }
0x21f: {  	v14 =	vld [tilespmem:s29+$0x60]  }
0x220: {  	v15 =	vor.u32 $0x1, v16;
	_ =	sdelay $0x3  }
0x221: {  	v12 =	vmul.f32 v12, v13;
	v14 =	vmul.f32 v14, v13;
	_ =	sdelay $0x1  }
0x222: {  	[tilespmem:s29+$0x60] =	vst v14  }
0x223: {  	[tilespmem:s29+$0x70] =	vst v12;
	v12 =	vld [tilespmem:s29+$0x90]  }
0x224: {  	v13 =	vld.idx.msk [tilespmem:v16+s24+$0x0], $0xffff  }
0x225: {  	v17 =	vor.u32 $0x2, v16;
	v14 =	vld [tilespmem:s29+$0x80];
	_ =	sdelay $0x4  }
0x226: {  	v12 =	vmul.f32 v12, v13;
	v14 =	vmul.f32 v14, v13;
	_ =	sdelay $0x1  }
0x227: {  	[tilespmem:s29+$0x80] =	vst v14  }
0x228: {  	[tilespmem:s29+$0x90] =	vst v12;
	v13 =	vld [tilespmem:s29+$0xB0]  }
0x229: {  	v12 =	vor.u32 $0x3, v16;
	v14 =	vld.idx.msk [tilespmem:v15+s24+$0x0], $0xffff  }
0x22a: {  	v15 =	vld [tilespmem:s29+$0xA0];
	_ =	sdelay $0x4  }
0x22b: {  	v13 =	vmul.f32 v13, v14;
	v15 =	vmul.f32 v15, v14  }
.Ltmp1:
0x22c: {  	(pc) =	sbr.rel @p0 .LBB2_5-.Ltmp1, $4  }
0x22d: {  	[tilespmem:s29+$0xA0] =	vst v15  }
0x22e: {  	[tilespmem:s29+$0xB0] =	vst v13;
	v13 =	vld [tilespmem:s29+$0xC0]  }
0x22f: {  	v14 =	vld.idx.msk [tilespmem:v17+s24+$0x0], $0xffff  }
0x230: {  	v15 =	vld [tilespmem:s29+$0xD0]  }
0x231: {  	_ =	sdelay $0x2  }
0x232: {  	v13 =	vmul.f32 v13, v14  }
0x233: {  	v61 =	vmul.f32 v15, v14  }
0x234: {  	[tilespmem:s30+$0xC0] =	vst v13  }
0x235: {  	v62 =	vld [tilespmem:s30+$0xE0];
	[tilespmem:s30+$0xD0] =	vst v61  }
0x236: {  	v12 =	vld.idx.msk [tilespmem:v12+s24+$0x0], $0xffff  }
0x237: {  	v63 =	vld [tilespmem:s30+$0xF0];
	_ =	sdelay $0x3  }
0x238: {  	v13 =	vmul.f32 v62, v12  }
0x239: {  	v12 =	vmul.f32 v63, v12  }
0x23a: {  	[tilespmem:s30+$0xE0] =	vst v13  }
0x23b: {  	[tilespmem:s30+$0xF0] =	vst v12  }
0x23c: {  	[spmem:s4] =	stream.indirect.scatter.add.f32 [tilespmem:s24], [sflag:$0x1], $0x4, s20, s25, $0xb8;
	[tilespmem:$0x1B100] =	vst v63  }
0x23d: {  	s28 =	sadd.s32 $0x1, s28  }
0x23e: {  	[spmem:s5] =	stream.indirect.scatter.add.f32 [tilespmem:s21], [sflag:$0x1], $0x80, s20, s25, $0xb8;
	[tilespmem:$0x1B100] =	vst v63  }
0x23f: {  	p0 =	sne.s32 s28, $0xA2;
	_ =	swait.ge [sflag:s22], $0x100  }
.Ltmp2:
0x240: {  	[sflag:s22] =	ssyncset.done $0x0;
	(pc) =	sbr.rel @p0 .LBB2_2-.Ltmp2, $4  }
0x241: {  	[sflag:s22] =	ssyncadd.s32 $0xFFFFFF00  }
0x242: {  	_ =	swait.ge [sflag:s22], $0x2000  }
0x243: {  	[sflag:s22] =	ssyncset.done $0x0  }
0x244: {  	[sflag:s22] =	ssyncadd.s32 $0xFFFFE000  }
0x245: {  	[bflag:$0x0] =	sbarrier.arrive $0xFFFF  }
0x246: {  	[hbm:s13], [sflag:s11] =	dma.local [spmem:s16], $0x2800  }
0x247: {  	s26 =	sadd.s32 $0x1, s26;
	_ =	swait.ge [sflag:s17], $0x2800  }
0x248: {  	p0 =	sne.s32 s26, s15;
	[sflag:s17] =	ssyncset.done $0x0  }
.Ltmp3:
0x249: {  	[sflag:s17] =	ssyncadd.s32 $0xFFFFD800;
	(pc) =	sbr.rel @p0 .LBB2_1-.Ltmp3, $4  }
0x24a: {  	[hbm:s14], [sflag:s11] =	dma.local [spmem:s18], $0x2800  }
0x24b: {  	_ =	swait.ge [sflag:s17], $0x2800  }
0x24c: {  	[sflag:s17] =	ssyncset.done $0x0  }
0x24d: {  	[sflag:s17] =	ssyncadd.s32 $0xFFFFD800  }
0x24e: {  	_ =	sfence.sel $0x180000  }
0x24f: {  	[bflag:$0x0] =	sbarrier.arrive $0xFFFF  }
0x250: {  	_ =	strace $0x90000047  }
0x251: {  	s0 =	stileid.u32;
	[bflag:$0x2] =	sbarrier.arrive $0xFFFF  }
0x252: {  	p0 =	sne.s32 s0, $0x0;
	s0 =	rddreg [dreg:$0x5]  }
0x253: {  	s0 =	sadd.s32 @!p0 $0x100000, s0  }
0x254: {  	[sflag:s0] =	ssyncadd.tile.s32 @!p0 $0x1;
	_ =	shalt  }
.Lfunc_end2:
_tile_overlayer_lowered:
.L_overlay_start_2:
0x255: {  	(tag) =	ssettag $0x2  }
0x256: {  	s0 =	rddreg [dreg:$0x0];
	s2 =	stileid.u32  }
0x257: {  	s1 =	rddreg [dreg:$0x1];
	p0 =	sne.s32 s2, $0x0  }
0x258: {  	s3 =	rddreg [dreg:$0x2];
	[bflag:$0x3] =	sbarrier.arrive $0xFFFF;
	s2 =	simm.s32 @!p0 $0x1C02  }
0x259: {  	[timem:s3], [sflag:s2] =	dma.local @!p0 [hbm:s0], s1  }
0x25a: {  	s0 =	simm.s32 @!p0 $0x2  }
0x25b: {  	_ =	swait.ge @!p0 [sflag:s0], s1  }
0x25c: {  	s1 =	ssub.s32 @!p0 $0x0, s1;
	[sflag:s0] =	ssyncset.done @!p0 $0x0  }
0x25d: {  	[sflag:s0] =	ssyncadd.s32 @!p0 s1  }
0x25e: {  	[bflag:$0x3] =	sbarrier.arrive $0xFFFF  }
0x25f: {  	_ =	shalt  }

</sc_bundles>
